<compile_context>
chip_gen: v7x
topology: tpu7x:2x2x1
jax: 0.10.2.dev20260603
libtpu: 0.0.44.dev20260713+nightly
codegen_flags: <defaults>
</compile_context>

<pallas_src>
import functools
import math

import jax
import jax.numpy as jnp
from jax import lax
from jax.experimental import pallas as pl
from jax.experimental.pallas import tpu as pltpu
from jax.experimental.pallas import tpu_sc as plsc

B = 8192
D3 = 12
D2 = 4
M = 3
D_FEAT = 256
DEG = D3 + D2


def _adj(c):
    alpha = 0
    for i in range(c):
        alpha += (-1) ** i * math.comb(c, i) * (c - i) ** M
    return (c / alpha) / DEG


C3 = float(_adj(M) * math.factorial(M - 1))
C2 = float(_adj(2))

NC = 2
NS = 16
NW = NC * NS
ROWS_PER_T = 1 + D2 + D3 * (M - 1)
CHUNK_T = 4
CHUNK_I = CHUNK_T * ROWS_PER_T
CHUNK_P = 128
T_PER_W = B // NW
NITER = T_PER_W // CHUNK_T
NBUF = 2
LANES = 16


@functools.partial(
    pl.kernel,
    mesh=plsc.VectorSubcoreMesh(core_axis_name="c", subcore_axis_name="s"),
    out_type=jax.ShapeDtypeStruct((B, D_FEAT), jnp.float32),
    scratch_types=[
        pltpu.VMEM((NITER, CHUNK_P), jnp.int32),
        pltpu.VMEM((CHUNK_P, D_FEAT), jnp.float32),
        pltpu.VMEM((CHUNK_P, D_FEAT), jnp.float32),
        pltpu.VMEM((CHUNK_T, D_FEAT), jnp.float32),
        pltpu.VMEM((CHUNK_T, D_FEAT), jnp.float32),
        pltpu.SemaphoreType.DMA,
        pltpu.SemaphoreType.DMA,
        pltpu.SemaphoreType.DMA,
        pltpu.SemaphoreType.DMA,
    ],
)
def _sc_run(feat_hbm, idx_hbm, out_hbm, idx_v, rows0, rows1, out0, out1,
            sem0, sem1, osem0, osem1):
    cid = lax.axis_index("c")
    sid = lax.axis_index("s")
    wid = sid * NC + cid
    base_t = wid * T_PER_W

    pltpu.sync_copy(idx_hbm.at[wid], idx_v)

    bufs = (rows0, rows1)
    sems = (sem0, sem1)
    obufs = (out0, out1)
    osems = (osem0, osem1)

    def start(chunk, b):
        pltpu.async_copy(feat_hbm.at[idx_v.at[chunk]], bufs[b], sems[b])

    def wait(b):
        pltpu.make_async_copy(feat_hbm.at[idx_v.at[0]], bufs[b], sems[b]).wait()

    def owait(b):
        pltpu.make_async_copy(
            obufs[b], out_hbm.at[pl.ds(base_t, CHUNK_T)], osems[b]
        ).wait()

    def compute(rows, out_v):
        def col_body(j, carry2, rows=rows, out_v=out_v):
            sl = pl.ds(j * LANES, LANES)
            for t in range(CHUNK_T):
                r0 = t * ROWS_PER_T
                ft = rows[r0, sl]
                ft2 = ft + ft
                s2 = None
                for e in range(D2):
                    fo = rows[r0 + 1 + e, sl]
                    term = (ft2 + fo) * fo
                    s2 = term if s2 is None else s2 + term
                s3 = None
                for e in range(D3):
                    pa = rows[r0 + 1 + D2 + 2 * e, sl]
                    pb = rows[r0 + 2 + D2 + 2 * e, sl]
                    prod = pa * pb
                    s3 = prod if s3 is None else s3 + prod
                out_v[t, sl] = s2 * jnp.float32(C2) + s3 * jnp.float32(C3)
            return carry2

        lax.fori_loop(0, D_FEAT // LANES, col_body, 0)

    start(0, 0)
    start(1, 1)

    def outer(it, carry):
        for b in range(NBUF):
            chunk = it * NBUF + b

            @pl.when(chunk >= NBUF)
            def _():
                owait(b)

            wait(b)
            compute(bufs[b], obufs[b])
            pltpu.async_copy(
                obufs[b],
                out_hbm.at[pl.ds(base_t + chunk * CHUNK_T, CHUNK_T)],
                osems[b],
            )

            nxt = chunk + NBUF

            @pl.when(nxt < NITER)
            def _():
                start(nxt, b)

        return carry

    lax.fori_loop(0, NITER // NBUF, outer, 0)
    for b in range(NBUF):
        owait(b)


def kernel(target_nodes, features, edge3_others, edge2_others):
    idx = jnp.concatenate(
        [
            target_nodes[:, None],
            edge2_others,
            edge3_others.reshape(B, D3 * (M - 1)),
        ],
        axis=1,
    ).astype(jnp.int32)
    idx = idx.reshape(NW, NITER, CHUNK_I)
    idx = jnp.concatenate([idx, idx[:, :, : CHUNK_P - CHUNK_I]], axis=-1)
    return _sc_run(features, idx)

# --- scband reference (transcript-rebuilt; emitter-appended) ---
"""Pipeline reference for scband-tmessage-passing-12128987644196 (READ-ONLY COPY).

The authoritative reference and input builder live on the scoring server;
editing this copy changes nothing except your own understanding.
"""

import jax, jax.numpy as jnp
import numpy as np
import math

N = 50000       # number of nodes
B = 8192        # number of target nodes in the batch
D3 = 12         # hyperedges of cardinality M per target node
D2 = 4          # hyperedges of cardinality 2 per target node
M = 3           # maximum hyperedge cardinality
D_FEAT = 256
DEG = D3 + D2   # degree of every target node (fixed-degree hypergraph)


def _adj_coef(c):
    # faithful translation of TMessagePassing.adj_coef for fixed degree DEG
    alpha = 0
    for i in range(c):
        alpha += (-1) ** i * math.comb(c, i) * (c - i) ** M
    a = c / alpha
    return a / DEG


def setup_inputs(seed: int = 0) -> dict:
    key = jax.random.key(seed)
    k1, k2, k3, k4 = jax.random.split(key, 4)
    features = jax.random.normal(k1, (N, D_FEAT), dtype=jnp.float32)
    target_nodes = jax.random.randint(k2, (B,), 0, N, dtype=jnp.int32)
    edge3_others = jax.random.randint(k3, (B, D3, M - 1), 0, N, dtype=jnp.int32)
    edge2_others = jax.random.randint(k4, (B, D2), 0, N, dtype=jnp.int32)
    return {
        "target_nodes": target_nodes,
        "features": features,
        "edge3_others": edge3_others,
        "edge2_others": edge2_others,
    }


def reference(target_nodes, features, edge3_others, edge2_others):
    # --- edges with cardinality == M (aggregate_with_M) ---
    # per edge: adj_coef(M) * (M-1)! * prod_{u in edge \ {t}} feat[u]
    num_perms3 = float(math.factorial(M - 1))
    coef3 = _adj_coef(M)
    f3 = features[edge3_others]                 # [B, D3, M-1, d]  (gather)
    prod3 = jnp.prod(f3, axis=2)                # [B, D3, d]
    sum3 = (coef3 * num_perms3) * jnp.sum(prod3, axis=1)   # [B, d]

    # --- edges with cardinality 2 < M (aggregate_with_c, c=2, M=3) ---
    # valid multiset completions of edge {t, o} to size M=3: [t,t,o], [t,o,o]
    # after removing t: [t,o] (2 perms), [o,o] (1 perm)
    # agg = 2 * f_t * f_o + 1 * f_o * f_o ; scaled by adj_coef(2)
    coef2 = _adj_coef(2)
    f_t = features[target_nodes]                # [B, d]       (gather)
    f2 = features[edge2_others]                 # [B, D2, d]   (gather)
    agg2 = 2.0 * f_t[:, None, :] * f2 + f2 * f2  # [B, D2, d]
    sum2 = coef2 * jnp.sum(agg2, axis=1)        # [B, d]

    return sum3 + sum2

if __name__ == "__main__":
    import jax
    _d = setup_inputs()
    print(jax.jit(kernel)(*tuple(_d.values())))

</pallas_src>

<mosaic_0001>
#map = affine_map<(d0, d1) -> (0, 0)>
#map1 = affine_map<(d0, d1) -> (0, 0, 0)>
module attributes {stable_mosaic.version = 14 : i64} {
  func.func @_sc_run(%arg0: i32, %arg1: i32, %arg2: memref<50000x256xf32, #tpu.memory_space<hbm>>, %arg3: memref<32x64x128xi32, #tpu.memory_space<hbm>>, %arg4: memref<8192x256xf32, #tpu.memory_space<hbm>>, %arg5: memref<64x128xi32, #tpu.memory_space<vmem>>, %arg6: memref<128x256xf32, #tpu.memory_space<vmem>>, %arg7: memref<128x256xf32, #tpu.memory_space<vmem>>, %arg8: memref<4x256xf32, #tpu.memory_space<vmem>>, %arg9: memref<4x256xf32, #tpu.memory_space<vmem>>, %arg10: memref<!tpu.dma_semaphore, #tpu.memory_space<semaphore_mem>>, %arg11: memref<!tpu.dma_semaphore, #tpu.memory_space<semaphore_mem>>, %arg12: memref<!tpu.dma_semaphore, #tpu.memory_space<semaphore_mem>>, %arg13: memref<!tpu.dma_semaphore, #tpu.memory_space<semaphore_mem>>) attributes {dimension_semantics = [#tpu.dimension_semantics<core_parallel>, #tpu.dimension_semantics<subcore_parallel>], iteration_bounds = array<i64: 2, 16>, scalar_prefetch = 0 : i64, scratch_operands = 9 : i64, tpu.core_type = #tpu.core_type<sc_vector_subcore>, window_params = [{transform_indices = #map}, {transform_indices = #map1}, {transform_indices = #map}]} {
    %mul3A = arith.constant 2 : i32
    %mul3A_0 = arith.muli %arg1, %mul3A : i32
    %add3A = arith.addi %mul3A_0, %arg0 : i32
    %mul3A_1 = arith.constant 256 : i32
    %mul3A_2 = arith.muli %add3A, %mul3A_1 : i32
    "tpu.region"() ({
      %run_scoped3A = tpu.sem_alloc : memref<!tpu.dma_semaphore, #tpu.memory_space<semaphore_mem>>
      %dma_start3A_28 = arith.constant 0 : i32
      %dma_start3A_29 = arith.constant 0 : i32
      %dma_start3A_30 = tpu.memref_slice %arg3[%add3A, %dma_start3A_28, %dma_start3A_29] : memref<32x64x128xi32, #tpu.memory_space<hbm>> -> memref<1x64x128xi32, #tpu.memory_space<hbm>>
      %dma_start3A_31 = tpu.memref_squeeze %dma_start3A_30 : memref<1x64x128xi32, #tpu.memory_space<hbm>> -> memref<64x128xi32, #tpu.memory_space<hbm>>
      %dma_start3A_32 = arith.constant 0 : i32
      %dma_start3A_33 = arith.constant 0 : i32
      %dma_start3A_34 = tpu.memref_slice %arg3[%add3A, %dma_start3A_32, %dma_start3A_33] : memref<32x64x128xi32, #tpu.memory_space<hbm>> -> memref<1x64x128xi32, #tpu.memory_space<hbm>>
      %dma_start3A_35 = tpu.memref_squeeze %dma_start3A_34 : memref<1x64x128xi32, #tpu.memory_space<hbm>> -> memref<64x128xi32, #tpu.memory_space<hbm>>
      tpu.enqueue_dma source(%dma_start3A_35 : memref<64x128xi32, #tpu.memory_space<hbm>>) target(%arg5 : memref<64x128xi32, #tpu.memory_space<vmem>>) target_semaphore(%run_scoped3A : memref<!tpu.dma_semaphore, #tpu.memory_space<semaphore_mem>>)
      %dma_wait3A_36 = arith.constant 0 : i32
      %dma_wait3A_37 = arith.constant 0 : i32
      %dma_wait3A_38 = tpu.memref_slice %arg3[%add3A, %dma_wait3A_36, %dma_wait3A_37] : memref<32x64x128xi32, #tpu.memory_space<hbm>> -> memref<1x64x128xi32, #tpu.memory_space<hbm>>
      %dma_wait3A_39 = tpu.memref_squeeze %dma_wait3A_38 : memref<1x64x128xi32, #tpu.memory_space<hbm>> -> memref<64x128xi32, #tpu.memory_space<hbm>>
      %dma_wait3A_40 = arith.constant 0 : i32
      %dma_wait3A_41 = arith.constant 0 : i32
      %dma_wait3A_42 = tpu.memref_slice %arg3[%add3A, %dma_wait3A_40, %dma_wait3A_41] : memref<32x64x128xi32, #tpu.memory_space<hbm>> -> memref<1x64x128xi32, #tpu.memory_space<hbm>>
      %dma_wait3A_43 = tpu.memref_squeeze %dma_wait3A_42 : memref<1x64x128xi32, #tpu.memory_space<hbm>> -> memref<64x128xi32, #tpu.memory_space<hbm>>
      tpu.wait_dma2 semaphore(%run_scoped3A : memref<!tpu.dma_semaphore, #tpu.memory_space<semaphore_mem>>) src(%dma_wait3A_43 : memref<64x128xi32, #tpu.memory_space<hbm>>) dst(%arg5 : memref<64x128xi32, #tpu.memory_space<vmem>>)
      tpu.yield
    }) : () -> ()
    %dma_start3A = arith.constant 0 : i32
    %dma_start3A_3 = arith.constant 0 : i32
    %dma_start3A_4 = tpu.memref_slice %arg5[%dma_start3A, %dma_start3A_3] : memref<64x128xi32, #tpu.memory_space<vmem>> -> memref<1x128xi32, #tpu.memory_space<vmem>>
    %dma_start3A_5 = tpu.memref_squeeze %dma_start3A_4 : memref<1x128xi32, #tpu.memory_space<vmem>> -> memref<128xi32, #tpu.memory_space<vmem>>
    %dma_start3A_6 = arith.constant 0 : i32
    %dma_start3A_7 = arith.constant 0 : i32
    %dma_start3A_8 = tpu.memref_slice %arg2[%dma_start3A_6, %dma_start3A_7] : memref<50000x256xf32, #tpu.memory_space<hbm>> -> memref<50000x256xf32, #tpu.memory_space<hbm>>
    tpu.enqueue_indirect_dma source(%dma_start3A_8 : memref<50000x256xf32, #tpu.memory_space<hbm>>) target(%arg6 : memref<128x256xf32, #tpu.memory_space<vmem>>) offsets(%dma_start3A_5 : memref<128xi32, #tpu.memory_space<vmem>>) semaphore(%arg10 : memref<!tpu.dma_semaphore, #tpu.memory_space<semaphore_mem>>)
    %dma_start3A_9 = arith.constant 1 : i32
    %dma_start3A_10 = arith.constant 0 : i32
    %dma_start3A_11 = tpu.memref_slice %arg5[%dma_start3A_9, %dma_start3A_10] : memref<64x128xi32, #tpu.memory_space<vmem>> -> memref<1x128xi32, #tpu.memory_space<vmem>>
    %dma_start3A_12 = tpu.memref_squeeze %dma_start3A_11 : memref<1x128xi32, #tpu.memory_space<vmem>> -> memref<128xi32, #tpu.memory_space<vmem>>
    %dma_start3A_13 = arith.constant 0 : i32
    %dma_start3A_14 = arith.constant 0 : i32
    %dma_start3A_15 = tpu.memref_slice %arg2[%dma_start3A_13, %dma_start3A_14] : memref<50000x256xf32, #tpu.memory_space<hbm>> -> memref<50000x256xf32, #tpu.memory_space<hbm>>
    tpu.enqueue_indirect_dma source(%dma_start3A_15 : memref<50000x256xf32, #tpu.memory_space<hbm>>) target(%arg7 : memref<128x256xf32, #tpu.memory_space<vmem>>) offsets(%dma_start3A_12 : memref<128xi32, #tpu.memory_space<vmem>>) semaphore(%arg11 : memref<!tpu.dma_semaphore, #tpu.memory_space<semaphore_mem>>)
    %scan3A = arith.constant 0 : i32
    %scan3A_16 = arith.constant 0 : i32
    %scan3A_17 = arith.constant 32 : i32
    %scan3A_18 = arith.addi %scan3A_16, %scan3A_17 : i32
    %scan3A_19 = arith.constant 1 : i32
    scf.for %scan3A_28 = %scan3A_16 to %scan3A_18 step %scan3A_19  : i32 {
      %mul3A_29 = arith.constant 2 : i32
      %mul3A_30 = arith.muli %scan3A_28, %mul3A_29 : i32
      %add3A_31 = arith.constant 0 : i32
      %add3A_32 = arith.addi %mul3A_30, %add3A_31 : i32
      %ge3A = arith.constant 2 : i32
      %ge3A_33 = arith.cmpi sge, %add3A_32, %ge3A : i32
      %convert_element_type3A = arith.extui %ge3A_33 : i1 to i32
      %cond3A = arith.constant 0 : i32
      %cond3A_34 = arith.cmpi ne, %convert_element_type3A, %cond3A : i32
      scf.if %cond3A_34 {
        %dma_wait3A_97 = arith.constant 0 : i32
        %dma_wait3A_98 = tpu.memref_slice %arg4[%mul3A_2, %dma_wait3A_97] : memref<8192x256xf32, #tpu.memory_space<hbm>> -> memref<4x256xf32, #tpu.memory_space<hbm>>
        %dma_wait3A_99 = arith.constant 0 : i32
        %dma_wait3A_100 = tpu.memref_slice %arg4[%mul3A_2, %dma_wait3A_99] : memref<8192x256xf32, #tpu.memory_space<hbm>> -> memref<4x256xf32, #tpu.memory_space<hbm>>
        tpu.wait_dma2 semaphore(%arg12 : memref<!tpu.dma_semaphore, #tpu.memory_space<semaphore_mem>>) src(%arg8 : memref<4x256xf32, #tpu.memory_space<vmem>>) dst(%dma_wait3A_100 : memref<4x256xf32, #tpu.memory_space<hbm>>)
      } else {
      }
      %dma_wait3A_35 = arith.constant 0 : i32
      %dma_wait3A_36 = arith.constant 0 : i32
      %dma_wait3A_37 = tpu.memref_slice %arg5[%dma_wait3A_35, %dma_wait3A_36] : memref<64x128xi32, #tpu.memory_space<vmem>> -> memref<1x128xi32, #tpu.memory_space<vmem>>
      %dma_wait3A_38 = tpu.memref_squeeze %dma_wait3A_37 : memref<1x128xi32, #tpu.memory_space<vmem>> -> memref<128xi32, #tpu.memory_space<vmem>>
      %dma_wait3A_39 = arith.constant 0 : i32
      %dma_wait3A_40 = arith.constant 0 : i32
      %dma_wait3A_41 = tpu.memref_slice %arg2[%dma_wait3A_39, %dma_wait3A_40] : memref<50000x256xf32, #tpu.memory_space<hbm>> -> memref<50000x256xf32, #tpu.memory_space<hbm>>
      tpu.wait_indirect_dma semaphore(%arg10 : memref<!tpu.dma_semaphore, #tpu.memory_space<semaphore_mem>>) src(%dma_wait3A_41 : memref<50000x256xf32, #tpu.memory_space<hbm>>) dst(%arg6 : memref<128x256xf32, #tpu.memory_space<vmem>>)
      %scan3A_42 = arith.constant 0 : i32
      %scan3A_43 = arith.constant 0 : i32
      %scan3A_44 = arith.constant 16 : i32
      %scan3A_45 = arith.addi %scan3A_43, %scan3A_44 : i32
      %scan3A_46 = arith.constant 1 : i32
      scf.for %scan3A_97 = %scan3A_43 to %scan3A_45 step %scan3A_46  : i32 {
        %mul3A_98 = arith.constant 16 : i32
        %mul3A_99 = arith.muli %scan3A_97, %mul3A_98 : i32
        %get3A = arith.constant 0 : i32
        %get3A_100 = arith.index_cast %get3A : i32 to index
        %get3A_101 = arith.index_cast %mul3A_99 : i32 to index
        %get3A_102 = tpu.vector_load %arg6[%get3A_100, %get3A_101] {strides = array<i32>} : memref<128x256xf32, #tpu.memory_space<vmem>>, vector<1x16xf32>,
        %get3A_103 = vector.shape_cast %get3A_102 : vector<1x16xf32> to vector<16xf32>
        %add3A_104 = arith.addf %get3A_103, %get3A_103 : vector<16xf32>
        %get3A_105 = arith.constant 1 : i32
        %get3A_106 = arith.index_cast %get3A_105 : i32 to index
        %get3A_107 = arith.index_cast %mul3A_99 : i32 to index
        %get3A_108 = tpu.vector_load %arg6[%get3A_106, %get3A_107] {strides = array<i32>} : memref<128x256xf32, #tpu.memory_space<vmem>>, vector<1x16xf32>,
        %get3A_109 = vector.shape_cast %get3A_108 : vector<1x16xf32> to vector<16xf32>
        %add3A_110 = arith.addf %add3A_104, %get3A_109 : vector<16xf32>
        %mul3A_111 = arith.mulf %add3A_110, %get3A_109 : vector<16xf32>
        %get3A_112 = arith.constant 2 : i32
        %get3A_113 = arith.index_cast %get3A_112 : i32 to index
        %get3A_114 = arith.index_cast %mul3A_99 : i32 to index
        %get3A_115 = tpu.vector_load %arg6[%get3A_113, %get3A_114] {strides = array<i32>} : memref<128x256xf32, #tpu.memory_space<vmem>>, vector<1x16xf32>,
        %get3A_116 = vector.shape_cast %get3A_115 : vector<1x16xf32> to vector<16xf32>
        %add3A_117 = arith.addf %add3A_104, %get3A_116 : vector<16xf32>
        %mul3A_118 = arith.mulf %add3A_117, %get3A_116 : vector<16xf32>
        %add3A_119 = arith.addf %mul3A_111, %mul3A_118 : vector<16xf32>
        %get3A_120 = arith.constant 3 : i32
        %get3A_121 = arith.index_cast %get3A_120 : i32 to index
        %get3A_122 = arith.index_cast %mul3A_99 : i32 to index
        %get3A_123 = tpu.vector_load %arg6[%get3A_121, %get3A_122] {strides = array<i32>} : memref<128x256xf32, #tpu.memory_space<vmem>>, vector<1x16xf32>,
        %get3A_124 = vector.shape_cast %get3A_123 : vector<1x16xf32> to vector<16xf32>
        %add3A_125 = arith.addf %add3A_104, %get3A_124 : vector<16xf32>
        %mul3A_126 = arith.mulf %add3A_125, %get3A_124 : vector<16xf32>
        %add3A_127 = arith.addf %add3A_119, %mul3A_126 : vector<16xf32>
        %get3A_128 = arith.constant 4 : i32
        %get3A_129 = arith.index_cast %get3A_128 : i32 to index
        %get3A_130 = arith.index_cast %mul3A_99 : i32 to index
        %get3A_131 = tpu.vector_load %arg6[%get3A_129, %get3A_130] {strides = array<i32>} : memref<128x256xf32, #tpu.memory_space<vmem>>, vector<1x16xf32>,
        %get3A_132 = vector.shape_cast %get3A_131 : vector<1x16xf32> to vector<16xf32>
        %add3A_133 = arith.addf %add3A_104, %get3A_132 : vector<16xf32>
        %mul3A_134 = arith.mulf %add3A_133, %get3A_132 : vector<16xf32>
        %add3A_135 = arith.addf %add3A_127, %mul3A_134 : vector<16xf32>
        %get3A_136 = arith.constant 5 : i32
        %get3A_137 = arith.index_cast %get3A_136 : i32 to index
        %get3A_138 = arith.index_cast %mul3A_99 : i32 to index
        %get3A_139 = tpu.vector_load %arg6[%get3A_137, %get3A_138] {strides = array<i32>} : memref<128x256xf32, #tpu.memory_space<vmem>>, vector<1x16xf32>,
        %get3A_140 = vector.shape_cast %get3A_139 : vector<1x16xf32> to vector<16xf32>
        %get3A_141 = arith.constant 6 : i32
        %get3A_142 = arith.index_cast %get3A_141 : i32 to index
        %get3A_143 = arith.index_cast %mul3A_99 : i32 to index
        %get3A_144 = tpu.vector_load %arg6[%get3A_142, %get3A_143] {strides = array<i32>} : memref<128x256xf32, #tpu.memory_space<vmem>>, vector<1x16xf32>,
        %get3A_145 = vector.shape_cast %get3A_144 : vector<1x16xf32> to vector<16xf32>
        %mul3A_146 = arith.mulf %get3A_140, %get3A_145 : vector<16xf32>
        %get3A_147 = arith.constant 7 : i32
        %get3A_148 = arith.index_cast %get3A_147 : i32 to index
        %get3A_149 = arith.index_cast %mul3A_99 : i32 to index
        %get3A_150 = tpu.vector_load %arg6[%get3A_148, %get3A_149] {strides = array<i32>} : memref<128x256xf32, #tpu.memory_space<vmem>>, vector<1x16xf32>,
        %get3A_151 = vector.shape_cast %get3A_150 : vector<1x16xf32> to vector<16xf32>
        %get3A_152 = arith.constant 8 : i32
        %get3A_153 = arith.index_cast %get3A_152 : i32 to index
        %get3A_154 = arith.index_cast %mul3A_99 : i32 to index
        %get3A_155 = tpu.vector_load %arg6[%get3A_153, %get3A_154] {strides = array<i32>} : memref<128x256xf32, #tpu.memory_space<vmem>>, vector<1x16xf32>,
        %get3A_156 = vector.shape_cast %get3A_155 : vector<1x16xf32> to vector<16xf32>
        %mul3A_157 = arith.mulf %get3A_151, %get3A_156 : vector<16xf32>
        %add3A_158 = arith.addf %mul3A_146, %mul3A_157 : vector<16xf32>
        %get3A_159 = arith.constant 9 : i32
        %get3A_160 = arith.index_cast %get3A_159 : i32 to index
        %get3A_161 = arith.index_cast %mul3A_99 : i32 to index
        %get3A_162 = tpu.vector_load %arg6[%get3A_160, %get3A_161] {strides = array<i32>} : memref<128x256xf32, #tpu.memory_space<vmem>>, vector<1x16xf32>,
        %get3A_163 = vector.shape_cast %get3A_162 : vector<1x16xf32> to vector<16xf32>
        %get3A_164 = arith.constant 10 : i32
        %get3A_165 = arith.index_cast %get3A_164 : i32 to index
        %get3A_166 = arith.index_cast %mul3A_99 : i32 to index
        %get3A_167 = tpu.vector_load %arg6[%get3A_165, %get3A_166] {strides = array<i32>} : memref<128x256xf32, #tpu.memory_space<vmem>>, vector<1x16xf32>,
        %get3A_168 = vector.shape_cast %get3A_167 : vector<1x16xf32> to vector<16xf32>
        %mul3A_169 = arith.mulf %get3A_163, %get3A_168 : vector<16xf32>
        %add3A_170 = arith.addf %add3A_158, %mul3A_169 : vector<16xf32>
        %get3A_171 = arith.constant 11 : i32
        %get3A_172 = arith.index_cast %get3A_171 : i32 to index
        %get3A_173 = arith.index_cast %mul3A_99 : i32 to index
        %get3A_174 = tpu.vector_load %arg6[%get3A_172, %get3A_173] {strides = array<i32>} : memref<128x256xf32, #tpu.memory_space<vmem>>, vector<1x16xf32>,
        %get3A_175 = vector.shape_cast %get3A_174 : vector<1x16xf32> to vector<16xf32>
        %get3A_176 = arith.constant 12 : i32
        %get3A_177 = arith.index_cast %get3A_176 : i32 to index
        %get3A_178 = arith.index_cast %mul3A_99 : i32 to index
        %get3A_179 = tpu.vector_load %arg6[%get3A_177, %get3A_178] {strides = array<i32>} : memref<128x256xf32, #tpu.memory_space<vmem>>, vector<1x16xf32>,
        %get3A_180 = vector.shape_cast %get3A_179 : vector<1x16xf32> to vector<16xf32>
        %mul3A_181 = arith.mulf %get3A_175, %get3A_180 : vector<16xf32>
        %add3A_182 = arith.addf %add3A_170, %mul3A_181 : vector<16xf32>
        %get3A_183 = arith.constant 13 : i32
        %get3A_184 = arith.index_cast %get3A_183 : i32 to index
        %get3A_185 = arith.index_cast %mul3A_99 : i32 to index
        %get3A_186 = tpu.vector_load %arg6[%get3A_184, %get3A_185] {strides = array<i32>} : memref<128x256xf32, #tpu.memory_space<vmem>>, vector<1x16xf32>,
        %get3A_187 = vector.shape_cast %get3A_186 : vector<1x16xf32> to vector<16xf32>
        %get3A_188 = arith.constant 14 : i32
        %get3A_189 = arith.index_cast %get3A_188 : i32 to index
        %get3A_190 = arith.index_cast %mul3A_99 : i32 to index
        %get3A_191 = tpu.vector_load %arg6[%get3A_189, %get3A_190] {strides = array<i32>} : memref<128x256xf32, #tpu.memory_space<vmem>>, vector<1x16xf32>,
        %get3A_192 = vector.shape_cast %get3A_191 : vector<1x16xf32> to vector<16xf32>
        %mul3A_193 = arith.mulf %get3A_187, %get3A_192 : vector<16xf32>
        %add3A_194 = arith.addf %add3A_182, %mul3A_193 : vector<16xf32>
        %get3A_195 = arith.constant 15 : i32
        %get3A_196 = arith.index_cast %get3A_195 : i32 to index
        %get3A_197 = arith.index_cast %mul3A_99 : i32 to index
        %get3A_198 = tpu.vector_load %arg6[%get3A_196, %get3A_197] {strides = array<i32>} : memref<128x256xf32, #tpu.memory_space<vmem>>, vector<1x16xf32>,
        %get3A_199 = vector.shape_cast %get3A_198 : vector<1x16xf32> to vector<16xf32>
        %get3A_200 = arith.constant 16 : i32
        %get3A_201 = arith.index_cast %get3A_200 : i32 to index
        %get3A_202 = arith.index_cast %mul3A_99 : i32 to index
        %get3A_203 = tpu.vector_load %arg6[%get3A_201, %get3A_202] {strides = array<i32>} : memref<128x256xf32, #tpu.memory_space<vmem>>, vector<1x16xf32>,
        %get3A_204 = vector.shape_cast %get3A_203 : vector<1x16xf32> to vector<16xf32>
        %mul3A_205 = arith.mulf %get3A_199, %get3A_204 : vector<16xf32>
        %add3A_206 = arith.addf %add3A_194, %mul3A_205 : vector<16xf32>
        %get3A_207 = arith.constant 17 : i32
        %get3A_208 = arith.index_cast %get3A_207 : i32 to index
        %get3A_209 = arith.index_cast %mul3A_99 : i32 to index
        %get3A_210 = tpu.vector_load %arg6[%get3A_208, %get3A_209] {strides = array<i32>} : memref<128x256xf32, #tpu.memory_space<vmem>>, vector<1x16xf32>,
        %get3A_211 = vector.shape_cast %get3A_210 : vector<1x16xf32> to vector<16xf32>
        %get3A_212 = arith.constant 18 : i32
        %get3A_213 = arith.index_cast %get3A_212 : i32 to index
        %get3A_214 = arith.index_cast %mul3A_99 : i32 to index
        %get3A_215 = tpu.vector_load %arg6[%get3A_213, %get3A_214] {strides = array<i32>} : memref<128x256xf32, #tpu.memory_space<vmem>>, vector<1x16xf32>,
        %get3A_216 = vector.shape_cast %get3A_215 : vector<1x16xf32> to vector<16xf32>
        %mul3A_217 = arith.mulf %get3A_211, %get3A_216 : vector<16xf32>
        %add3A_218 = arith.addf %add3A_206, %mul3A_217 : vector<16xf32>
        %get3A_219 = arith.constant 19 : i32
        %get3A_220 = arith.index_cast %get3A_219 : i32 to index
        %get3A_221 = arith.index_cast %mul3A_99 : i32 to index
        %get3A_222 = tpu.vector_load %arg6[%get3A_220, %get3A_221] {strides = array<i32>} : memref<128x256xf32, #tpu.memory_space<vmem>>, vector<1x16xf32>,
        %get3A_223 = vector.shape_cast %get3A_222 : vector<1x16xf32> to vector<16xf32>
        %get3A_224 = arith.constant 20 : i32
        %get3A_225 = arith.index_cast %get3A_224 : i32 to index
        %get3A_226 = arith.index_cast %mul3A_99 : i32 to index
        %get3A_227 = tpu.vector_load %arg6[%get3A_225, %get3A_226] {strides = array<i32>} : memref<128x256xf32, #tpu.memory_space<vmem>>, vector<1x16xf32>,
        %get3A_228 = vector.shape_cast %get3A_227 : vector<1x16xf32> to vector<16xf32>
        %mul3A_229 = arith.mulf %get3A_223, %get3A_228 : vector<16xf32>
        %add3A_230 = arith.addf %add3A_218, %mul3A_229 : vector<16xf32>
        %get3A_231 = arith.constant 21 : i32
        %get3A_232 = arith.index_cast %get3A_231 : i32 to index
        %get3A_233 = arith.index_cast %mul3A_99 : i32 to index
        %get3A_234 = tpu.vector_load %arg6[%get3A_232, %get3A_233] {strides = array<i32>} : memref<128x256xf32, #tpu.memory_space<vmem>>, vector<1x16xf32>,
        %get3A_235 = vector.shape_cast %get3A_234 : vector<1x16xf32> to vector<16xf32>
        %get3A_236 = arith.constant 22 : i32
        %get3A_237 = arith.index_cast %get3A_236 : i32 to index
        %get3A_238 = arith.index_cast %mul3A_99 : i32 to index
        %get3A_239 = tpu.vector_load %arg6[%get3A_237, %get3A_238] {strides = array<i32>} : memref<128x256xf32, #tpu.memory_space<vmem>>, vector<1x16xf32>,
        %get3A_240 = vector.shape_cast %get3A_239 : vector<1x16xf32> to vector<16xf32>
        %mul3A_241 = arith.mulf %get3A_235, %get3A_240 : vector<16xf32>
        %add3A_242 = arith.addf %add3A_230, %mul3A_241 : vector<16xf32>
        %get3A_243 = arith.constant 23 : i32
        %get3A_244 = arith.index_cast %get3A_243 : i32 to index
        %get3A_245 = arith.index_cast %mul3A_99 : i32 to index
        %get3A_246 = tpu.vector_load %arg6[%get3A_244, %get3A_245] {strides = array<i32>} : memref<128x256xf32, #tpu.memory_space<vmem>>, vector<1x16xf32>,
        %get3A_247 = vector.shape_cast %get3A_246 : vector<1x16xf32> to vector<16xf32>
        %get3A_248 = arith.constant 24 : i32
        %get3A_249 = arith.index_cast %get3A_248 : i32 to index
        %get3A_250 = arith.index_cast %mul3A_99 : i32 to index
        %get3A_251 = tpu.vector_load %arg6[%get3A_249, %get3A_250] {strides = array<i32>} : memref<128x256xf32, #tpu.memory_space<vmem>>, vector<1x16xf32>,
        %get3A_252 = vector.shape_cast %get3A_251 : vector<1x16xf32> to vector<16xf32>
        %mul3A_253 = arith.mulf %get3A_247, %get3A_252 : vector<16xf32>
        %add3A_254 = arith.addf %add3A_242, %mul3A_253 : vector<16xf32>
        %get3A_255 = arith.constant 25 : i32
        %get3A_256 = arith.index_cast %get3A_255 : i32 to index
        %get3A_257 = arith.index_cast %mul3A_99 : i32 to index
        %get3A_258 = tpu.vector_load %arg6[%get3A_256, %get3A_257] {strides = array<i32>} : memref<128x256xf32, #tpu.memory_space<vmem>>, vector<1x16xf32>,
        %get3A_259 = vector.shape_cast %get3A_258 : vector<1x16xf32> to vector<16xf32>
        %get3A_260 = arith.constant 26 : i32
        %get3A_261 = arith.index_cast %get3A_260 : i32 to index
        %get3A_262 = arith.index_cast %mul3A_99 : i32 to index
        %get3A_263 = tpu.vector_load %arg6[%get3A_261, %get3A_262] {strides = array<i32>} : memref<128x256xf32, #tpu.memory_space<vmem>>, vector<1x16xf32>,
        %get3A_264 = vector.shape_cast %get3A_263 : vector<1x16xf32> to vector<16xf32>
        %mul3A_265 = arith.mulf %get3A_259, %get3A_264 : vector<16xf32>
        %add3A_266 = arith.addf %add3A_254, %mul3A_265 : vector<16xf32>
        %get3A_267 = arith.constant 27 : i32
        %get3A_268 = arith.index_cast %get3A_267 : i32 to index
        %get3A_269 = arith.index_cast %mul3A_99 : i32 to index
        %get3A_270 = tpu.vector_load %arg6[%get3A_268, %get3A_269] {strides = array<i32>} : memref<128x256xf32, #tpu.memory_space<vmem>>, vector<1x16xf32>,
        %get3A_271 = vector.shape_cast %get3A_270 : vector<1x16xf32> to vector<16xf32>
        %get3A_272 = arith.constant 28 : i32
        %get3A_273 = arith.index_cast %get3A_272 : i32 to index
        %get3A_274 = arith.index_cast %mul3A_99 : i32 to index
        %get3A_275 = tpu.vector_load %arg6[%get3A_273, %get3A_274] {strides = array<i32>} : memref<128x256xf32, #tpu.memory_space<vmem>>, vector<1x16xf32>,
        %get3A_276 = vector.shape_cast %get3A_275 : vector<1x16xf32> to vector<16xf32>
        %mul3A_277 = arith.mulf %get3A_271, %get3A_276 : vector<16xf32>
        %add3A_278 = arith.addf %add3A_266, %mul3A_277 : vector<16xf32>
        %mul3A_279 = arith.constant 0.020833334 : f32
        %mul3A_280 = vector.broadcast %mul3A_279 : f32 to vector<16xf32>
        %mul3A_281 = arith.mulf %add3A_135, %mul3A_280 : vector<16xf32>
        %mul3A_282 = arith.constant 6.250000e-02 : f32
        %mul3A_283 = vector.broadcast %mul3A_282 : f32 to vector<16xf32>
        %mul3A_284 = arith.mulf %add3A_278, %mul3A_283 : vector<16xf32>
        %add3A_285 = arith.addf %mul3A_281, %mul3A_284 : vector<16xf32>
        %swap3A = arith.constant 0 : i32
        %swap3A_286 = arith.index_cast %swap3A : i32 to index
        %swap3A_287 = arith.index_cast %mul3A_99 : i32 to index
        %swap3A_288 = tpu.vector_load %arg8[%swap3A_286, %swap3A_287] {strides = array<i32>} : memref<4x256xf32, #tpu.memory_space<vmem>>, vector<1x16xf32>,
        %swap3A_289 = vector.shape_cast %swap3A_288 : vector<1x16xf32> to vector<16xf32>
        %swap3A_290 = vector.shape_cast %add3A_285 : vector<16xf32> to vector<1x16xf32>
        tpu.vector_store %arg8[%swap3A_286, %swap3A_287], %swap3A_290 {strides = array<i32>} : memref<4x256xf32, #tpu.memory_space<vmem>>, vector<1x16xf32>,
        %get3A_291 = arith.constant 29 : i32
        %get3A_292 = arith.index_cast %get3A_291 : i32 to index
        %get3A_293 = arith.index_cast %mul3A_99 : i32 to index
        %get3A_294 = tpu.vector_load %arg6[%get3A_292, %get3A_293] {strides = array<i32>} : memref<128x256xf32, #tpu.memory_space<vmem>>, vector<1x16xf32>,
        %get3A_295 = vector.shape_cast %get3A_294 : vector<1x16xf32> to vector<16xf32>
        %add3A_296 = arith.addf %get3A_295, %get3A_295 : vector<16xf32>
        %get3A_297 = arith.constant 30 : i32
        %get3A_298 = arith.index_cast %get3A_297 : i32 to index
        %get3A_299 = arith.index_cast %mul3A_99 : i32 to index
        %get3A_300 = tpu.vector_load %arg6[%get3A_298, %get3A_299] {strides = array<i32>} : memref<128x256xf32, #tpu.memory_space<vmem>>, vector<1x16xf32>,
        %get3A_301 = vector.shape_cast %get3A_300 : vector<1x16xf32> to vector<16xf32>
        %add3A_302 = arith.addf %add3A_296, %get3A_301 : vector<16xf32>
        %mul3A_303 = arith.mulf %add3A_302, %get3A_301 : vector<16xf32>
        %get3A_304 = arith.constant 31 : i32
        %get3A_305 = arith.index_cast %get3A_304 : i32 to index
        %get3A_306 = arith.index_cast %mul3A_99 : i32 to index
        %get3A_307 = tpu.vector_load %arg6[%get3A_305, %get3A_306] {strides = array<i32>} : memref<128x256xf32, #tpu.memory_space<vmem>>, vector<1x16xf32>,
        %get3A_308 = vector.shape_cast %get3A_307 : vector<1x16xf32> to vector<16xf32>
        %add3A_309 = arith.addf %add3A_296, %get3A_308 : vector<16xf32>
        %mul3A_310 = arith.mulf %add3A_309, %get3A_308 : vector<16xf32>
        %add3A_311 = arith.addf %mul3A_303, %mul3A_310 : vector<16xf32>
        %get3A_312 = arith.constant 32 : i32
        %get3A_313 = arith.index_cast %get3A_312 : i32 to index
        %get3A_314 = arith.index_cast %mul3A_99 : i32 to index
        %get3A_315 = tpu.vector_load %arg6[%get3A_313, %get3A_314] {strides = array<i32>} : memref<128x256xf32, #tpu.memory_space<vmem>>, vector<1x16xf32>,
        %get3A_316 = vector.shape_cast %get3A_315 : vector<1x16xf32> to vector<16xf32>
        %add3A_317 = arith.addf %add3A_296, %get3A_316 : vector<16xf32>
        %mul3A_318 = arith.mulf %add3A_317, %get3A_316 : vector<16xf32>
        %add3A_319 = arith.addf %add3A_311, %mul3A_318 : vector<16xf32>
        %get3A_320 = arith.constant 33 : i32
        %get3A_321 = arith.index_cast %get3A_320 : i32 to index
        %get3A_322 = arith.index_cast %mul3A_99 : i32 to index
        %get3A_323 = tpu.vector_load %arg6[%get3A_321, %get3A_322] {strides = array<i32>} : memref<128x256xf32, #tpu.memory_space<vmem>>, vector<1x16xf32>,
        %get3A_324 = vector.shape_cast %get3A_323 : vector<1x16xf32> to vector<16xf32>
        %add3A_325 = arith.addf %add3A_296, %get3A_324 : vector<16xf32>
        %mul3A_326 = arith.mulf %add3A_325, %get3A_324 : vector<16xf32>
        %add3A_327 = arith.addf %add3A_319, %mul3A_326 : vector<16xf32>
        %get3A_328 = arith.constant 34 : i32
        %get3A_329 = arith.index_cast %get3A_328 : i32 to index
        %get3A_330 = arith.index_cast %mul3A_99 : i32 to index
        %get3A_331 = tpu.vector_load %arg6[%get3A_329, %get3A_330] {strides = array<i32>} : memref<128x256xf32, #tpu.memory_space<vmem>>, vector<1x16xf32>,
        %get3A_332 = vector.shape_cast %get3A_331 : vector<1x16xf32> to vector<16xf32>
        %get3A_333 = arith.constant 35 : i32
        %get3A_334 = arith.index_cast %get3A_333 : i32 to index
        %get3A_335 = arith.index_cast %mul3A_99 : i32 to index
        %get3A_336 = tpu.vector_load %arg6[%get3A_334, %get3A_335] {strides = array<i32>} : memref<128x256xf32, #tpu.memory_space<vmem>>, vector<1x16xf32>,
        %get3A_337 = vector.shape_cast %get3A_336 : vector<1x16xf32> to vector<16xf32>
        %mul3A_338 = arith.mulf %get3A_332, %get3A_337 : vector<16xf32>
        %get3A_339 = arith.constant 36 : i32
        %get3A_340 = arith.index_cast %get3A_339 : i32 to index
        %get3A_341 = arith.index_cast %mul3A_99 : i32 to index
        %get3A_342 = tpu.vector_load %arg6[%get3A_340, %get3A_341] {strides = array<i32>} : memref<128x256xf32, #tpu.memory_space<vmem>>, vector<1x16xf32>,
        %get3A_343 = vector.shape_cast %get3A_342 : vector<1x16xf32> to vector<16xf32>
        %get3A_344 = arith.constant 37 : i32
        %get3A_345 = arith.index_cast %get3A_344 : i32 to index
        %get3A_346 = arith.index_cast %mul3A_99 : i32 to index
        %get3A_347 = tpu.vector_load %arg6[%get3A_345, %get3A_346] {strides = array<i32>} : memref<128x256xf32, #tpu.memory_space<vmem>>, vector<1x16xf32>,
        %get3A_348 = vector.shape_cast %get3A_347 : vector<1x16xf32> to vector<16xf32>
        %mul3A_349 = arith.mulf %get3A_343, %get3A_348 : vector<16xf32>
        %add3A_350 = arith.addf %mul3A_338, %mul3A_349 : vector<16xf32>
        %get3A_351 = arith.constant 38 : i32
        %get3A_352 = arith.index_cast %get3A_351 : i32 to index
        %get3A_353 = arith.index_cast %mul3A_99 : i32 to index
        %get3A_354 = tpu.vector_load %arg6[%get3A_352, %get3A_353] {strides = array<i32>} : memref<128x256xf32, #tpu.memory_space<vmem>>, vector<1x16xf32>,
        %get3A_355 = vector.shape_cast %get3A_354 : vector<1x16xf32> to vector<16xf32>
        %get3A_356 = arith.constant 39 : i32
        %get3A_357 = arith.index_cast %get3A_356 : i32 to index
        %get3A_358 = arith.index_cast %mul3A_99 : i32 to index
        %get3A_359 = tpu.vector_load %arg6[%get3A_357, %get3A_358] {strides = array<i32>} : memref<128x256xf32, #tpu.memory_space<vmem>>, vector<1x16xf32>,
        %get3A_360 = vector.shape_cast %get3A_359 : vector<1x16xf32> to vector<16xf32>
        %mul3A_361 = arith.mulf %get3A_355, %get3A_360 : vector<16xf32>
        %add3A_362 = arith.addf %add3A_350, %mul3A_361 : vector<16xf32>
        %get3A_363 = arith.constant 40 : i32
        %get3A_364 = arith.index_cast %get3A_363 : i32 to index
        %get3A_365 = arith.index_cast %mul3A_99 : i32 to index
        %get3A_366 = tpu.vector_load %arg6[%get3A_364, %get3A_365] {strides = array<i32>} : memref<128x256xf32, #tpu.memory_space<vmem>>, vector<1x16xf32>,
        %get3A_367 = vector.shape_cast %get3A_366 : vector<1x16xf32> to vector<16xf32>
        %get3A_368 = arith.constant 41 : i32
        %get3A_369 = arith.index_cast %get3A_368 : i32 to index
        %get3A_370 = arith.index_cast %mul3A_99 : i32 to index
        %get3A_371 = tpu.vector_load %arg6[%get3A_369, %get3A_370] {strides = array<i32>} : memref<128x256xf32, #tpu.memory_space<vmem>>, vector<1x16xf32>,
        %get3A_372 = vector.shape_cast %get3A_371 : vector<1x16xf32> to vector<16xf32>
        %mul3A_373 = arith.mulf %get3A_367, %get3A_372 : vector<16xf32>
        %add3A_374 = arith.addf %add3A_362, %mul3A_373 : vector<16xf32>
        %get3A_375 = arith.constant 42 : i32
        %get3A_376 = arith.index_cast %get3A_375 : i32 to index
        %get3A_377 = arith.index_cast %mul3A_99 : i32 to index
        %get3A_378 = tpu.vector_load %arg6[%get3A_376, %get3A_377] {strides = array<i32>} : memref<128x256xf32, #tpu.memory_space<vmem>>, vector<1x16xf32>,
        %get3A_379 = vector.shape_cast %get3A_378 : vector<1x16xf32> to vector<16xf32>
        %get3A_380 = arith.constant 43 : i32
        %get3A_381 = arith.index_cast %get3A_380 : i32 to index
        %get3A_382 = arith.index_cast %mul3A_99 : i32 to index
        %get3A_383 = tpu.vector_load %arg6[%get3A_381, %get3A_382] {strides = array<i32>} : memref<128x256xf32, #tpu.memory_space<vmem>>, vector<1x16xf32>,
        %get3A_384 = vector.shape_cast %get3A_383 : vector<1x16xf32> to vector<16xf32>
        %mul3A_385 = arith.mulf %get3A_379, %get3A_384 : vector<16xf32>
        %add3A_386 = arith.addf %add3A_374, %mul3A_385 : vector<16xf32>
        %get3A_387 = arith.constant 44 : i32
        %get3A_388 = arith.index_cast %get3A_387 : i32 to index
        %get3A_389 = arith.index_cast %mul3A_99 : i32 to index
        %get3A_390 = tpu.vector_load %arg6[%get3A_388, %get3A_389] {strides = array<i32>} : memref<128x256xf32, #tpu.memory_space<vmem>>, vector<1x16xf32>,
        %get3A_391 = vector.shape_cast %get3A_390 : vector<1x16xf32> to vector<16xf32>
        %get3A_392 = arith.constant 45 : i32
        %get3A_393 = arith.index_cast %get3A_392 : i32 to index
        %get3A_394 = arith.index_cast %mul3A_99 : i32 to index
        %get3A_395 = tpu.vector_load %arg6[%get3A_393, %get3A_394] {strides = array<i32>} : memref<128x256xf32, #tpu.memory_space<vmem>>, vector<1x16xf32>,
        %get3A_396 = vector.shape_cast %get3A_395 : vector<1x16xf32> to vector<16xf32>
        %mul3A_397 = arith.mulf %get3A_391, %get3A_396 : vector<16xf32>
        %add3A_398 = arith.addf %add3A_386, %mul3A_397 : vector<16xf32>
        %get3A_399 = arith.constant 46 : i32
        %get3A_400 = arith.index_cast %get3A_399 : i32 to index
        %get3A_401 = arith.index_cast %mul3A_99 : i32 to index
        %get3A_402 = tpu.vector_load %arg6[%get3A_400, %get3A_401] {strides = array<i32>} : memref<128x256xf32, #tpu.memory_space<vmem>>, vector<1x16xf32>,
        %get3A_403 = vector.shape_cast %get3A_402 : vector<1x16xf32> to vector<16xf32>
        %get3A_404 = arith.constant 47 : i32
        %get3A_405 = arith.index_cast %get3A_404 : i32 to index
        %get3A_406 = arith.index_cast %mul3A_99 : i32 to index
        %get3A_407 = tpu.vector_load %arg6[%get3A_405, %get3A_406] {strides = array<i32>} : memref<128x256xf32, #tpu.memory_space<vmem>>, vector<1x16xf32>,
        %get3A_408 = vector.shape_cast %get3A_407 : vector<1x16xf32> to vector<16xf32>
        %mul3A_409 = arith.mulf %get3A_403, %get3A_408 : vector<16xf32>
        %add3A_410 = arith.addf %add3A_398, %mul3A_409 : vector<16xf32>
        %get3A_411 = arith.constant 48 : i32
        %get3A_412 = arith.index_cast %get3A_411 : i32 to index
        %get3A_413 = arith.index_cast %mul3A_99 : i32 to index
        %get3A_414 = tpu.vector_load %arg6[%get3A_412, %get3A_413] {strides = array<i32>} : memref<128x256xf32, #tpu.memory_space<vmem>>, vector<1x16xf32>,
        %get3A_415 = vector.shape_cast %get3A_414 : vector<1x16xf32> to vector<16xf32>
        %get3A_416 = arith.constant 49 : i32
        %get3A_417 = arith.index_cast %get3A_416 : i32 to index
        %get3A_418 = arith.index_cast %mul3A_99 : i32 to index
        %get3A_419 = tpu.vector_load %arg6[%get3A_417, %get3A_418] {strides = array<i32>} : memref<128x256xf32, #tpu.memory_space<vmem>>, vector<1x16xf32>,
        %get3A_420 = vector.shape_cast %get3A_419 : vector<1x16xf32> to vector<16xf32>
        %mul3A_421 = arith.mulf %get3A_415, %get3A_420 : vector<16xf32>
        %add3A_422 = arith.addf %add3A_410, %mul3A_421 : vector<16xf32>
        %get3A_423 = arith.constant 50 : i32
        %get3A_424 = arith.index_cast %get3A_423 : i32 to index
        %get3A_425 = arith.index_cast %mul3A_99 : i32 to index
        %get3A_426 = tpu.vector_load %arg6[%get3A_424, %get3A_425] {strides = array<i32>} : memref<128x256xf32, #tpu.memory_space<vmem>>, vector<1x16xf32>,
        %get3A_427 = vector.shape_cast %get3A_426 : vector<1x16xf32> to vector<16xf32>
        %get3A_428 = arith.constant 51 : i32
        %get3A_429 = arith.index_cast %get3A_428 : i32 to index
        %get3A_430 = arith.index_cast %mul3A_99 : i32 to index
        %get3A_431 = tpu.vector_load %arg6[%get3A_429, %get3A_430] {strides = array<i32>} : memref<128x256xf32, #tpu.memory_space<vmem>>, vector<1x16xf32>,
        %get3A_432 = vector.shape_cast %get3A_431 : vector<1x16xf32> to vector<16xf32>
        %mul3A_433 = arith.mulf %get3A_427, %get3A_432 : vector<16xf32>
        %add3A_434 = arith.addf %add3A_422, %mul3A_433 : vector<16xf32>
        %get3A_435 = arith.constant 52 : i32
        %get3A_436 = arith.index_cast %get3A_435 : i32 to index
        %get3A_437 = arith.index_cast %mul3A_99 : i32 to index
        %get3A_438 = tpu.vector_load %arg6[%get3A_436, %get3A_437] {strides = array<i32>} : memref<128x256xf32, #tpu.memory_space<vmem>>, vector<1x16xf32>,
        %get3A_439 = vector.shape_cast %get3A_438 : vector<1x16xf32> to vector<16xf32>
        %get3A_440 = arith.constant 53 : i32
        %get3A_441 = arith.index_cast %get3A_440 : i32 to index
        %get3A_442 = arith.index_cast %mul3A_99 : i32 to index
        %get3A_443 = tpu.vector_load %arg6[%get3A_441, %get3A_442] {strides = array<i32>} : memref<128x256xf32, #tpu.memory_space<vmem>>, vector<1x16xf32>,
        %get3A_444 = vector.shape_cast %get3A_443 : vector<1x16xf32> to vector<16xf32>
        %mul3A_445 = arith.mulf %get3A_439, %get3A_444 : vector<16xf32>
        %add3A_446 = arith.addf %add3A_434, %mul3A_445 : vector<16xf32>
        %get3A_447 = arith.constant 54 : i32
        %get3A_448 = arith.index_cast %get3A_447 : i32 to index
        %get3A_449 = arith.index_cast %mul3A_99 : i32 to index
        %get3A_450 = tpu.vector_load %arg6[%get3A_448, %get3A_449] {strides = array<i32>} : memref<128x256xf32, #tpu.memory_space<vmem>>, vector<1x16xf32>,
        %get3A_451 = vector.shape_cast %get3A_450 : vector<1x16xf32> to vector<16xf32>
        %get3A_452 = arith.constant 55 : i32
        %get3A_453 = arith.index_cast %get3A_452 : i32 to index
        %get3A_454 = arith.index_cast %mul3A_99 : i32 to index
        %get3A_455 = tpu.vector_load %arg6[%get3A_453, %get3A_454] {strides = array<i32>} : memref<128x256xf32, #tpu.memory_space<vmem>>, vector<1x16xf32>,
        %get3A_456 = vector.shape_cast %get3A_455 : vector<1x16xf32> to vector<16xf32>
        %mul3A_457 = arith.mulf %get3A_451, %get3A_456 : vector<16xf32>
        %add3A_458 = arith.addf %add3A_446, %mul3A_457 : vector<16xf32>
        %get3A_459 = arith.constant 56 : i32
        %get3A_460 = arith.index_cast %get3A_459 : i32 to index
        %get3A_461 = arith.index_cast %mul3A_99 : i32 to index
        %get3A_462 = tpu.vector_load %arg6[%get3A_460, %get3A_461] {strides = array<i32>} : memref<128x256xf32, #tpu.memory_space<vmem>>, vector<1x16xf32>,
        %get3A_463 = vector.shape_cast %get3A_462 : vector<1x16xf32> to vector<16xf32>
        %get3A_464 = arith.constant 57 : i32
        %get3A_465 = arith.index_cast %get3A_464 : i32 to index
        %get3A_466 = arith.index_cast %mul3A_99 : i32 to index
        %get3A_467 = tpu.vector_load %arg6[%get3A_465, %get3A_466] {strides = array<i32>} : memref<128x256xf32, #tpu.memory_space<vmem>>, vector<1x16xf32>,
        %get3A_468 = vector.shape_cast %get3A_467 : vector<1x16xf32> to vector<16xf32>
        %mul3A_469 = arith.mulf %get3A_463, %get3A_468 : vector<16xf32>
        %add3A_470 = arith.addf %add3A_458, %mul3A_469 : vector<16xf32>
        %mul3A_471 = arith.constant 0.020833334 : f32
        %mul3A_472 = vector.broadcast %mul3A_471 : f32 to vector<16xf32>
        %mul3A_473 = arith.mulf %add3A_327, %mul3A_472 : vector<16xf32>
        %mul3A_474 = arith.constant 6.250000e-02 : f32
        %mul3A_475 = vector.broadcast %mul3A_474 : f32 to vector<16xf32>
        %mul3A_476 = arith.mulf %add3A_470, %mul3A_475 : vector<16xf32>
        %add3A_477 = arith.addf %mul3A_473, %mul3A_476 : vector<16xf32>
        %swap3A_478 = arith.constant 1 : i32
        %swap3A_479 = arith.index_cast %swap3A_478 : i32 to index
        %swap3A_480 = arith.index_cast %mul3A_99 : i32 to index
        %swap3A_481 = tpu.vector_load %arg8[%swap3A_479, %swap3A_480] {strides = array<i32>} : memref<4x256xf32, #tpu.memory_space<vmem>>, vector<1x16xf32>,
        %swap3A_482 = vector.shape_cast %swap3A_481 : vector<1x16xf32> to vector<16xf32>
        %swap3A_483 = vector.shape_cast %add3A_477 : vector<16xf32> to vector<1x16xf32>
        tpu.vector_store %arg8[%swap3A_479, %swap3A_480], %swap3A_483 {strides = array<i32>} : memref<4x256xf32, #tpu.memory_space<vmem>>, vector<1x16xf32>,
        %get3A_484 = arith.constant 58 : i32
        %get3A_485 = arith.index_cast %get3A_484 : i32 to index
        %get3A_486 = arith.index_cast %mul3A_99 : i32 to index
        %get3A_487 = tpu.vector_load %arg6[%get3A_485, %get3A_486] {strides = array<i32>} : memref<128x256xf32, #tpu.memory_space<vmem>>, vector<1x16xf32>,
        %get3A_488 = vector.shape_cast %get3A_487 : vector<1x16xf32> to vector<16xf32>
        %add3A_489 = arith.addf %get3A_488, %get3A_488 : vector<16xf32>
        %get3A_490 = arith.constant 59 : i32
        %get3A_491 = arith.index_cast %get3A_490 : i32 to index
        %get3A_492 = arith.index_cast %mul3A_99 : i32 to index
        %get3A_493 = tpu.vector_load %arg6[%get3A_491, %get3A_492] {strides = array<i32>} : memref<128x256xf32, #tpu.memory_space<vmem>>, vector<1x16xf32>,
        %get3A_494 = vector.shape_cast %get3A_493 : vector<1x16xf32> to vector<16xf32>
        %add3A_495 = arith.addf %add3A_489, %get3A_494 : vector<16xf32>
        %mul3A_496 = arith.mulf %add3A_495, %get3A_494 : vector<16xf32>
        %get3A_497 = arith.constant 60 : i32
        %get3A_498 = arith.index_cast %get3A_497 : i32 to index
        %get3A_499 = arith.index_cast %mul3A_99 : i32 to index
        %get3A_500 = tpu.vector_load %arg6[%get3A_498, %get3A_499] {strides = array<i32>} : memref<128x256xf32, #tpu.memory_space<vmem>>, vector<1x16xf32>,
        %get3A_501 = vector.shape_cast %get3A_500 : vector<1x16xf32> to vector<16xf32>
        %add3A_502 = arith.addf %add3A_489, %get3A_501 : vector<16xf32>
        %mul3A_503 = arith.mulf %add3A_502, %get3A_501 : vector<16xf32>
        %add3A_504 = arith.addf %mul3A_496, %mul3A_503 : vector<16xf32>
        %get3A_505 = arith.constant 61 : i32
        %get3A_506 = arith.index_cast %get3A_505 : i32 to index
        %get3A_507 = arith.index_cast %mul3A_99 : i32 to index
        %get3A_508 = tpu.vector_load %arg6[%get3A_506, %get3A_507] {strides = array<i32>} : memref<128x256xf32, #tpu.memory_space<vmem>>, vector<1x16xf32>,
        %get3A_509 = vector.shape_cast %get3A_508 : vector<1x16xf32> to vector<16xf32>
        %add3A_510 = arith.addf %add3A_489, %get3A_509 : vector<16xf32>
        %mul3A_511 = arith.mulf %add3A_510, %get3A_509 : vector<16xf32>
        %add3A_512 = arith.addf %add3A_504, %mul3A_511 : vector<16xf32>
        %get3A_513 = arith.constant 62 : i32
        %get3A_514 = arith.index_cast %get3A_513 : i32 to index
        %get3A_515 = arith.index_cast %mul3A_99 : i32 to index
        %get3A_516 = tpu.vector_load %arg6[%get3A_514, %get3A_515] {strides = array<i32>} : memref<128x256xf32, #tpu.memory_space<vmem>>, vector<1x16xf32>,
        %get3A_517 = vector.shape_cast %get3A_516 : vector<1x16xf32> to vector<16xf32>
        %add3A_518 = arith.addf %add3A_489, %get3A_517 : vector<16xf32>
        %mul3A_519 = arith.mulf %add3A_518, %get3A_517 : vector<16xf32>
        %add3A_520 = arith.addf %add3A_512, %mul3A_519 : vector<16xf32>
        %get3A_521 = arith.constant 63 : i32
        %get3A_522 = arith.index_cast %get3A_521 : i32 to index
        %get3A_523 = arith.index_cast %mul3A_99 : i32 to index
        %get3A_524 = tpu.vector_load %arg6[%get3A_522, %get3A_523] {strides = array<i32>} : memref<128x256xf32, #tpu.memory_space<vmem>>, vector<1x16xf32>,
        %get3A_525 = vector.shape_cast %get3A_524 : vector<1x16xf32> to vector<16xf32>
        %get3A_526 = arith.constant 64 : i32
        %get3A_527 = arith.index_cast %get3A_526 : i32 to index
        %get3A_528 = arith.index_cast %mul3A_99 : i32 to index
        %get3A_529 = tpu.vector_load %arg6[%get3A_527, %get3A_528] {strides = array<i32>} : memref<128x256xf32, #tpu.memory_space<vmem>>, vector<1x16xf32>,
        %get3A_530 = vector.shape_cast %get3A_529 : vector<1x16xf32> to vector<16xf32>
        %mul3A_531 = arith.mulf %get3A_525, %get3A_530 : vector<16xf32>
        %get3A_532 = arith.constant 65 : i32
        %get3A_533 = arith.index_cast %get3A_532 : i32 to index
        %get3A_534 = arith.index_cast %mul3A_99 : i32 to index
        %get3A_535 = tpu.vector_load %arg6[%get3A_533, %get3A_534] {strides = array<i32>} : memref<128x256xf32, #tpu.memory_space<vmem>>, vector<1x16xf32>,
        %get3A_536 = vector.shape_cast %get3A_535 : vector<1x16xf32> to vector<16xf32>
        %get3A_537 = arith.constant 66 : i32
        %get3A_538 = arith.index_cast %get3A_537 : i32 to index
        %get3A_539 = arith.index_cast %mul3A_99 : i32 to index
        %get3A_540 = tpu.vector_load %arg6[%get3A_538, %get3A_539] {strides = array<i32>} : memref<128x256xf32, #tpu.memory_space<vmem>>, vector<1x16xf32>,
        %get3A_541 = vector.shape_cast %get3A_540 : vector<1x16xf32> to vector<16xf32>
        %mul3A_542 = arith.mulf %get3A_536, %get3A_541 : vector<16xf32>
        %add3A_543 = arith.addf %mul3A_531, %mul3A_542 : vector<16xf32>
        %get3A_544 = arith.constant 67 : i32
        %get3A_545 = arith.index_cast %get3A_544 : i32 to index
        %get3A_546 = arith.index_cast %mul3A_99 : i32 to index
        %get3A_547 = tpu.vector_load %arg6[%get3A_545, %get3A_546] {strides = array<i32>} : memref<128x256xf32, #tpu.memory_space<vmem>>, vector<1x16xf32>,
        %get3A_548 = vector.shape_cast %get3A_547 : vector<1x16xf32> to vector<16xf32>
        %get3A_549 = arith.constant 68 : i32
        %get3A_550 = arith.index_cast %get3A_549 : i32 to index
        %get3A_551 = arith.index_cast %mul3A_99 : i32 to index
        %get3A_552 = tpu.vector_load %arg6[%get3A_550, %get3A_551] {strides = array<i32>} : memref<128x256xf32, #tpu.memory_space<vmem>>, vector<1x16xf32>,
        %get3A_553 = vector.shape_cast %get3A_552 : vector<1x16xf32> to vector<16xf32>
        %mul3A_554 = arith.mulf %get3A_548, %get3A_553 : vector<16xf32>
        %add3A_555 = arith.addf %add3A_543, %mul3A_554 : vector<16xf32>
        %get3A_556 = arith.constant 69 : i32
        %get3A_557 = arith.index_cast %get3A_556 : i32 to index
        %get3A_558 = arith.index_cast %mul3A_99 : i32 to index
        %get3A_559 = tpu.vector_load %arg6[%get3A_557, %get3A_558] {strides = array<i32>} : memref<128x256xf32, #tpu.memory_space<vmem>>, vector<1x16xf32>,
        %get3A_560 = vector.shape_cast %get3A_559 : vector<1x16xf32> to vector<16xf32>
        %get3A_561 = arith.constant 70 : i32
        %get3A_562 = arith.index_cast %get3A_561 : i32 to index
        %get3A_563 = arith.index_cast %mul3A_99 : i32 to index
        %get3A_564 = tpu.vector_load %arg6[%get3A_562, %get3A_563] {strides = array<i32>} : memref<128x256xf32, #tpu.memory_space<vmem>>, vector<1x16xf32>,
        %get3A_565 = vector.shape_cast %get3A_564 : vector<1x16xf32> to vector<16xf32>
        %mul3A_566 = arith.mulf %get3A_560, %get3A_565 : vector<16xf32>
        %add3A_567 = arith.addf %add3A_555, %mul3A_566 : vector<16xf32>
        %get3A_568 = arith.constant 71 : i32
        %get3A_569 = arith.index_cast %get3A_568 : i32 to index
        %get3A_570 = arith.index_cast %mul3A_99 : i32 to index
        %get3A_571 = tpu.vector_load %arg6[%get3A_569, %get3A_570] {strides = array<i32>} : memref<128x256xf32, #tpu.memory_space<vmem>>, vector<1x16xf32>,
        %get3A_572 = vector.shape_cast %get3A_571 : vector<1x16xf32> to vector<16xf32>
        %get3A_573 = arith.constant 72 : i32
        %get3A_574 = arith.index_cast %get3A_573 : i32 to index
        %get3A_575 = arith.index_cast %mul3A_99 : i32 to index
        %get3A_576 = tpu.vector_load %arg6[%get3A_574, %get3A_575] {strides = array<i32>} : memref<128x256xf32, #tpu.memory_space<vmem>>, vector<1x16xf32>,
        %get3A_577 = vector.shape_cast %get3A_576 : vector<1x16xf32> to vector<16xf32>
        %mul3A_578 = arith.mulf %get3A_572, %get3A_577 : vector<16xf32>
        %add3A_579 = arith.addf %add3A_567, %mul3A_578 : vector<16xf32>
        %get3A_580 = arith.constant 73 : i32
        %get3A_581 = arith.index_cast %get3A_580 : i32 to index
        %get3A_582 = arith.index_cast %mul3A_99 : i32 to index
        %get3A_583 = tpu.vector_load %arg6[%get3A_581, %get3A_582] {strides = array<i32>} : memref<128x256xf32, #tpu.memory_space<vmem>>, vector<1x16xf32>,
        %get3A_584 = vector.shape_cast %get3A_583 : vector<1x16xf32> to vector<16xf32>
        %get3A_585 = arith.constant 74 : i32
        %get3A_586 = arith.index_cast %get3A_585 : i32 to index
        %get3A_587 = arith.index_cast %mul3A_99 : i32 to index
        %get3A_588 = tpu.vector_load %arg6[%get3A_586, %get3A_587] {strides = array<i32>} : memref<128x256xf32, #tpu.memory_space<vmem>>, vector<1x16xf32>,
        %get3A_589 = vector.shape_cast %get3A_588 : vector<1x16xf32> to vector<16xf32>
        %mul3A_590 = arith.mulf %get3A_584, %get3A_589 : vector<16xf32>
        %add3A_591 = arith.addf %add3A_579, %mul3A_590 : vector<16xf32>
        %get3A_592 = arith.constant 75 : i32
        %get3A_593 = arith.index_cast %get3A_592 : i32 to index
        %get3A_594 = arith.index_cast %mul3A_99 : i32 to index
        %get3A_595 = tpu.vector_load %arg6[%get3A_593, %get3A_594] {strides = array<i32>} : memref<128x256xf32, #tpu.memory_space<vmem>>, vector<1x16xf32>,
        %get3A_596 = vector.shape_cast %get3A_595 : vector<1x16xf32> to vector<16xf32>
        %get3A_597 = arith.constant 76 : i32
        %get3A_598 = arith.index_cast %get3A_597 : i32 to index
        %get3A_599 = arith.index_cast %mul3A_99 : i32 to index
        %get3A_600 = tpu.vector_load %arg6[%get3A_598, %get3A_599] {strides = array<i32>} : memref<128x256xf32, #tpu.memory_space<vmem>>, vector<1x16xf32>,
        %get3A_601 = vector.shape_cast %get3A_600 : vector<1x16xf32> to vector<16xf32>
        %mul3A_602 = arith.mulf %get3A_596, %get3A_601 : vector<16xf32>
        %add3A_603 = arith.addf %add3A_591, %mul3A_602 : vector<16xf32>
        %get3A_604 = arith.constant 77 : i32
        %get3A_605 = arith.index_cast %get3A_604 : i32 to index
        %get3A_606 = arith.index_cast %mul3A_99 : i32 to index
        %get3A_607 = tpu.vector_load %arg6[%get3A_605, %get3A_606] {strides = array<i32>} : memref<128x256xf32, #tpu.memory_space<vmem>>, vector<1x16xf32>,
        %get3A_608 = vector.shape_cast %get3A_607 : vector<1x16xf32> to vector<16xf32>
        %get3A_609 = arith.constant 78 : i32
        %get3A_610 = arith.index_cast %get3A_609 : i32 to index
        %get3A_611 = arith.index_cast %mul3A_99 : i32 to index
        %get3A_612 = tpu.vector_load %arg6[%get3A_610, %get3A_611] {strides = array<i32>} : memref<128x256xf32, #tpu.memory_space<vmem>>, vector<1x16xf32>,
        %get3A_613 = vector.shape_cast %get3A_612 : vector<1x16xf32> to vector<16xf32>
        %mul3A_614 = arith.mulf %get3A_608, %get3A_613 : vector<16xf32>
        %add3A_615 = arith.addf %add3A_603, %mul3A_614 : vector<16xf32>
        %get3A_616 = arith.constant 79 : i32
        %get3A_617 = arith.index_cast %get3A_616 : i32 to index
        %get3A_618 = arith.index_cast %mul3A_99 : i32 to index
        %get3A_619 = tpu.vector_load %arg6[%get3A_617, %get3A_618] {strides = array<i32>} : memref<128x256xf32, #tpu.memory_space<vmem>>, vector<1x16xf32>,
        %get3A_620 = vector.shape_cast %get3A_619 : vector<1x16xf32> to vector<16xf32>
        %get3A_621 = arith.constant 80 : i32
        %get3A_622 = arith.index_cast %get3A_621 : i32 to index
        %get3A_623 = arith.index_cast %mul3A_99 : i32 to index
        %get3A_624 = tpu.vector_load %arg6[%get3A_622, %get3A_623] {strides = array<i32>} : memref<128x256xf32, #tpu.memory_space<vmem>>, vector<1x16xf32>,
        %get3A_625 = vector.shape_cast %get3A_624 : vector<1x16xf32> to vector<16xf32>
        %mul3A_626 = arith.mulf %get3A_620, %get3A_625 : vector<16xf32>
        %add3A_627 = arith.addf %add3A_615, %mul3A_626 : vector<16xf32>
        %get3A_628 = arith.constant 81 : i32
        %get3A_629 = arith.index_cast %get3A_628 : i32 to index
        %get3A_630 = arith.index_cast %mul3A_99 : i32 to index
        %get3A_631 = tpu.vector_load %arg6[%get3A_629, %get3A_630] {strides = array<i32>} : memref<128x256xf32, #tpu.memory_space<vmem>>, vector<1x16xf32>,
        %get3A_632 = vector.shape_cast %get3A_631 : vector<1x16xf32> to vector<16xf32>
        %get3A_633 = arith.constant 82 : i32
        %get3A_634 = arith.index_cast %get3A_633 : i32 to index
        %get3A_635 = arith.index_cast %mul3A_99 : i32 to index
        %get3A_636 = tpu.vector_load %arg6[%get3A_634, %get3A_635] {strides = array<i32>} : memref<128x256xf32, #tpu.memory_space<vmem>>, vector<1x16xf32>,
        %get3A_637 = vector.shape_cast %get3A_636 : vector<1x16xf32> to vector<16xf32>
        %mul3A_638 = arith.mulf %get3A_632, %get3A_637 : vector<16xf32>
        %add3A_639 = arith.addf %add3A_627, %mul3A_638 : vector<16xf32>
        %get3A_640 = arith.constant 83 : i32
        %get3A_641 = arith.index_cast %get3A_640 : i32 to index
        %get3A_642 = arith.index_cast %mul3A_99 : i32 to index
        %get3A_643 = tpu.vector_load %arg6[%get3A_641, %get3A_642] {strides = array<i32>} : memref<128x256xf32, #tpu.memory_space<vmem>>, vector<1x16xf32>,
        %get3A_644 = vector.shape_cast %get3A_643 : vector<1x16xf32> to vector<16xf32>
        %get3A_645 = arith.constant 84 : i32
        %get3A_646 = arith.index_cast %get3A_645 : i32 to index
        %get3A_647 = arith.index_cast %mul3A_99 : i32 to index
        %get3A_648 = tpu.vector_load %arg6[%get3A_646, %get3A_647] {strides = array<i32>} : memref<128x256xf32, #tpu.memory_space<vmem>>, vector<1x16xf32>,
        %get3A_649 = vector.shape_cast %get3A_648 : vector<1x16xf32> to vector<16xf32>
        %mul3A_650 = arith.mulf %get3A_644, %get3A_649 : vector<16xf32>
        %add3A_651 = arith.addf %add3A_639, %mul3A_650 : vector<16xf32>
        %get3A_652 = arith.constant 85 : i32
        %get3A_653 = arith.index_cast %get3A_652 : i32 to index
        %get3A_654 = arith.index_cast %mul3A_99 : i32 to index
        %get3A_655 = tpu.vector_load %arg6[%get3A_653, %get3A_654] {strides = array<i32>} : memref<128x256xf32, #tpu.memory_space<vmem>>, vector<1x16xf32>,
        %get3A_656 = vector.shape_cast %get3A_655 : vector<1x16xf32> to vector<16xf32>
        %get3A_657 = arith.constant 86 : i32
        %get3A_658 = arith.index_cast %get3A_657 : i32 to index
        %get3A_659 = arith.index_cast %mul3A_99 : i32 to index
        %get3A_660 = tpu.vector_load %arg6[%get3A_658, %get3A_659] {strides = array<i32>} : memref<128x256xf32, #tpu.memory_space<vmem>>, vector<1x16xf32>,
        %get3A_661 = vector.shape_cast %get3A_660 : vector<1x16xf32> to vector<16xf32>
        %mul3A_662 = arith.mulf %get3A_656, %get3A_661 : vector<16xf32>
        %add3A_663 = arith.addf %add3A_651, %mul3A_662 : vector<16xf32>
        %mul3A_664 = arith.constant 0.020833334 : f32
        %mul3A_665 = vector.broadcast %mul3A_664 : f32 to vector<16xf32>
        %mul3A_666 = arith.mulf %add3A_520, %mul3A_665 : vector<16xf32>
        %mul3A_667 = arith.constant 6.250000e-02 : f32
        %mul3A_668 = vector.broadcast %mul3A_667 : f32 to vector<16xf32>
        %mul3A_669 = arith.mulf %add3A_663, %mul3A_668 : vector<16xf32>
        %add3A_670 = arith.addf %mul3A_666, %mul3A_669 : vector<16xf32>
        %swap3A_671 = arith.constant 2 : i32
        %swap3A_672 = arith.index_cast %swap3A_671 : i32 to index
        %swap3A_673 = arith.index_cast %mul3A_99 : i32 to index
        %swap3A_674 = tpu.vector_load %arg8[%swap3A_672, %swap3A_673] {strides = array<i32>} : memref<4x256xf32, #tpu.memory_space<vmem>>, vector<1x16xf32>,
        %swap3A_675 = vector.shape_cast %swap3A_674 : vector<1x16xf32> to vector<16xf32>
        %swap3A_676 = vector.shape_cast %add3A_670 : vector<16xf32> to vector<1x16xf32>
        tpu.vector_store %arg8[%swap3A_672, %swap3A_673], %swap3A_676 {strides = array<i32>} : memref<4x256xf32, #tpu.memory_space<vmem>>, vector<1x16xf32>,
        %get3A_677 = arith.constant 87 : i32
        %get3A_678 = arith.index_cast %get3A_677 : i32 to index
        %get3A_679 = arith.index_cast %mul3A_99 : i32 to index
        %get3A_680 = tpu.vector_load %arg6[%get3A_678, %get3A_679] {strides = array<i32>} : memref<128x256xf32, #tpu.memory_space<vmem>>, vector<1x16xf32>,
        %get3A_681 = vector.shape_cast %get3A_680 : vector<1x16xf32> to vector<16xf32>
        %add3A_682 = arith.addf %get3A_681, %get3A_681 : vector<16xf32>
        %get3A_683 = arith.constant 88 : i32
        %get3A_684 = arith.index_cast %get3A_683 : i32 to index
        %get3A_685 = arith.index_cast %mul3A_99 : i32 to index
        %get3A_686 = tpu.vector_load %arg6[%get3A_684, %get3A_685] {strides = array<i32>} : memref<128x256xf32, #tpu.memory_space<vmem>>, vector<1x16xf32>,
        %get3A_687 = vector.shape_cast %get3A_686 : vector<1x16xf32> to vector<16xf32>
        %add3A_688 = arith.addf %add3A_682, %get3A_687 : vector<16xf32>
        %mul3A_689 = arith.mulf %add3A_688, %get3A_687 : vector<16xf32>
        %get3A_690 = arith.constant 89 : i32
        %get3A_691 = arith.index_cast %get3A_690 : i32 to index
        %get3A_692 = arith.index_cast %mul3A_99 : i32 to index
        %get3A_693 = tpu.vector_load %arg6[%get3A_691, %get3A_692] {strides = array<i32>} : memref<128x256xf32, #tpu.memory_space<vmem>>, vector<1x16xf32>,
        %get3A_694 = vector.shape_cast %get3A_693 : vector<1x16xf32> to vector<16xf32>
        %add3A_695 = arith.addf %add3A_682, %get3A_694 : vector<16xf32>
        %mul3A_696 = arith.mulf %add3A_695, %get3A_694 : vector<16xf32>
        %add3A_697 = arith.addf %mul3A_689, %mul3A_696 : vector<16xf32>
        %get3A_698 = arith.constant 90 : i32
        %get3A_699 = arith.index_cast %get3A_698 : i32 to index
        %get3A_700 = arith.index_cast %mul3A_99 : i32 to index
        %get3A_701 = tpu.vector_load %arg6[%get3A_699, %get3A_700] {strides = array<i32>} : memref<128x256xf32, #tpu.memory_space<vmem>>, vector<1x16xf32>,
        %get3A_702 = vector.shape_cast %get3A_701 : vector<1x16xf32> to vector<16xf32>
        %add3A_703 = arith.addf %add3A_682, %get3A_702 : vector<16xf32>
        %mul3A_704 = arith.mulf %add3A_703, %get3A_702 : vector<16xf32>
        %add3A_705 = arith.addf %add3A_697, %mul3A_704 : vector<16xf32>
        %get3A_706 = arith.constant 91 : i32
        %get3A_707 = arith.index_cast %get3A_706 : i32 to index
        %get3A_708 = arith.index_cast %mul3A_99 : i32 to index
        %get3A_709 = tpu.vector_load %arg6[%get3A_707, %get3A_708] {strides = array<i32>} : memref<128x256xf32, #tpu.memory_space<vmem>>, vector<1x16xf32>,
        %get3A_710 = vector.shape_cast %get3A_709 : vector<1x16xf32> to vector<16xf32>
        %add3A_711 = arith.addf %add3A_682, %get3A_710 : vector<16xf32>
        %mul3A_712 = arith.mulf %add3A_711, %get3A_710 : vector<16xf32>
        %add3A_713 = arith.addf %add3A_705, %mul3A_712 : vector<16xf32>
        %get3A_714 = arith.constant 92 : i32
        %get3A_715 = arith.index_cast %get3A_714 : i32 to index
        %get3A_716 = arith.index_cast %mul3A_99 : i32 to index
        %get3A_717 = tpu.vector_load %arg6[%get3A_715, %get3A_716] {strides = array<i32>} : memref<128x256xf32, #tpu.memory_space<vmem>>, vector<1x16xf32>,
        %get3A_718 = vector.shape_cast %get3A_717 : vector<1x16xf32> to vector<16xf32>
        %get3A_719 = arith.constant 93 : i32
        %get3A_720 = arith.index_cast %get3A_719 : i32 to index
        %get3A_721 = arith.index_cast %mul3A_99 : i32 to index
        %get3A_722 = tpu.vector_load %arg6[%get3A_720, %get3A_721] {strides = array<i32>} : memref<128x256xf32, #tpu.memory_space<vmem>>, vector<1x16xf32>,
        %get3A_723 = vector.shape_cast %get3A_722 : vector<1x16xf32> to vector<16xf32>
        %mul3A_724 = arith.mulf %get3A_718, %get3A_723 : vector<16xf32>
        %get3A_725 = arith.constant 94 : i32
        %get3A_726 = arith.index_cast %get3A_725 : i32 to index
        %get3A_727 = arith.index_cast %mul3A_99 : i32 to index
        %get3A_728 = tpu.vector_load %arg6[%get3A_726, %get3A_727] {strides = array<i32>} : memref<128x256xf32, #tpu.memory_space<vmem>>, vector<1x16xf32>,
        %get3A_729 = vector.shape_cast %get3A_728 : vector<1x16xf32> to vector<16xf32>
        %get3A_730 = arith.constant 95 : i32
        %get3A_731 = arith.index_cast %get3A_730 : i32 to index
        %get3A_732 = arith.index_cast %mul3A_99 : i32 to index
        %get3A_733 = tpu.vector_load %arg6[%get3A_731, %get3A_732] {strides = array<i32>} : memref<128x256xf32, #tpu.memory_space<vmem>>, vector<1x16xf32>,
        %get3A_734 = vector.shape_cast %get3A_733 : vector<1x16xf32> to vector<16xf32>
        %mul3A_735 = arith.mulf %get3A_729, %get3A_734 : vector<16xf32>
        %add3A_736 = arith.addf %mul3A_724, %mul3A_735 : vector<16xf32>
        %get3A_737 = arith.constant 96 : i32
        %get3A_738 = arith.index_cast %get3A_737 : i32 to index
        %get3A_739 = arith.index_cast %mul3A_99 : i32 to index
        %get3A_740 = tpu.vector_load %arg6[%get3A_738, %get3A_739] {strides = array<i32>} : memref<128x256xf32, #tpu.memory_space<vmem>>, vector<1x16xf32>,
        %get3A_741 = vector.shape_cast %get3A_740 : vector<1x16xf32> to vector<16xf32>
        %get3A_742 = arith.constant 97 : i32
        %get3A_743 = arith.index_cast %get3A_742 : i32 to index
        %get3A_744 = arith.index_cast %mul3A_99 : i32 to index
        %get3A_745 = tpu.vector_load %arg6[%get3A_743, %get3A_744] {strides = array<i32>} : memref<128x256xf32, #tpu.memory_space<vmem>>, vector<1x16xf32>,
        %get3A_746 = vector.shape_cast %get3A_745 : vector<1x16xf32> to vector<16xf32>
        %mul3A_747 = arith.mulf %get3A_741, %get3A_746 : vector<16xf32>
        %add3A_748 = arith.addf %add3A_736, %mul3A_747 : vector<16xf32>
        %get3A_749 = arith.constant 98 : i32
        %get3A_750 = arith.index_cast %get3A_749 : i32 to index
        %get3A_751 = arith.index_cast %mul3A_99 : i32 to index
        %get3A_752 = tpu.vector_load %arg6[%get3A_750, %get3A_751] {strides = array<i32>} : memref<128x256xf32, #tpu.memory_space<vmem>>, vector<1x16xf32>,
        %get3A_753 = vector.shape_cast %get3A_752 : vector<1x16xf32> to vector<16xf32>
        %get3A_754 = arith.constant 99 : i32
        %get3A_755 = arith.index_cast %get3A_754 : i32 to index
        %get3A_756 = arith.index_cast %mul3A_99 : i32 to index
        %get3A_757 = tpu.vector_load %arg6[%get3A_755, %get3A_756] {strides = array<i32>} : memref<128x256xf32, #tpu.memory_space<vmem>>, vector<1x16xf32>,
        %get3A_758 = vector.shape_cast %get3A_757 : vector<1x16xf32> to vector<16xf32>
        %mul3A_759 = arith.mulf %get3A_753, %get3A_758 : vector<16xf32>
        %add3A_760 = arith.addf %add3A_748, %mul3A_759 : vector<16xf32>
        %get3A_761 = arith.constant 100 : i32
        %get3A_762 = arith.index_cast %get3A_761 : i32 to index
        %get3A_763 = arith.index_cast %mul3A_99 : i32 to index
        %get3A_764 = tpu.vector_load %arg6[%get3A_762, %get3A_763] {strides = array<i32>} : memref<128x256xf32, #tpu.memory_space<vmem>>, vector<1x16xf32>,
        %get3A_765 = vector.shape_cast %get3A_764 : vector<1x16xf32> to vector<16xf32>
        %get3A_766 = arith.constant 101 : i32
        %get3A_767 = arith.index_cast %get3A_766 : i32 to index
        %get3A_768 = arith.index_cast %mul3A_99 : i32 to index
        %get3A_769 = tpu.vector_load %arg6[%get3A_767, %get3A_768] {strides = array<i32>} : memref<128x256xf32, #tpu.memory_space<vmem>>, vector<1x16xf32>,
        %get3A_770 = vector.shape_cast %get3A_769 : vector<1x16xf32> to vector<16xf32>
        %mul3A_771 = arith.mulf %get3A_765, %get3A_770 : vector<16xf32>
        %add3A_772 = arith.addf %add3A_760, %mul3A_771 : vector<16xf32>
        %get3A_773 = arith.constant 102 : i32
        %get3A_774 = arith.index_cast %get3A_773 : i32 to index
        %get3A_775 = arith.index_cast %mul3A_99 : i32 to index
        %get3A_776 = tpu.vector_load %arg6[%get3A_774, %get3A_775] {strides = array<i32>} : memref<128x256xf32, #tpu.memory_space<vmem>>, vector<1x16xf32>,
        %get3A_777 = vector.shape_cast %get3A_776 : vector<1x16xf32> to vector<16xf32>
        %get3A_778 = arith.constant 103 : i32
        %get3A_779 = arith.index_cast %get3A_778 : i32 to index
        %get3A_780 = arith.index_cast %mul3A_99 : i32 to index
        %get3A_781 = tpu.vector_load %arg6[%get3A_779, %get3A_780] {strides = array<i32>} : memref<128x256xf32, #tpu.memory_space<vmem>>, vector<1x16xf32>,
        %get3A_782 = vector.shape_cast %get3A_781 : vector<1x16xf32> to vector<16xf32>
        %mul3A_783 = arith.mulf %get3A_777, %get3A_782 : vector<16xf32>
        %add3A_784 = arith.addf %add3A_772, %mul3A_783 : vector<16xf32>
        %get3A_785 = arith.constant 104 : i32
        %get3A_786 = arith.index_cast %get3A_785 : i32 to index
        %get3A_787 = arith.index_cast %mul3A_99 : i32 to index
        %get3A_788 = tpu.vector_load %arg6[%get3A_786, %get3A_787] {strides = array<i32>} : memref<128x256xf32, #tpu.memory_space<vmem>>, vector<1x16xf32>,
        %get3A_789 = vector.shape_cast %get3A_788 : vector<1x16xf32> to vector<16xf32>
        %get3A_790 = arith.constant 105 : i32
        %get3A_791 = arith.index_cast %get3A_790 : i32 to index
        %get3A_792 = arith.index_cast %mul3A_99 : i32 to index
        %get3A_793 = tpu.vector_load %arg6[%get3A_791, %get3A_792] {strides = array<i32>} : memref<128x256xf32, #tpu.memory_space<vmem>>, vector<1x16xf32>,
        %get3A_794 = vector.shape_cast %get3A_793 : vector<1x16xf32> to vector<16xf32>
        %mul3A_795 = arith.mulf %get3A_789, %get3A_794 : vector<16xf32>
        %add3A_796 = arith.addf %add3A_784, %mul3A_795 : vector<16xf32>
        %get3A_797 = arith.constant 106 : i32
        %get3A_798 = arith.index_cast %get3A_797 : i32 to index
        %get3A_799 = arith.index_cast %mul3A_99 : i32 to index
        %get3A_800 = tpu.vector_load %arg6[%get3A_798, %get3A_799] {strides = array<i32>} : memref<128x256xf32, #tpu.memory_space<vmem>>, vector<1x16xf32>,
        %get3A_801 = vector.shape_cast %get3A_800 : vector<1x16xf32> to vector<16xf32>
        %get3A_802 = arith.constant 107 : i32
        %get3A_803 = arith.index_cast %get3A_802 : i32 to index
        %get3A_804 = arith.index_cast %mul3A_99 : i32 to index
        %get3A_805 = tpu.vector_load %arg6[%get3A_803, %get3A_804] {strides = array<i32>} : memref<128x256xf32, #tpu.memory_space<vmem>>, vector<1x16xf32>,
        %get3A_806 = vector.shape_cast %get3A_805 : vector<1x16xf32> to vector<16xf32>
        %mul3A_807 = arith.mulf %get3A_801, %get3A_806 : vector<16xf32>
        %add3A_808 = arith.addf %add3A_796, %mul3A_807 : vector<16xf32>
        %get3A_809 = arith.constant 108 : i32
        %get3A_810 = arith.index_cast %get3A_809 : i32 to index
        %get3A_811 = arith.index_cast %mul3A_99 : i32 to index
        %get3A_812 = tpu.vector_load %arg6[%get3A_810, %get3A_811] {strides = array<i32>} : memref<128x256xf32, #tpu.memory_space<vmem>>, vector<1x16xf32>,
        %get3A_813 = vector.shape_cast %get3A_812 : vector<1x16xf32> to vector<16xf32>
        %get3A_814 = arith.constant 109 : i32
        %get3A_815 = arith.index_cast %get3A_814 : i32 to index
        %get3A_816 = arith.index_cast %mul3A_99 : i32 to index
        %get3A_817 = tpu.vector_load %arg6[%get3A_815, %get3A_816] {strides = array<i32>} : memref<128x256xf32, #tpu.memory_space<vmem>>, vector<1x16xf32>,
        %get3A_818 = vector.shape_cast %get3A_817 : vector<1x16xf32> to vector<16xf32>
        %mul3A_819 = arith.mulf %get3A_813, %get3A_818 : vector<16xf32>
        %add3A_820 = arith.addf %add3A_808, %mul3A_819 : vector<16xf32>
        %get3A_821 = arith.constant 110 : i32
        %get3A_822 = arith.index_cast %get3A_821 : i32 to index
        %get3A_823 = arith.index_cast %mul3A_99 : i32 to index
        %get3A_824 = tpu.vector_load %arg6[%get3A_822, %get3A_823] {strides = array<i32>} : memref<128x256xf32, #tpu.memory_space<vmem>>, vector<1x16xf32>,
        %get3A_825 = vector.shape_cast %get3A_824 : vector<1x16xf32> to vector<16xf32>
        %get3A_826 = arith.constant 111 : i32
        %get3A_827 = arith.index_cast %get3A_826 : i32 to index
        %get3A_828 = arith.index_cast %mul3A_99 : i32 to index
        %get3A_829 = tpu.vector_load %arg6[%get3A_827, %get3A_828] {strides = array<i32>} : memref<128x256xf32, #tpu.memory_space<vmem>>, vector<1x16xf32>,
        %get3A_830 = vector.shape_cast %get3A_829 : vector<1x16xf32> to vector<16xf32>
        %mul3A_831 = arith.mulf %get3A_825, %get3A_830 : vector<16xf32>
        %add3A_832 = arith.addf %add3A_820, %mul3A_831 : vector<16xf32>
        %get3A_833 = arith.constant 112 : i32
        %get3A_834 = arith.index_cast %get3A_833 : i32 to index
        %get3A_835 = arith.index_cast %mul3A_99 : i32 to index
        %get3A_836 = tpu.vector_load %arg6[%get3A_834, %get3A_835] {strides = array<i32>} : memref<128x256xf32, #tpu.memory_space<vmem>>, vector<1x16xf32>,
        %get3A_837 = vector.shape_cast %get3A_836 : vector<1x16xf32> to vector<16xf32>
        %get3A_838 = arith.constant 113 : i32
        %get3A_839 = arith.index_cast %get3A_838 : i32 to index
        %get3A_840 = arith.index_cast %mul3A_99 : i32 to index
        %get3A_841 = tpu.vector_load %arg6[%get3A_839, %get3A_840] {strides = array<i32>} : memref<128x256xf32, #tpu.memory_space<vmem>>, vector<1x16xf32>,
        %get3A_842 = vector.shape_cast %get3A_841 : vector<1x16xf32> to vector<16xf32>
        %mul3A_843 = arith.mulf %get3A_837, %get3A_842 : vector<16xf32>
        %add3A_844 = arith.addf %add3A_832, %mul3A_843 : vector<16xf32>
        %get3A_845 = arith.constant 114 : i32
        %get3A_846 = arith.index_cast %get3A_845 : i32 to index
        %get3A_847 = arith.index_cast %mul3A_99 : i32 to index
        %get3A_848 = tpu.vector_load %arg6[%get3A_846, %get3A_847] {strides = array<i32>} : memref<128x256xf32, #tpu.memory_space<vmem>>, vector<1x16xf32>,
        %get3A_849 = vector.shape_cast %get3A_848 : vector<1x16xf32> to vector<16xf32>
        %get3A_850 = arith.constant 115 : i32
        %get3A_851 = arith.index_cast %get3A_850 : i32 to index
        %get3A_852 = arith.index_cast %mul3A_99 : i32 to index
        %get3A_853 = tpu.vector_load %arg6[%get3A_851, %get3A_852] {strides = array<i32>} : memref<128x256xf32, #tpu.memory_space<vmem>>, vector<1x16xf32>,
        %get3A_854 = vector.shape_cast %get3A_853 : vector<1x16xf32> to vector<16xf32>
        %mul3A_855 = arith.mulf %get3A_849, %get3A_854 : vector<16xf32>
        %add3A_856 = arith.addf %add3A_844, %mul3A_855 : vector<16xf32>
        %mul3A_857 = arith.constant 0.020833334 : f32
        %mul3A_858 = vector.broadcast %mul3A_857 : f32 to vector<16xf32>
        %mul3A_859 = arith.mulf %add3A_713, %mul3A_858 : vector<16xf32>
        %mul3A_860 = arith.constant 6.250000e-02 : f32
        %mul3A_861 = vector.broadcast %mul3A_860 : f32 to vector<16xf32>
        %mul3A_862 = arith.mulf %add3A_856, %mul3A_861 : vector<16xf32>
        %add3A_863 = arith.addf %mul3A_859, %mul3A_862 : vector<16xf32>
        %swap3A_864 = arith.constant 3 : i32
        %swap3A_865 = arith.index_cast %swap3A_864 : i32 to index
        %swap3A_866 = arith.index_cast %mul3A_99 : i32 to index
        %swap3A_867 = tpu.vector_load %arg8[%swap3A_865, %swap3A_866] {strides = array<i32>} : memref<4x256xf32, #tpu.memory_space<vmem>>, vector<1x16xf32>,
        %swap3A_868 = vector.shape_cast %swap3A_867 : vector<1x16xf32> to vector<16xf32>
        %swap3A_869 = vector.shape_cast %add3A_863 : vector<16xf32> to vector<1x16xf32>
        tpu.vector_store %arg8[%swap3A_865, %swap3A_866], %swap3A_869 {strides = array<i32>} : memref<4x256xf32, #tpu.memory_space<vmem>>, vector<1x16xf32>,
      }
      %scan3A_47 = arith.constant 16 : i32
      %mul3A_48 = arith.constant 4 : i32
      %mul3A_49 = arith.muli %add3A_32, %mul3A_48 : i32
      %add3A_50 = arith.addi %mul3A_2, %mul3A_49 : i32
      %dma_start3A_51 = arith.constant 0 : i32
      %dma_start3A_52 = tpu.memref_slice %arg4[%add3A_50, %dma_start3A_51] : memref<8192x256xf32, #tpu.memory_space<hbm>> -> memref<4x256xf32, #tpu.memory_space<hbm>>
      %dma_start3A_53 = arith.constant 0 : i32
      %dma_start3A_54 = tpu.memref_slice %arg4[%add3A_50, %dma_start3A_53] : memref<8192x256xf32, #tpu.memory_space<hbm>> -> memref<4x256xf32, #tpu.memory_space<hbm>>
      tpu.enqueue_dma source(%arg8 : memref<4x256xf32, #tpu.memory_space<vmem>>) target(%dma_start3A_54 : memref<4x256xf32, #tpu.memory_space<hbm>>) target_semaphore(%arg12 : memref<!tpu.dma_semaphore, #tpu.memory_space<semaphore_mem>>)
      %add3A_55 = arith.constant 2 : i32
      %add3A_56 = arith.addi %add3A_32, %add3A_55 : i32
      %lt3A = arith.constant 64 : i32
      %lt3A_57 = arith.cmpi slt, %add3A_56, %lt3A : i32
      %convert_element_type3A_58 = arith.extui %lt3A_57 : i1 to i32
      %cond3A_59 = arith.constant 0 : i32
      %cond3A_60 = arith.cmpi ne, %convert_element_type3A_58, %cond3A_59 : i32
      scf.if %cond3A_60 {
        %dma_start3A_97 = arith.constant 0 : i32
        %dma_start3A_98 = tpu.memref_slice %arg5[%add3A_56, %dma_start3A_97] : memref<64x128xi32, #tpu.memory_space<vmem>> -> memref<1x128xi32, #tpu.memory_space<vmem>>
        %dma_start3A_99 = tpu.memref_squeeze %dma_start3A_98 : memref<1x128xi32, #tpu.memory_space<vmem>> -> memref<128xi32, #tpu.memory_space<vmem>>
        %dma_start3A_100 = arith.constant 0 : i32
        %dma_start3A_101 = arith.constant 0 : i32
        %dma_start3A_102 = tpu.memref_slice %arg2[%dma_start3A_100, %dma_start3A_101] : memref<50000x256xf32, #tpu.memory_space<hbm>> -> memref<50000x256xf32, #tpu.memory_space<hbm>>
        tpu.enqueue_indirect_dma source(%dma_start3A_102 : memref<50000x256xf32, #tpu.memory_space<hbm>>) target(%arg6 : memref<128x256xf32, #tpu.memory_space<vmem>>) offsets(%dma_start3A_99 : memref<128xi32, #tpu.memory_space<vmem>>) semaphore(%arg10 : memref<!tpu.dma_semaphore, #tpu.memory_space<semaphore_mem>>)
      } else {
      }
      %mul3A_61 = arith.constant 2 : i32
      %mul3A_62 = arith.muli %scan3A_28, %mul3A_61 : i32
      %add3A_63 = arith.constant 1 : i32
      %add3A_64 = arith.addi %mul3A_62, %add3A_63 : i32
      %ge3A_65 = arith.constant 2 : i32
      %ge3A_66 = arith.cmpi sge, %add3A_64, %ge3A_65 : i32
      %convert_element_type3A_67 = arith.extui %ge3A_66 : i1 to i32
      %cond3A_68 = arith.constant 0 : i32
      %cond3A_69 = arith.cmpi ne, %convert_element_type3A_67, %cond3A_68 : i32
      scf.if %cond3A_69 {
        %dma_wait3A_97 = arith.constant 0 : i32
        %dma_wait3A_98 = tpu.memref_slice %arg4[%mul3A_2, %dma_wait3A_97] : memref<8192x256xf32, #tpu.memory_space<hbm>> -> memref<4x256xf32, #tpu.memory_space<hbm>>
        %dma_wait3A_99 = arith.constant 0 : i32
        %dma_wait3A_100 = tpu.memref_slice %arg4[%mul3A_2, %dma_wait3A_99] : memref<8192x256xf32, #tpu.memory_space<hbm>> -> memref<4x256xf32, #tpu.memory_space<hbm>>
        tpu.wait_dma2 semaphore(%arg13 : memref<!tpu.dma_semaphore, #tpu.memory_space<semaphore_mem>>) src(%arg9 : memref<4x256xf32, #tpu.memory_space<vmem>>) dst(%dma_wait3A_100 : memref<4x256xf32, #tpu.memory_space<hbm>>)
      } else {
      }
      %dma_wait3A_70 = arith.constant 0 : i32
      %dma_wait3A_71 = arith.constant 0 : i32
      %dma_wait3A_72 = tpu.memref_slice %arg5[%dma_wait3A_70, %dma_wait3A_71] : memref<64x128xi32, #tpu.memory_space<vmem>> -> memref<1x128xi32, #tpu.memory_space<vmem>>
      %dma_wait3A_73 = tpu.memref_squeeze %dma_wait3A_72 : memref<1x128xi32, #tpu.memory_space<vmem>> -> memref<128xi32, #tpu.memory_space<vmem>>
      %dma_wait3A_74 = arith.constant 0 : i32
      %dma_wait3A_75 = arith.constant 0 : i32
      %dma_wait3A_76 = tpu.memref_slice %arg2[%dma_wait3A_74, %dma_wait3A_75] : memref<50000x256xf32, #tpu.memory_space<hbm>> -> memref<50000x256xf32, #tpu.memory_space<hbm>>
      tpu.wait_indirect_dma semaphore(%arg11 : memref<!tpu.dma_semaphore, #tpu.memory_space<semaphore_mem>>) src(%dma_wait3A_76 : memref<50000x256xf32, #tpu.memory_space<hbm>>) dst(%arg7 : memref<128x256xf32, #tpu.memory_space<vmem>>)
      %scan3A_77 = arith.constant 0 : i32
      %scan3A_78 = arith.constant 0 : i32
      %scan3A_79 = arith.constant 16 : i32
      %scan3A_80 = arith.addi %scan3A_78, %scan3A_79 : i32
      %scan3A_81 = arith.constant 1 : i32
      scf.for %scan3A_97 = %scan3A_78 to %scan3A_80 step %scan3A_81  : i32 {
        %mul3A_98 = arith.constant 16 : i32
        %mul3A_99 = arith.muli %scan3A_97, %mul3A_98 : i32
        %get3A = arith.constant 0 : i32
        %get3A_100 = arith.index_cast %get3A : i32 to index
        %get3A_101 = arith.index_cast %mul3A_99 : i32 to index
        %get3A_102 = tpu.vector_load %arg7[%get3A_100, %get3A_101] {strides = array<i32>} : memref<128x256xf32, #tpu.memory_space<vmem>>, vector<1x16xf32>,
        %get3A_103 = vector.shape_cast %get3A_102 : vector<1x16xf32> to vector<16xf32>
        %add3A_104 = arith.addf %get3A_103, %get3A_103 : vector<16xf32>
        %get3A_105 = arith.constant 1 : i32
        %get3A_106 = arith.index_cast %get3A_105 : i32 to index
        %get3A_107 = arith.index_cast %mul3A_99 : i32 to index
        %get3A_108 = tpu.vector_load %arg7[%get3A_106, %get3A_107] {strides = array<i32>} : memref<128x256xf32, #tpu.memory_space<vmem>>, vector<1x16xf32>,
        %get3A_109 = vector.shape_cast %get3A_108 : vector<1x16xf32> to vector<16xf32>
        %add3A_110 = arith.addf %add3A_104, %get3A_109 : vector<16xf32>
        %mul3A_111 = arith.mulf %add3A_110, %get3A_109 : vector<16xf32>
        %get3A_112 = arith.constant 2 : i32
        %get3A_113 = arith.index_cast %get3A_112 : i32 to index
        %get3A_114 = arith.index_cast %mul3A_99 : i32 to index
        %get3A_115 = tpu.vector_load %arg7[%get3A_113, %get3A_114] {strides = array<i32>} : memref<128x256xf32, #tpu.memory_space<vmem>>, vector<1x16xf32>,
        %get3A_116 = vector.shape_cast %get3A_115 : vector<1x16xf32> to vector<16xf32>
        %add3A_117 = arith.addf %add3A_104, %get3A_116 : vector<16xf32>
        %mul3A_118 = arith.mulf %add3A_117, %get3A_116 : vector<16xf32>
        %add3A_119 = arith.addf %mul3A_111, %mul3A_118 : vector<16xf32>
        %get3A_120 = arith.constant 3 : i32
        %get3A_121 = arith.index_cast %get3A_120 : i32 to index
        %get3A_122 = arith.index_cast %mul3A_99 : i32 to index
        %get3A_123 = tpu.vector_load %arg7[%get3A_121, %get3A_122] {strides = array<i32>} : memref<128x256xf32, #tpu.memory_space<vmem>>, vector<1x16xf32>,
        %get3A_124 = vector.shape_cast %get3A_123 : vector<1x16xf32> to vector<16xf32>
        %add3A_125 = arith.addf %add3A_104, %get3A_124 : vector<16xf32>
        %mul3A_126 = arith.mulf %add3A_125, %get3A_124 : vector<16xf32>
        %add3A_127 = arith.addf %add3A_119, %mul3A_126 : vector<16xf32>
        %get3A_128 = arith.constant 4 : i32
        %get3A_129 = arith.index_cast %get3A_128 : i32 to index
        %get3A_130 = arith.index_cast %mul3A_99 : i32 to index
        %get3A_131 = tpu.vector_load %arg7[%get3A_129, %get3A_130] {strides = array<i32>} : memref<128x256xf32, #tpu.memory_space<vmem>>, vector<1x16xf32>,
        %get3A_132 = vector.shape_cast %get3A_131 : vector<1x16xf32> to vector<16xf32>
        %add3A_133 = arith.addf %add3A_104, %get3A_132 : vector<16xf32>
        %mul3A_134 = arith.mulf %add3A_133, %get3A_132 : vector<16xf32>
        %add3A_135 = arith.addf %add3A_127, %mul3A_134 : vector<16xf32>
        %get3A_136 = arith.constant 5 : i32
        %get3A_137 = arith.index_cast %get3A_136 : i32 to index
        %get3A_138 = arith.index_cast %mul3A_99 : i32 to index
        %get3A_139 = tpu.vector_load %arg7[%get3A_137, %get3A_138] {strides = array<i32>} : memref<128x256xf32, #tpu.memory_space<vmem>>, vector<1x16xf32>,
        %get3A_140 = vector.shape_cast %get3A_139 : vector<1x16xf32> to vector<16xf32>
        %get3A_141 = arith.constant 6 : i32
        %get3A_142 = arith.index_cast %get3A_141 : i32 to index
        %get3A_143 = arith.index_cast %mul3A_99 : i32 to index
        %get3A_144 = tpu.vector_load %arg7[%get3A_142, %get3A_143] {strides = array<i32>} : memref<128x256xf32, #tpu.memory_space<vmem>>, vector<1x16xf32>,
        %get3A_145 = vector.shape_cast %get3A_144 : vector<1x16xf32> to vector<16xf32>
        %mul3A_146 = arith.mulf %get3A_140, %get3A_145 : vector<16xf32>
        %get3A_147 = arith.constant 7 : i32
        %get3A_148 = arith.index_cast %get3A_147 : i32 to index
        %get3A_149 = arith.index_cast %mul3A_99 : i32 to index
        %get3A_150 = tpu.vector_load %arg7[%get3A_148, %get3A_149] {strides = array<i32>} : memref<128x256xf32, #tpu.memory_space<vmem>>, vector<1x16xf32>,
        %get3A_151 = vector.shape_cast %get3A_150 : vector<1x16xf32> to vector<16xf32>
        %get3A_152 = arith.constant 8 : i32
        %get3A_153 = arith.index_cast %get3A_152 : i32 to index
        %get3A_154 = arith.index_cast %mul3A_99 : i32 to index
        %get3A_155 = tpu.vector_load %arg7[%get3A_153, %get3A_154] {strides = array<i32>} : memref<128x256xf32, #tpu.memory_space<vmem>>, vector<1x16xf32>,
        %get3A_156 = vector.shape_cast %get3A_155 : vector<1x16xf32> to vector<16xf32>
        %mul3A_157 = arith.mulf %get3A_151, %get3A_156 : vector<16xf32>
        %add3A_158 = arith.addf %mul3A_146, %mul3A_157 : vector<16xf32>
        %get3A_159 = arith.constant 9 : i32
        %get3A_160 = arith.index_cast %get3A_159 : i32 to index
        %get3A_161 = arith.index_cast %mul3A_99 : i32 to index
        %get3A_162 = tpu.vector_load %arg7[%get3A_160, %get3A_161] {strides = array<i32>} : memref<128x256xf32, #tpu.memory_space<vmem>>, vector<1x16xf32>,
        %get3A_163 = vector.shape_cast %get3A_162 : vector<1x16xf32> to vector<16xf32>
        %get3A_164 = arith.constant 10 : i32
        %get3A_165 = arith.index_cast %get3A_164 : i32 to index
        %get3A_166 = arith.index_cast %mul3A_99 : i32 to index
        %get3A_167 = tpu.vector_load %arg7[%get3A_165, %get3A_166] {strides = array<i32>} : memref<128x256xf32, #tpu.memory_space<vmem>>, vector<1x16xf32>,
        %get3A_168 = vector.shape_cast %get3A_167 : vector<1x16xf32> to vector<16xf32>
        %mul3A_169 = arith.mulf %get3A_163, %get3A_168 : vector<16xf32>
        %add3A_170 = arith.addf %add3A_158, %mul3A_169 : vector<16xf32>
        %get3A_171 = arith.constant 11 : i32
        %get3A_172 = arith.index_cast %get3A_171 : i32 to index
        %get3A_173 = arith.index_cast %mul3A_99 : i32 to index
        %get3A_174 = tpu.vector_load %arg7[%get3A_172, %get3A_173] {strides = array<i32>} : memref<128x256xf32, #tpu.memory_space<vmem>>, vector<1x16xf32>,
        %get3A_175 = vector.shape_cast %get3A_174 : vector<1x16xf32> to vector<16xf32>
        %get3A_176 = arith.constant 12 : i32
        %get3A_177 = arith.index_cast %get3A_176 : i32 to index
        %get3A_178 = arith.index_cast %mul3A_99 : i32 to index
        %get3A_179 = tpu.vector_load %arg7[%get3A_177, %get3A_178] {strides = array<i32>} : memref<128x256xf32, #tpu.memory_space<vmem>>, vector<1x16xf32>,
        %get3A_180 = vector.shape_cast %get3A_179 : vector<1x16xf32> to vector<16xf32>
        %mul3A_181 = arith.mulf %get3A_175, %get3A_180 : vector<16xf32>
        %add3A_182 = arith.addf %add3A_170, %mul3A_181 : vector<16xf32>
        %get3A_183 = arith.constant 13 : i32
        %get3A_184 = arith.index_cast %get3A_183 : i32 to index
        %get3A_185 = arith.index_cast %mul3A_99 : i32 to index
        %get3A_186 = tpu.vector_load %arg7[%get3A_184, %get3A_185] {strides = array<i32>} : memref<128x256xf32, #tpu.memory_space<vmem>>, vector<1x16xf32>,
        %get3A_187 = vector.shape_cast %get3A_186 : vector<1x16xf32> to vector<16xf32>
        %get3A_188 = arith.constant 14 : i32
        %get3A_189 = arith.index_cast %get3A_188 : i32 to index
        %get3A_190 = arith.index_cast %mul3A_99 : i32 to index
        %get3A_191 = tpu.vector_load %arg7[%get3A_189, %get3A_190] {strides = array<i32>} : memref<128x256xf32, #tpu.memory_space<vmem>>, vector<1x16xf32>,
        %get3A_192 = vector.shape_cast %get3A_191 : vector<1x16xf32> to vector<16xf32>
        %mul3A_193 = arith.mulf %get3A_187, %get3A_192 : vector<16xf32>
        %add3A_194 = arith.addf %add3A_182, %mul3A_193 : vector<16xf32>
        %get3A_195 = arith.constant 15 : i32
        %get3A_196 = arith.index_cast %get3A_195 : i32 to index
        %get3A_197 = arith.index_cast %mul3A_99 : i32 to index
        %get3A_198 = tpu.vector_load %arg7[%get3A_196, %get3A_197] {strides = array<i32>} : memref<128x256xf32, #tpu.memory_space<vmem>>, vector<1x16xf32>,
        %get3A_199 = vector.shape_cast %get3A_198 : vector<1x16xf32> to vector<16xf32>
        %get3A_200 = arith.constant 16 : i32
        %get3A_201 = arith.index_cast %get3A_200 : i32 to index
        %get3A_202 = arith.index_cast %mul3A_99 : i32 to index
        %get3A_203 = tpu.vector_load %arg7[%get3A_201, %get3A_202] {strides = array<i32>} : memref<128x256xf32, #tpu.memory_space<vmem>>, vector<1x16xf32>,
        %get3A_204 = vector.shape_cast %get3A_203 : vector<1x16xf32> to vector<16xf32>
        %mul3A_205 = arith.mulf %get3A_199, %get3A_204 : vector<16xf32>
        %add3A_206 = arith.addf %add3A_194, %mul3A_205 : vector<16xf32>
        %get3A_207 = arith.constant 17 : i32
        %get3A_208 = arith.index_cast %get3A_207 : i32 to index
        %get3A_209 = arith.index_cast %mul3A_99 : i32 to index
        %get3A_210 = tpu.vector_load %arg7[%get3A_208, %get3A_209] {strides = array<i32>} : memref<128x256xf32, #tpu.memory_space<vmem>>, vector<1x16xf32>,
        %get3A_211 = vector.shape_cast %get3A_210 : vector<1x16xf32> to vector<16xf32>
        %get3A_212 = arith.constant 18 : i32
        %get3A_213 = arith.index_cast %get3A_212 : i32 to index
        %get3A_214 = arith.index_cast %mul3A_99 : i32 to index
        %get3A_215 = tpu.vector_load %arg7[%get3A_213, %get3A_214] {strides = array<i32>} : memref<128x256xf32, #tpu.memory_space<vmem>>, vector<1x16xf32>,
        %get3A_216 = vector.shape_cast %get3A_215 : vector<1x16xf32> to vector<16xf32>
        %mul3A_217 = arith.mulf %get3A_211, %get3A_216 : vector<16xf32>
        %add3A_218 = arith.addf %add3A_206, %mul3A_217 : vector<16xf32>
        %get3A_219 = arith.constant 19 : i32
        %get3A_220 = arith.index_cast %get3A_219 : i32 to index
        %get3A_221 = arith.index_cast %mul3A_99 : i32 to index
        %get3A_222 = tpu.vector_load %arg7[%get3A_220, %get3A_221] {strides = array<i32>} : memref<128x256xf32, #tpu.memory_space<vmem>>, vector<1x16xf32>,
        %get3A_223 = vector.shape_cast %get3A_222 : vector<1x16xf32> to vector<16xf32>
        %get3A_224 = arith.constant 20 : i32
        %get3A_225 = arith.index_cast %get3A_224 : i32 to index
        %get3A_226 = arith.index_cast %mul3A_99 : i32 to index
        %get3A_227 = tpu.vector_load %arg7[%get3A_225, %get3A_226] {strides = array<i32>} : memref<128x256xf32, #tpu.memory_space<vmem>>, vector<1x16xf32>,
        %get3A_228 = vector.shape_cast %get3A_227 : vector<1x16xf32> to vector<16xf32>
        %mul3A_229 = arith.mulf %get3A_223, %get3A_228 : vector<16xf32>
        %add3A_230 = arith.addf %add3A_218, %mul3A_229 : vector<16xf32>
        %get3A_231 = arith.constant 21 : i32
        %get3A_232 = arith.index_cast %get3A_231 : i32 to index
        %get3A_233 = arith.index_cast %mul3A_99 : i32 to index
        %get3A_234 = tpu.vector_load %arg7[%get3A_232, %get3A_233] {strides = array<i32>} : memref<128x256xf32, #tpu.memory_space<vmem>>, vector<1x16xf32>,
        %get3A_235 = vector.shape_cast %get3A_234 : vector<1x16xf32> to vector<16xf32>
        %get3A_236 = arith.constant 22 : i32
        %get3A_237 = arith.index_cast %get3A_236 : i32 to index
        %get3A_238 = arith.index_cast %mul3A_99 : i32 to index
        %get3A_239 = tpu.vector_load %arg7[%get3A_237, %get3A_238] {strides = array<i32>} : memref<128x256xf32, #tpu.memory_space<vmem>>, vector<1x16xf32>,
        %get3A_240 = vector.shape_cast %get3A_239 : vector<1x16xf32> to vector<16xf32>
        %mul3A_241 = arith.mulf %get3A_235, %get3A_240 : vector<16xf32>
        %add3A_242 = arith.addf %add3A_230, %mul3A_241 : vector<16xf32>
        %get3A_243 = arith.constant 23 : i32
        %get3A_244 = arith.index_cast %get3A_243 : i32 to index
        %get3A_245 = arith.index_cast %mul3A_99 : i32 to index
        %get3A_246 = tpu.vector_load %arg7[%get3A_244, %get3A_245] {strides = array<i32>} : memref<128x256xf32, #tpu.memory_space<vmem>>, vector<1x16xf32>,
        %get3A_247 = vector.shape_cast %get3A_246 : vector<1x16xf32> to vector<16xf32>
        %get3A_248 = arith.constant 24 : i32
        %get3A_249 = arith.index_cast %get3A_248 : i32 to index
        %get3A_250 = arith.index_cast %mul3A_99 : i32 to index
        %get3A_251 = tpu.vector_load %arg7[%get3A_249, %get3A_250] {strides = array<i32>} : memref<128x256xf32, #tpu.memory_space<vmem>>, vector<1x16xf32>,
        %get3A_252 = vector.shape_cast %get3A_251 : vector<1x16xf32> to vector<16xf32>
        %mul3A_253 = arith.mulf %get3A_247, %get3A_252 : vector<16xf32>
        %add3A_254 = arith.addf %add3A_242, %mul3A_253 : vector<16xf32>
        %get3A_255 = arith.constant 25 : i32
        %get3A_256 = arith.index_cast %get3A_255 : i32 to index
        %get3A_257 = arith.index_cast %mul3A_99 : i32 to index
        %get3A_258 = tpu.vector_load %arg7[%get3A_256, %get3A_257] {strides = array<i32>} : memref<128x256xf32, #tpu.memory_space<vmem>>, vector<1x16xf32>,
        %get3A_259 = vector.shape_cast %get3A_258 : vector<1x16xf32> to vector<16xf32>
        %get3A_260 = arith.constant 26 : i32
        %get3A_261 = arith.index_cast %get3A_260 : i32 to index
        %get3A_262 = arith.index_cast %mul3A_99 : i32 to index
        %get3A_263 = tpu.vector_load %arg7[%get3A_261, %get3A_262] {strides = array<i32>} : memref<128x256xf32, #tpu.memory_space<vmem>>, vector<1x16xf32>,
        %get3A_264 = vector.shape_cast %get3A_263 : vector<1x16xf32> to vector<16xf32>
        %mul3A_265 = arith.mulf %get3A_259, %get3A_264 : vector<16xf32>
        %add3A_266 = arith.addf %add3A_254, %mul3A_265 : vector<16xf32>
        %get3A_267 = arith.constant 27 : i32
        %get3A_268 = arith.index_cast %get3A_267 : i32 to index
        %get3A_269 = arith.index_cast %mul3A_99 : i32 to index
        %get3A_270 = tpu.vector_load %arg7[%get3A_268, %get3A_269] {strides = array<i32>} : memref<128x256xf32, #tpu.memory_space<vmem>>, vector<1x16xf32>,
        %get3A_271 = vector.shape_cast %get3A_270 : vector<1x16xf32> to vector<16xf32>
        %get3A_272 = arith.constant 28 : i32
        %get3A_273 = arith.index_cast %get3A_272 : i32 to index
        %get3A_274 = arith.index_cast %mul3A_99 : i32 to index
        %get3A_275 = tpu.vector_load %arg7[%get3A_273, %get3A_274] {strides = array<i32>} : memref<128x256xf32, #tpu.memory_space<vmem>>, vector<1x16xf32>,
        %get3A_276 = vector.shape_cast %get3A_275 : vector<1x16xf32> to vector<16xf32>
        %mul3A_277 = arith.mulf %get3A_271, %get3A_276 : vector<16xf32>
        %add3A_278 = arith.addf %add3A_266, %mul3A_277 : vector<16xf32>
        %mul3A_279 = arith.constant 0.020833334 : f32
        %mul3A_280 = vector.broadcast %mul3A_279 : f32 to vector<16xf32>
        %mul3A_281 = arith.mulf %add3A_135, %mul3A_280 : vector<16xf32>
        %mul3A_282 = arith.constant 6.250000e-02 : f32
        %mul3A_283 = vector.broadcast %mul3A_282 : f32 to vector<16xf32>
        %mul3A_284 = arith.mulf %add3A_278, %mul3A_283 : vector<16xf32>
        %add3A_285 = arith.addf %mul3A_281, %mul3A_284 : vector<16xf32>
        %swap3A = arith.constant 0 : i32
        %swap3A_286 = arith.index_cast %swap3A : i32 to index
        %swap3A_287 = arith.index_cast %mul3A_99 : i32 to index
        %swap3A_288 = tpu.vector_load %arg9[%swap3A_286, %swap3A_287] {strides = array<i32>} : memref<4x256xf32, #tpu.memory_space<vmem>>, vector<1x16xf32>,
        %swap3A_289 = vector.shape_cast %swap3A_288 : vector<1x16xf32> to vector<16xf32>
        %swap3A_290 = vector.shape_cast %add3A_285 : vector<16xf32> to vector<1x16xf32>
        tpu.vector_store %arg9[%swap3A_286, %swap3A_287], %swap3A_290 {strides = array<i32>} : memref<4x256xf32, #tpu.memory_space<vmem>>, vector<1x16xf32>,
        %get3A_291 = arith.constant 29 : i32
        %get3A_292 = arith.index_cast %get3A_291 : i32 to index
        %get3A_293 = arith.index_cast %mul3A_99 : i32 to index
        %get3A_294 = tpu.vector_load %arg7[%get3A_292, %get3A_293] {strides = array<i32>} : memref<128x256xf32, #tpu.memory_space<vmem>>, vector<1x16xf32>,
        %get3A_295 = vector.shape_cast %get3A_294 : vector<1x16xf32> to vector<16xf32>
        %add3A_296 = arith.addf %get3A_295, %get3A_295 : vector<16xf32>
        %get3A_297 = arith.constant 30 : i32
        %get3A_298 = arith.index_cast %get3A_297 : i32 to index
        %get3A_299 = arith.index_cast %mul3A_99 : i32 to index
        %get3A_300 = tpu.vector_load %arg7[%get3A_298, %get3A_299] {strides = array<i32>} : memref<128x256xf32, #tpu.memory_space<vmem>>, vector<1x16xf32>,
        %get3A_301 = vector.shape_cast %get3A_300 : vector<1x16xf32> to vector<16xf32>
        %add3A_302 = arith.addf %add3A_296, %get3A_301 : vector<16xf32>
        %mul3A_303 = arith.mulf %add3A_302, %get3A_301 : vector<16xf32>
        %get3A_304 = arith.constant 31 : i32
        %get3A_305 = arith.index_cast %get3A_304 : i32 to index
        %get3A_306 = arith.index_cast %mul3A_99 : i32 to index
        %get3A_307 = tpu.vector_load %arg7[%get3A_305, %get3A_306] {strides = array<i32>} : memref<128x256xf32, #tpu.memory_space<vmem>>, vector<1x16xf32>,
        %get3A_308 = vector.shape_cast %get3A_307 : vector<1x16xf32> to vector<16xf32>
        %add3A_309 = arith.addf %add3A_296, %get3A_308 : vector<16xf32>
        %mul3A_310 = arith.mulf %add3A_309, %get3A_308 : vector<16xf32>
        %add3A_311 = arith.addf %mul3A_303, %mul3A_310 : vector<16xf32>
        %get3A_312 = arith.constant 32 : i32
        %get3A_313 = arith.index_cast %get3A_312 : i32 to index
        %get3A_314 = arith.index_cast %mul3A_99 : i32 to index
        %get3A_315 = tpu.vector_load %arg7[%get3A_313, %get3A_314] {strides = array<i32>} : memref<128x256xf32, #tpu.memory_space<vmem>>, vector<1x16xf32>,
        %get3A_316 = vector.shape_cast %get3A_315 : vector<1x16xf32> to vector<16xf32>
        %add3A_317 = arith.addf %add3A_296, %get3A_316 : vector<16xf32>
        %mul3A_318 = arith.mulf %add3A_317, %get3A_316 : vector<16xf32>
        %add3A_319 = arith.addf %add3A_311, %mul3A_318 : vector<16xf32>
        %get3A_320 = arith.constant 33 : i32
        %get3A_321 = arith.index_cast %get3A_320 : i32 to index
        %get3A_322 = arith.index_cast %mul3A_99 : i32 to index
        %get3A_323 = tpu.vector_load %arg7[%get3A_321, %get3A_322] {strides = array<i32>} : memref<128x256xf32, #tpu.memory_space<vmem>>, vector<1x16xf32>,
        %get3A_324 = vector.shape_cast %get3A_323 : vector<1x16xf32> to vector<16xf32>
        %add3A_325 = arith.addf %add3A_296, %get3A_324 : vector<16xf32>
        %mul3A_326 = arith.mulf %add3A_325, %get3A_324 : vector<16xf32>
        %add3A_327 = arith.addf %add3A_319, %mul3A_326 : vector<16xf32>
        %get3A_328 = arith.constant 34 : i32
        %get3A_329 = arith.index_cast %get3A_328 : i32 to index
        %get3A_330 = arith.index_cast %mul3A_99 : i32 to index
        %get3A_331 = tpu.vector_load %arg7[%get3A_329, %get3A_330] {strides = array<i32>} : memref<128x256xf32, #tpu.memory_space<vmem>>, vector<1x16xf32>,
        %get3A_332 = vector.shape_cast %get3A_331 : vector<1x16xf32> to vector<16xf32>
        %get3A_333 = arith.constant 35 : i32
        %get3A_334 = arith.index_cast %get3A_333 : i32 to index
        %get3A_335 = arith.index_cast %mul3A_99 : i32 to index
        %get3A_336 = tpu.vector_load %arg7[%get3A_334, %get3A_335] {strides = array<i32>} : memref<128x256xf32, #tpu.memory_space<vmem>>, vector<1x16xf32>,
        %get3A_337 = vector.shape_cast %get3A_336 : vector<1x16xf32> to vector<16xf32>
        %mul3A_338 = arith.mulf %get3A_332, %get3A_337 : vector<16xf32>
        %get3A_339 = arith.constant 36 : i32
        %get3A_340 = arith.index_cast %get3A_339 : i32 to index
        %get3A_341 = arith.index_cast %mul3A_99 : i32 to index
        %get3A_342 = tpu.vector_load %arg7[%get3A_340, %get3A_341] {strides = array<i32>} : memref<128x256xf32, #tpu.memory_space<vmem>>, vector<1x16xf32>,
        %get3A_343 = vector.shape_cast %get3A_342 : vector<1x16xf32> to vector<16xf32>
        %get3A_344 = arith.constant 37 : i32
        %get3A_345 = arith.index_cast %get3A_344 : i32 to index
        %get3A_346 = arith.index_cast %mul3A_99 : i32 to index
        %get3A_347 = tpu.vector_load %arg7[%get3A_345, %get3A_346] {strides = array<i32>} : memref<128x256xf32, #tpu.memory_space<vmem>>, vector<1x16xf32>,
        %get3A_348 = vector.shape_cast %get3A_347 : vector<1x16xf32> to vector<16xf32>
        %mul3A_349 = arith.mulf %get3A_343, %get3A_348 : vector<16xf32>
        %add3A_350 = arith.addf %mul3A_338, %mul3A_349 : vector<16xf32>
        %get3A_351 = arith.constant 38 : i32
        %get3A_352 = arith.index_cast %get3A_351 : i32 to index
        %get3A_353 = arith.index_cast %mul3A_99 : i32 to index
        %get3A_354 = tpu.vector_load %arg7[%get3A_352, %get3A_353] {strides = array<i32>} : memref<128x256xf32, #tpu.memory_space<vmem>>, vector<1x16xf32>,
        %get3A_355 = vector.shape_cast %get3A_354 : vector<1x16xf32> to vector<16xf32>
        %get3A_356 = arith.constant 39 : i32
        %get3A_357 = arith.index_cast %get3A_356 : i32 to index
        %get3A_358 = arith.index_cast %mul3A_99 : i32 to index
        %get3A_359 = tpu.vector_load %arg7[%get3A_357, %get3A_358] {strides = array<i32>} : memref<128x256xf32, #tpu.memory_space<vmem>>, vector<1x16xf32>,
        %get3A_360 = vector.shape_cast %get3A_359 : vector<1x16xf32> to vector<16xf32>
        %mul3A_361 = arith.mulf %get3A_355, %get3A_360 : vector<16xf32>
        %add3A_362 = arith.addf %add3A_350, %mul3A_361 : vector<16xf32>
        %get3A_363 = arith.constant 40 : i32
        %get3A_364 = arith.index_cast %get3A_363 : i32 to index
        %get3A_365 = arith.index_cast %mul3A_99 : i32 to index
        %get3A_366 = tpu.vector_load %arg7[%get3A_364, %get3A_365] {strides = array<i32>} : memref<128x256xf32, #tpu.memory_space<vmem>>, vector<1x16xf32>,
        %get3A_367 = vector.shape_cast %get3A_366 : vector<1x16xf32> to vector<16xf32>
        %get3A_368 = arith.constant 41 : i32
        %get3A_369 = arith.index_cast %get3A_368 : i32 to index
        %get3A_370 = arith.index_cast %mul3A_99 : i32 to index
        %get3A_371 = tpu.vector_load %arg7[%get3A_369, %get3A_370] {strides = array<i32>} : memref<128x256xf32, #tpu.memory_space<vmem>>, vector<1x16xf32>,
        %get3A_372 = vector.shape_cast %get3A_371 : vector<1x16xf32> to vector<16xf32>
        %mul3A_373 = arith.mulf %get3A_367, %get3A_372 : vector<16xf32>
        %add3A_374 = arith.addf %add3A_362, %mul3A_373 : vector<16xf32>
        %get3A_375 = arith.constant 42 : i32
        %get3A_376 = arith.index_cast %get3A_375 : i32 to index
        %get3A_377 = arith.index_cast %mul3A_99 : i32 to index
        %get3A_378 = tpu.vector_load %arg7[%get3A_376, %get3A_377] {strides = array<i32>} : memref<128x256xf32, #tpu.memory_space<vmem>>, vector<1x16xf32>,
        %get3A_379 = vector.shape_cast %get3A_378 : vector<1x16xf32> to vector<16xf32>
        %get3A_380 = arith.constant 43 : i32
        %get3A_381 = arith.index_cast %get3A_380 : i32 to index
        %get3A_382 = arith.index_cast %mul3A_99 : i32 to index
        %get3A_383 = tpu.vector_load %arg7[%get3A_381, %get3A_382] {strides = array<i32>} : memref<128x256xf32, #tpu.memory_space<vmem>>, vector<1x16xf32>,
        %get3A_384 = vector.shape_cast %get3A_383 : vector<1x16xf32> to vector<16xf32>
        %mul3A_385 = arith.mulf %get3A_379, %get3A_384 : vector<16xf32>
        %add3A_386 = arith.addf %add3A_374, %mul3A_385 : vector<16xf32>
        %get3A_387 = arith.constant 44 : i32
        %get3A_388 = arith.index_cast %get3A_387 : i32 to index
        %get3A_389 = arith.index_cast %mul3A_99 : i32 to index
        %get3A_390 = tpu.vector_load %arg7[%get3A_388, %get3A_389] {strides = array<i32>} : memref<128x256xf32, #tpu.memory_space<vmem>>, vector<1x16xf32>,
        %get3A_391 = vector.shape_cast %get3A_390 : vector<1x16xf32> to vector<16xf32>
        %get3A_392 = arith.constant 45 : i32
        %get3A_393 = arith.index_cast %get3A_392 : i32 to index
        %get3A_394 = arith.index_cast %mul3A_99 : i32 to index
        %get3A_395 = tpu.vector_load %arg7[%get3A_393, %get3A_394] {strides = array<i32>} : memref<128x256xf32, #tpu.memory_space<vmem>>, vector<1x16xf32>,
        %get3A_396 = vector.shape_cast %get3A_395 : vector<1x16xf32> to vector<16xf32>
        %mul3A_397 = arith.mulf %get3A_391, %get3A_396 : vector<16xf32>
        %add3A_398 = arith.addf %add3A_386, %mul3A_397 : vector<16xf32>
        %get3A_399 = arith.constant 46 : i32
        %get3A_400 = arith.index_cast %get3A_399 : i32 to index
        %get3A_401 = arith.index_cast %mul3A_99 : i32 to index
        %get3A_402 = tpu.vector_load %arg7[%get3A_400, %get3A_401] {strides = array<i32>} : memref<128x256xf32, #tpu.memory_space<vmem>>, vector<1x16xf32>,
        %get3A_403 = vector.shape_cast %get3A_402 : vector<1x16xf32> to vector<16xf32>
        %get3A_404 = arith.constant 47 : i32
        %get3A_405 = arith.index_cast %get3A_404 : i32 to index
        %get3A_406 = arith.index_cast %mul3A_99 : i32 to index
        %get3A_407 = tpu.vector_load %arg7[%get3A_405, %get3A_406] {strides = array<i32>} : memref<128x256xf32, #tpu.memory_space<vmem>>, vector<1x16xf32>,
        %get3A_408 = vector.shape_cast %get3A_407 : vector<1x16xf32> to vector<16xf32>
        %mul3A_409 = arith.mulf %get3A_403, %get3A_408 : vector<16xf32>
        %add3A_410 = arith.addf %add3A_398, %mul3A_409 : vector<16xf32>
        %get3A_411 = arith.constant 48 : i32
        %get3A_412 = arith.index_cast %get3A_411 : i32 to index
        %get3A_413 = arith.index_cast %mul3A_99 : i32 to index
        %get3A_414 = tpu.vector_load %arg7[%get3A_412, %get3A_413] {strides = array<i32>} : memref<128x256xf32, #tpu.memory_space<vmem>>, vector<1x16xf32>,
        %get3A_415 = vector.shape_cast %get3A_414 : vector<1x16xf32> to vector<16xf32>
        %get3A_416 = arith.constant 49 : i32
        %get3A_417 = arith.index_cast %get3A_416 : i32 to index
        %get3A_418 = arith.index_cast %mul3A_99 : i32 to index
        %get3A_419 = tpu.vector_load %arg7[%get3A_417, %get3A_418] {strides = array<i32>} : memref<128x256xf32, #tpu.memory_space<vmem>>, vector<1x16xf32>,
        %get3A_420 = vector.shape_cast %get3A_419 : vector<1x16xf32> to vector<16xf32>
        %mul3A_421 = arith.mulf %get3A_415, %get3A_420 : vector<16xf32>
        %add3A_422 = arith.addf %add3A_410, %mul3A_421 : vector<16xf32>
        %get3A_423 = arith.constant 50 : i32
        %get3A_424 = arith.index_cast %get3A_423 : i32 to index
        %get3A_425 = arith.index_cast %mul3A_99 : i32 to index
        %get3A_426 = tpu.vector_load %arg7[%get3A_424, %get3A_425] {strides = array<i32>} : memref<128x256xf32, #tpu.memory_space<vmem>>, vector<1x16xf32>,
        %get3A_427 = vector.shape_cast %get3A_426 : vector<1x16xf32> to vector<16xf32>
        %get3A_428 = arith.constant 51 : i32
        %get3A_429 = arith.index_cast %get3A_428 : i32 to index
        %get3A_430 = arith.index_cast %mul3A_99 : i32 to index
        %get3A_431 = tpu.vector_load %arg7[%get3A_429, %get3A_430] {strides = array<i32>} : memref<128x256xf32, #tpu.memory_space<vmem>>, vector<1x16xf32>,
        %get3A_432 = vector.shape_cast %get3A_431 : vector<1x16xf32> to vector<16xf32>
        %mul3A_433 = arith.mulf %get3A_427, %get3A_432 : vector<16xf32>
        %add3A_434 = arith.addf %add3A_422, %mul3A_433 : vector<16xf32>
        %get3A_435 = arith.constant 52 : i32
        %get3A_436 = arith.index_cast %get3A_435 : i32 to index
        %get3A_437 = arith.index_cast %mul3A_99 : i32 to index
        %get3A_438 = tpu.vector_load %arg7[%get3A_436, %get3A_437] {strides = array<i32>} : memref<128x256xf32, #tpu.memory_space<vmem>>, vector<1x16xf32>,
        %get3A_439 = vector.shape_cast %get3A_438 : vector<1x16xf32> to vector<16xf32>
        %get3A_440 = arith.constant 53 : i32
        %get3A_441 = arith.index_cast %get3A_440 : i32 to index
        %get3A_442 = arith.index_cast %mul3A_99 : i32 to index
        %get3A_443 = tpu.vector_load %arg7[%get3A_441, %get3A_442] {strides = array<i32>} : memref<128x256xf32, #tpu.memory_space<vmem>>, vector<1x16xf32>,
        %get3A_444 = vector.shape_cast %get3A_443 : vector<1x16xf32> to vector<16xf32>
        %mul3A_445 = arith.mulf %get3A_439, %get3A_444 : vector<16xf32>
        %add3A_446 = arith.addf %add3A_434, %mul3A_445 : vector<16xf32>
        %get3A_447 = arith.constant 54 : i32
        %get3A_448 = arith.index_cast %get3A_447 : i32 to index
        %get3A_449 = arith.index_cast %mul3A_99 : i32 to index
        %get3A_450 = tpu.vector_load %arg7[%get3A_448, %get3A_449] {strides = array<i32>} : memref<128x256xf32, #tpu.memory_space<vmem>>, vector<1x16xf32>,
        %get3A_451 = vector.shape_cast %get3A_450 : vector<1x16xf32> to vector<16xf32>
        %get3A_452 = arith.constant 55 : i32
        %get3A_453 = arith.index_cast %get3A_452 : i32 to index
        %get3A_454 = arith.index_cast %mul3A_99 : i32 to index
        %get3A_455 = tpu.vector_load %arg7[%get3A_453, %get3A_454] {strides = array<i32>} : memref<128x256xf32, #tpu.memory_space<vmem>>, vector<1x16xf32>,
        %get3A_456 = vector.shape_cast %get3A_455 : vector<1x16xf32> to vector<16xf32>
        %mul3A_457 = arith.mulf %get3A_451, %get3A_456 : vector<16xf32>
        %add3A_458 = arith.addf %add3A_446, %mul3A_457 : vector<16xf32>
        %get3A_459 = arith.constant 56 : i32
        %get3A_460 = arith.index_cast %get3A_459 : i32 to index
        %get3A_461 = arith.index_cast %mul3A_99 : i32 to index
        %get3A_462 = tpu.vector_load %arg7[%get3A_460, %get3A_461] {strides = array<i32>} : memref<128x256xf32, #tpu.memory_space<vmem>>, vector<1x16xf32>,
        %get3A_463 = vector.shape_cast %get3A_462 : vector<1x16xf32> to vector<16xf32>
        %get3A_464 = arith.constant 57 : i32
        %get3A_465 = arith.index_cast %get3A_464 : i32 to index
        %get3A_466 = arith.index_cast %mul3A_99 : i32 to index
        %get3A_467 = tpu.vector_load %arg7[%get3A_465, %get3A_466] {strides = array<i32>} : memref<128x256xf32, #tpu.memory_space<vmem>>, vector<1x16xf32>,
        %get3A_468 = vector.shape_cast %get3A_467 : vector<1x16xf32> to vector<16xf32>
        %mul3A_469 = arith.mulf %get3A_463, %get3A_468 : vector<16xf32>
        %add3A_470 = arith.addf %add3A_458, %mul3A_469 : vector<16xf32>
        %mul3A_471 = arith.constant 0.020833334 : f32
        %mul3A_472 = vector.broadcast %mul3A_471 : f32 to vector<16xf32>
        %mul3A_473 = arith.mulf %add3A_327, %mul3A_472 : vector<16xf32>
        %mul3A_474 = arith.constant 6.250000e-02 : f32
        %mul3A_475 = vector.broadcast %mul3A_474 : f32 to vector<16xf32>
        %mul3A_476 = arith.mulf %add3A_470, %mul3A_475 : vector<16xf32>
        %add3A_477 = arith.addf %mul3A_473, %mul3A_476 : vector<16xf32>
        %swap3A_478 = arith.constant 1 : i32
        %swap3A_479 = arith.index_cast %swap3A_478 : i32 to index
        %swap3A_480 = arith.index_cast %mul3A_99 : i32 to index
        %swap3A_481 = tpu.vector_load %arg9[%swap3A_479, %swap3A_480] {strides = array<i32>} : memref<4x256xf32, #tpu.memory_space<vmem>>, vector<1x16xf32>,
        %swap3A_482 = vector.shape_cast %swap3A_481 : vector<1x16xf32> to vector<16xf32>
        %swap3A_483 = vector.shape_cast %add3A_477 : vector<16xf32> to vector<1x16xf32>
        tpu.vector_store %arg9[%swap3A_479, %swap3A_480], %swap3A_483 {strides = array<i32>} : memref<4x256xf32, #tpu.memory_space<vmem>>, vector<1x16xf32>,
        %get3A_484 = arith.constant 58 : i32
        %get3A_485 = arith.index_cast %get3A_484 : i32 to index
        %get3A_486 = arith.index_cast %mul3A_99 : i32 to index
        %get3A_487 = tpu.vector_load %arg7[%get3A_485, %get3A_486] {strides = array<i32>} : memref<128x256xf32, #tpu.memory_space<vmem>>, vector<1x16xf32>,
        %get3A_488 = vector.shape_cast %get3A_487 : vector<1x16xf32> to vector<16xf32>
        %add3A_489 = arith.addf %get3A_488, %get3A_488 : vector<16xf32>
        %get3A_490 = arith.constant 59 : i32
        %get3A_491 = arith.index_cast %get3A_490 : i32 to index
        %get3A_492 = arith.index_cast %mul3A_99 : i32 to index
        %get3A_493 = tpu.vector_load %arg7[%get3A_491, %get3A_492] {strides = array<i32>} : memref<128x256xf32, #tpu.memory_space<vmem>>, vector<1x16xf32>,
        %get3A_494 = vector.shape_cast %get3A_493 : vector<1x16xf32> to vector<16xf32>
        %add3A_495 = arith.addf %add3A_489, %get3A_494 : vector<16xf32>
        %mul3A_496 = arith.mulf %add3A_495, %get3A_494 : vector<16xf32>
        %get3A_497 = arith.constant 60 : i32
        %get3A_498 = arith.index_cast %get3A_497 : i32 to index
        %get3A_499 = arith.index_cast %mul3A_99 : i32 to index
        %get3A_500 = tpu.vector_load %arg7[%get3A_498, %get3A_499] {strides = array<i32>} : memref<128x256xf32, #tpu.memory_space<vmem>>, vector<1x16xf32>,
        %get3A_501 = vector.shape_cast %get3A_500 : vector<1x16xf32> to vector<16xf32>
        %add3A_502 = arith.addf %add3A_489, %get3A_501 : vector<16xf32>
        %mul3A_503 = arith.mulf %add3A_502, %get3A_501 : vector<16xf32>
        %add3A_504 = arith.addf %mul3A_496, %mul3A_503 : vector<16xf32>
        %get3A_505 = arith.constant 61 : i32
        %get3A_506 = arith.index_cast %get3A_505 : i32 to index
        %get3A_507 = arith.index_cast %mul3A_99 : i32 to index
        %get3A_508 = tpu.vector_load %arg7[%get3A_506, %get3A_507] {strides = array<i32>} : memref<128x256xf32, #tpu.memory_space<vmem>>, vector<1x16xf32>,
        %get3A_509 = vector.shape_cast %get3A_508 : vector<1x16xf32> to vector<16xf32>
        %add3A_510 = arith.addf %add3A_489, %get3A_509 : vector<16xf32>
        %mul3A_511 = arith.mulf %add3A_510, %get3A_509 : vector<16xf32>
        %add3A_512 = arith.addf %add3A_504, %mul3A_511 : vector<16xf32>
        %get3A_513 = arith.constant 62 : i32
        %get3A_514 = arith.index_cast %get3A_513 : i32 to index
        %get3A_515 = arith.index_cast %mul3A_99 : i32 to index
        %get3A_516 = tpu.vector_load %arg7[%get3A_514, %get3A_515] {strides = array<i32>} : memref<128x256xf32, #tpu.memory_space<vmem>>, vector<1x16xf32>,
        %get3A_517 = vector.shape_cast %get3A_516 : vector<1x16xf32> to vector<16xf32>
        %add3A_518 = arith.addf %add3A_489, %get3A_517 : vector<16xf32>
        %mul3A_519 = arith.mulf %add3A_518, %get3A_517 : vector<16xf32>
        %add3A_520 = arith.addf %add3A_512, %mul3A_519 : vector<16xf32>
        %get3A_521 = arith.constant 63 : i32
        %get3A_522 = arith.index_cast %get3A_521 : i32 to index
        %get3A_523 = arith.index_cast %mul3A_99 : i32 to index
        %get3A_524 = tpu.vector_load %arg7[%get3A_522, %get3A_523] {strides = array<i32>} : memref<128x256xf32, #tpu.memory_space<vmem>>, vector<1x16xf32>,
        %get3A_525 = vector.shape_cast %get3A_524 : vector<1x16xf32> to vector<16xf32>
        %get3A_526 = arith.constant 64 : i32
        %get3A_527 = arith.index_cast %get3A_526 : i32 to index
        %get3A_528 = arith.index_cast %mul3A_99 : i32 to index
        %get3A_529 = tpu.vector_load %arg7[%get3A_527, %get3A_528] {strides = array<i32>} : memref<128x256xf32, #tpu.memory_space<vmem>>, vector<1x16xf32>,
        %get3A_530 = vector.shape_cast %get3A_529 : vector<1x16xf32> to vector<16xf32>
        %mul3A_531 = arith.mulf %get3A_525, %get3A_530 : vector<16xf32>
        %get3A_532 = arith.constant 65 : i32
        %get3A_533 = arith.index_cast %get3A_532 : i32 to index
        %get3A_534 = arith.index_cast %mul3A_99 : i32 to index
        %get3A_535 = tpu.vector_load %arg7[%get3A_533, %get3A_534] {strides = array<i32>} : memref<128x256xf32, #tpu.memory_space<vmem>>, vector<1x16xf32>,
        %get3A_536 = vector.shape_cast %get3A_535 : vector<1x16xf32> to vector<16xf32>
        %get3A_537 = arith.constant 66 : i32
        %get3A_538 = arith.index_cast %get3A_537 : i32 to index
        %get3A_539 = arith.index_cast %mul3A_99 : i32 to index
        %get3A_540 = tpu.vector_load %arg7[%get3A_538, %get3A_539] {strides = array<i32>} : memref<128x256xf32, #tpu.memory_space<vmem>>, vector<1x16xf32>,
        %get3A_541 = vector.shape_cast %get3A_540 : vector<1x16xf32> to vector<16xf32>
        %mul3A_542 = arith.mulf %get3A_536, %get3A_541 : vector<16xf32>
        %add3A_543 = arith.addf %mul3A_531, %mul3A_542 : vector<16xf32>
        %get3A_544 = arith.constant 67 : i32
        %get3A_545 = arith.index_cast %get3A_544 : i32 to index
        %get3A_546 = arith.index_cast %mul3A_99 : i32 to index
        %get3A_547 = tpu.vector_load %arg7[%get3A_545, %get3A_546] {strides = array<i32>} : memref<128x256xf32, #tpu.memory_space<vmem>>, vector<1x16xf32>,
        %get3A_548 = vector.shape_cast %get3A_547 : vector<1x16xf32> to vector<16xf32>
        %get3A_549 = arith.constant 68 : i32
        %get3A_550 = arith.index_cast %get3A_549 : i32 to index
        %get3A_551 = arith.index_cast %mul3A_99 : i32 to index
        %get3A_552 = tpu.vector_load %arg7[%get3A_550, %get3A_551] {strides = array<i32>} : memref<128x256xf32, #tpu.memory_space<vmem>>, vector<1x16xf32>,
        %get3A_553 = vector.shape_cast %get3A_552 : vector<1x16xf32> to vector<16xf32>
        %mul3A_554 = arith.mulf %get3A_548, %get3A_553 : vector<16xf32>
        %add3A_555 = arith.addf %add3A_543, %mul3A_554 : vector<16xf32>
        %get3A_556 = arith.constant 69 : i32
        %get3A_557 = arith.index_cast %get3A_556 : i32 to index
        %get3A_558 = arith.index_cast %mul3A_99 : i32 to index
        %get3A_559 = tpu.vector_load %arg7[%get3A_557, %get3A_558] {strides = array<i32>} : memref<128x256xf32, #tpu.memory_space<vmem>>, vector<1x16xf32>,
        %get3A_560 = vector.shape_cast %get3A_559 : vector<1x16xf32> to vector<16xf32>
        %get3A_561 = arith.constant 70 : i32
        %get3A_562 = arith.index_cast %get3A_561 : i32 to index
        %get3A_563 = arith.index_cast %mul3A_99 : i32 to index
        %get3A_564 = tpu.vector_load %arg7[%get3A_562, %get3A_563] {strides = array<i32>} : memref<128x256xf32, #tpu.memory_space<vmem>>, vector<1x16xf32>,
        %get3A_565 = vector.shape_cast %get3A_564 : vector<1x16xf32> to vector<16xf32>
        %mul3A_566 = arith.mulf %get3A_560, %get3A_565 : vector<16xf32>
        %add3A_567 = arith.addf %add3A_555, %mul3A_566 : vector<16xf32>
        %get3A_568 = arith.constant 71 : i32
        %get3A_569 = arith.index_cast %get3A_568 : i32 to index
        %get3A_570 = arith.index_cast %mul3A_99 : i32 to index
        %get3A_571 = tpu.vector_load %arg7[%get3A_569, %get3A_570] {strides = array<i32>} : memref<128x256xf32, #tpu.memory_space<vmem>>, vector<1x16xf32>,
        %get3A_572 = vector.shape_cast %get3A_571 : vector<1x16xf32> to vector<16xf32>
        %get3A_573 = arith.constant 72 : i32
        %get3A_574 = arith.index_cast %get3A_573 : i32 to index
        %get3A_575 = arith.index_cast %mul3A_99 : i32 to index
        %get3A_576 = tpu.vector_load %arg7[%get3A_574, %get3A_575] {strides = array<i32>} : memref<128x256xf32, #tpu.memory_space<vmem>>, vector<1x16xf32>,
        %get3A_577 = vector.shape_cast %get3A_576 : vector<1x16xf32> to vector<16xf32>
        %mul3A_578 = arith.mulf %get3A_572, %get3A_577 : vector<16xf32>
        %add3A_579 = arith.addf %add3A_567, %mul3A_578 : vector<16xf32>
        %get3A_580 = arith.constant 73 : i32
        %get3A_581 = arith.index_cast %get3A_580 : i32 to index
        %get3A_582 = arith.index_cast %mul3A_99 : i32 to index
        %get3A_583 = tpu.vector_load %arg7[%get3A_581, %get3A_582] {strides = array<i32>} : memref<128x256xf32, #tpu.memory_space<vmem>>, vector<1x16xf32>,
        %get3A_584 = vector.shape_cast %get3A_583 : vector<1x16xf32> to vector<16xf32>
        %get3A_585 = arith.constant 74 : i32
        %get3A_586 = arith.index_cast %get3A_585 : i32 to index
        %get3A_587 = arith.index_cast %mul3A_99 : i32 to index
        %get3A_588 = tpu.vector_load %arg7[%get3A_586, %get3A_587] {strides = array<i32>} : memref<128x256xf32, #tpu.memory_space<vmem>>, vector<1x16xf32>,
        %get3A_589 = vector.shape_cast %get3A_588 : vector<1x16xf32> to vector<16xf32>
        %mul3A_590 = arith.mulf %get3A_584, %get3A_589 : vector<16xf32>
        %add3A_591 = arith.addf %add3A_579, %mul3A_590 : vector<16xf32>
        %get3A_592 = arith.constant 75 : i32
        %get3A_593 = arith.index_cast %get3A_592 : i32 to index
        %get3A_594 = arith.index_cast %mul3A_99 : i32 to index
        %get3A_595 = tpu.vector_load %arg7[%get3A_593, %get3A_594] {strides = array<i32>} : memref<128x256xf32, #tpu.memory_space<vmem>>, vector<1x16xf32>,
        %get3A_596 = vector.shape_cast %get3A_595 : vector<1x16xf32> to vector<16xf32>
        %get3A_597 = arith.constant 76 : i32
        %get3A_598 = arith.index_cast %get3A_597 : i32 to index
        %get3A_599 = arith.index_cast %mul3A_99 : i32 to index
        %get3A_600 = tpu.vector_load %arg7[%get3A_598, %get3A_599] {strides = array<i32>} : memref<128x256xf32, #tpu.memory_space<vmem>>, vector<1x16xf32>,
        %get3A_601 = vector.shape_cast %get3A_600 : vector<1x16xf32> to vector<16xf32>
        %mul3A_602 = arith.mulf %get3A_596, %get3A_601 : vector<16xf32>
        %add3A_603 = arith.addf %add3A_591, %mul3A_602 : vector<16xf32>
        %get3A_604 = arith.constant 77 : i32
        %get3A_605 = arith.index_cast %get3A_604 : i32 to index
        %get3A_606 = arith.index_cast %mul3A_99 : i32 to index
        %get3A_607 = tpu.vector_load %arg7[%get3A_605, %get3A_606] {strides = array<i32>} : memref<128x256xf32, #tpu.memory_space<vmem>>, vector<1x16xf32>,
        %get3A_608 = vector.shape_cast %get3A_607 : vector<1x16xf32> to vector<16xf32>
        %get3A_609 = arith.constant 78 : i32
        %get3A_610 = arith.index_cast %get3A_609 : i32 to index
        %get3A_611 = arith.index_cast %mul3A_99 : i32 to index
        %get3A_612 = tpu.vector_load %arg7[%get3A_610, %get3A_611] {strides = array<i32>} : memref<128x256xf32, #tpu.memory_space<vmem>>, vector<1x16xf32>,
        %get3A_613 = vector.shape_cast %get3A_612 : vector<1x16xf32> to vector<16xf32>
        %mul3A_614 = arith.mulf %get3A_608, %get3A_613 : vector<16xf32>
        %add3A_615 = arith.addf %add3A_603, %mul3A_614 : vector<16xf32>
        %get3A_616 = arith.constant 79 : i32
        %get3A_617 = arith.index_cast %get3A_616 : i32 to index
        %get3A_618 = arith.index_cast %mul3A_99 : i32 to index
        %get3A_619 = tpu.vector_load %arg7[%get3A_617, %get3A_618] {strides = array<i32>} : memref<128x256xf32, #tpu.memory_space<vmem>>, vector<1x16xf32>,
        %get3A_620 = vector.shape_cast %get3A_619 : vector<1x16xf32> to vector<16xf32>
        %get3A_621 = arith.constant 80 : i32
        %get3A_622 = arith.index_cast %get3A_621 : i32 to index
        %get3A_623 = arith.index_cast %mul3A_99 : i32 to index
        %get3A_624 = tpu.vector_load %arg7[%get3A_622, %get3A_623] {strides = array<i32>} : memref<128x256xf32, #tpu.memory_space<vmem>>, vector<1x16xf32>,
        %get3A_625 = vector.shape_cast %get3A_624 : vector<1x16xf32> to vector<16xf32>
        %mul3A_626 = arith.mulf %get3A_620, %get3A_625 : vector<16xf32>
        %add3A_627 = arith.addf %add3A_615, %mul3A_626 : vector<16xf32>
        %get3A_628 = arith.constant 81 : i32
        %get3A_629 = arith.index_cast %get3A_628 : i32 to index
        %get3A_630 = arith.index_cast %mul3A_99 : i32 to index
        %get3A_631 = tpu.vector_load %arg7[%get3A_629, %get3A_630] {strides = array<i32>} : memref<128x256xf32, #tpu.memory_space<vmem>>, vector<1x16xf32>,
        %get3A_632 = vector.shape_cast %get3A_631 : vector<1x16xf32> to vector<16xf32>
        %get3A_633 = arith.constant 82 : i32
        %get3A_634 = arith.index_cast %get3A_633 : i32 to index
        %get3A_635 = arith.index_cast %mul3A_99 : i32 to index
        %get3A_636 = tpu.vector_load %arg7[%get3A_634, %get3A_635] {strides = array<i32>} : memref<128x256xf32, #tpu.memory_space<vmem>>, vector<1x16xf32>,
        %get3A_637 = vector.shape_cast %get3A_636 : vector<1x16xf32> to vector<16xf32>
        %mul3A_638 = arith.mulf %get3A_632, %get3A_637 : vector<16xf32>
        %add3A_639 = arith.addf %add3A_627, %mul3A_638 : vector<16xf32>
        %get3A_640 = arith.constant 83 : i32
        %get3A_641 = arith.index_cast %get3A_640 : i32 to index
        %get3A_642 = arith.index_cast %mul3A_99 : i32 to index
        %get3A_643 = tpu.vector_load %arg7[%get3A_641, %get3A_642] {strides = array<i32>} : memref<128x256xf32, #tpu.memory_space<vmem>>, vector<1x16xf32>,
        %get3A_644 = vector.shape_cast %get3A_643 : vector<1x16xf32> to vector<16xf32>
        %get3A_645 = arith.constant 84 : i32
        %get3A_646 = arith.index_cast %get3A_645 : i32 to index
        %get3A_647 = arith.index_cast %mul3A_99 : i32 to index
        %get3A_648 = tpu.vector_load %arg7[%get3A_646, %get3A_647] {strides = array<i32>} : memref<128x256xf32, #tpu.memory_space<vmem>>, vector<1x16xf32>,
        %get3A_649 = vector.shape_cast %get3A_648 : vector<1x16xf32> to vector<16xf32>
        %mul3A_650 = arith.mulf %get3A_644, %get3A_649 : vector<16xf32>
        %add3A_651 = arith.addf %add3A_639, %mul3A_650 : vector<16xf32>
        %get3A_652 = arith.constant 85 : i32
        %get3A_653 = arith.index_cast %get3A_652 : i32 to index
        %get3A_654 = arith.index_cast %mul3A_99 : i32 to index
        %get3A_655 = tpu.vector_load %arg7[%get3A_653, %get3A_654] {strides = array<i32>} : memref<128x256xf32, #tpu.memory_space<vmem>>, vector<1x16xf32>,
        %get3A_656 = vector.shape_cast %get3A_655 : vector<1x16xf32> to vector<16xf32>
        %get3A_657 = arith.constant 86 : i32
        %get3A_658 = arith.index_cast %get3A_657 : i32 to index
        %get3A_659 = arith.index_cast %mul3A_99 : i32 to index
        %get3A_660 = tpu.vector_load %arg7[%get3A_658, %get3A_659] {strides = array<i32>} : memref<128x256xf32, #tpu.memory_space<vmem>>, vector<1x16xf32>,
        %get3A_661 = vector.shape_cast %get3A_660 : vector<1x16xf32> to vector<16xf32>
        %mul3A_662 = arith.mulf %get3A_656, %get3A_661 : vector<16xf32>
        %add3A_663 = arith.addf %add3A_651, %mul3A_662 : vector<16xf32>
        %mul3A_664 = arith.constant 0.020833334 : f32
        %mul3A_665 = vector.broadcast %mul3A_664 : f32 to vector<16xf32>
        %mul3A_666 = arith.mulf %add3A_520, %mul3A_665 : vector<16xf32>
        %mul3A_667 = arith.constant 6.250000e-02 : f32
        %mul3A_668 = vector.broadcast %mul3A_667 : f32 to vector<16xf32>
        %mul3A_669 = arith.mulf %add3A_663, %mul3A_668 : vector<16xf32>
        %add3A_670 = arith.addf %mul3A_666, %mul3A_669 : vector<16xf32>
        %swap3A_671 = arith.constant 2 : i32
        %swap3A_672 = arith.index_cast %swap3A_671 : i32 to index
        %swap3A_673 = arith.index_cast %mul3A_99 : i32 to index
        %swap3A_674 = tpu.vector_load %arg9[%swap3A_672, %swap3A_673] {strides = array<i32>} : memref<4x256xf32, #tpu.memory_space<vmem>>, vector<1x16xf32>,
        %swap3A_675 = vector.shape_cast %swap3A_674 : vector<1x16xf32> to vector<16xf32>
        %swap3A_676 = vector.shape_cast %add3A_670 : vector<16xf32> to vector<1x16xf32>
        tpu.vector_store %arg9[%swap3A_672, %swap3A_673], %swap3A_676 {strides = array<i32>} : memref<4x256xf32, #tpu.memory_space<vmem>>, vector<1x16xf32>,
        %get3A_677 = arith.constant 87 : i32
        %get3A_678 = arith.index_cast %get3A_677 : i32 to index
        %get3A_679 = arith.index_cast %mul3A_99 : i32 to index
        %get3A_680 = tpu.vector_load %arg7[%get3A_678, %get3A_679] {strides = array<i32>} : memref<128x256xf32, #tpu.memory_space<vmem>>, vector<1x16xf32>,
        %get3A_681 = vector.shape_cast %get3A_680 : vector<1x16xf32> to vector<16xf32>
        %add3A_682 = arith.addf %get3A_681, %get3A_681 : vector<16xf32>
        %get3A_683 = arith.constant 88 : i32
        %get3A_684 = arith.index_cast %get3A_683 : i32 to index
        %get3A_685 = arith.index_cast %mul3A_99 : i32 to index
        %get3A_686 = tpu.vector_load %arg7[%get3A_684, %get3A_685] {strides = array<i32>} : memref<128x256xf32, #tpu.memory_space<vmem>>, vector<1x16xf32>,
        %get3A_687 = vector.shape_cast %get3A_686 : vector<1x16xf32> to vector<16xf32>
        %add3A_688 = arith.addf %add3A_682, %get3A_687 : vector<16xf32>
        %mul3A_689 = arith.mulf %add3A_688, %get3A_687 : vector<16xf32>
        %get3A_690 = arith.constant 89 : i32
        %get3A_691 = arith.index_cast %get3A_690 : i32 to index
        %get3A_692 = arith.index_cast %mul3A_99 : i32 to index
        %get3A_693 = tpu.vector_load %arg7[%get3A_691, %get3A_692] {strides = array<i32>} : memref<128x256xf32, #tpu.memory_space<vmem>>, vector<1x16xf32>,
        %get3A_694 = vector.shape_cast %get3A_693 : vector<1x16xf32> to vector<16xf32>
        %add3A_695 = arith.addf %add3A_682, %get3A_694 : vector<16xf32>
        %mul3A_696 = arith.mulf %add3A_695, %get3A_694 : vector<16xf32>
        %add3A_697 = arith.addf %mul3A_689, %mul3A_696 : vector<16xf32>
        %get3A_698 = arith.constant 90 : i32
        %get3A_699 = arith.index_cast %get3A_698 : i32 to index
        %get3A_700 = arith.index_cast %mul3A_99 : i32 to index
        %get3A_701 = tpu.vector_load %arg7[%get3A_699, %get3A_700] {strides = array<i32>} : memref<128x256xf32, #tpu.memory_space<vmem>>, vector<1x16xf32>,
        %get3A_702 = vector.shape_cast %get3A_701 : vector<1x16xf32> to vector<16xf32>
        %add3A_703 = arith.addf %add3A_682, %get3A_702 : vector<16xf32>
        %mul3A_704 = arith.mulf %add3A_703, %get3A_702 : vector<16xf32>
        %add3A_705 = arith.addf %add3A_697, %mul3A_704 : vector<16xf32>
        %get3A_706 = arith.constant 91 : i32
        %get3A_707 = arith.index_cast %get3A_706 : i32 to index
        %get3A_708 = arith.index_cast %mul3A_99 : i32 to index
        %get3A_709 = tpu.vector_load %arg7[%get3A_707, %get3A_708] {strides = array<i32>} : memref<128x256xf32, #tpu.memory_space<vmem>>, vector<1x16xf32>,
        %get3A_710 = vector.shape_cast %get3A_709 : vector<1x16xf32> to vector<16xf32>
        %add3A_711 = arith.addf %add3A_682, %get3A_710 : vector<16xf32>
        %mul3A_712 = arith.mulf %add3A_711, %get3A_710 : vector<16xf32>
        %add3A_713 = arith.addf %add3A_705, %mul3A_712 : vector<16xf32>
        %get3A_714 = arith.constant 92 : i32
        %get3A_715 = arith.index_cast %get3A_714 : i32 to index
        %get3A_716 = arith.index_cast %mul3A_99 : i32 to index
        %get3A_717 = tpu.vector_load %arg7[%get3A_715, %get3A_716] {strides = array<i32>} : memref<128x256xf32, #tpu.memory_space<vmem>>, vector<1x16xf32>,
        %get3A_718 = vector.shape_cast %get3A_717 : vector<1x16xf32> to vector<16xf32>
        %get3A_719 = arith.constant 93 : i32
        %get3A_720 = arith.index_cast %get3A_719 : i32 to index
        %get3A_721 = arith.index_cast %mul3A_99 : i32 to index
        %get3A_722 = tpu.vector_load %arg7[%get3A_720, %get3A_721] {strides = array<i32>} : memref<128x256xf32, #tpu.memory_space<vmem>>, vector<1x16xf32>,
        %get3A_723 = vector.shape_cast %get3A_722 : vector<1x16xf32> to vector<16xf32>
        %mul3A_724 = arith.mulf %get3A_718, %get3A_723 : vector<16xf32>
        %get3A_725 = arith.constant 94 : i32
        %get3A_726 = arith.index_cast %get3A_725 : i32 to index
        %get3A_727 = arith.index_cast %mul3A_99 : i32 to index
        %get3A_728 = tpu.vector_load %arg7[%get3A_726, %get3A_727] {strides = array<i32>} : memref<128x256xf32, #tpu.memory_space<vmem>>, vector<1x16xf32>,
        %get3A_729 = vector.shape_cast %get3A_728 : vector<1x16xf32> to vector<16xf32>
        %get3A_730 = arith.constant 95 : i32
        %get3A_731 = arith.index_cast %get3A_730 : i32 to index
        %get3A_732 = arith.index_cast %mul3A_99 : i32 to index
        %get3A_733 = tpu.vector_load %arg7[%get3A_731, %get3A_732] {strides = array<i32>} : memref<128x256xf32, #tpu.memory_space<vmem>>, vector<1x16xf32>,
        %get3A_734 = vector.shape_cast %get3A_733 : vector<1x16xf32> to vector<16xf32>
        %mul3A_735 = arith.mulf %get3A_729, %get3A_734 : vector<16xf32>
        %add3A_736 = arith.addf %mul3A_724, %mul3A_735 : vector<16xf32>
        %get3A_737 = arith.constant 96 : i32
        %get3A_738 = arith.index_cast %get3A_737 : i32 to index
        %get3A_739 = arith.index_cast %mul3A_99 : i32 to index
        %get3A_740 = tpu.vector_load %arg7[%get3A_738, %get3A_739] {strides = array<i32>} : memref<128x256xf32, #tpu.memory_space<vmem>>, vector<1x16xf32>,
        %get3A_741 = vector.shape_cast %get3A_740 : vector<1x16xf32> to vector<16xf32>
        %get3A_742 = arith.constant 97 : i32
        %get3A_743 = arith.index_cast %get3A_742 : i32 to index
        %get3A_744 = arith.index_cast %mul3A_99 : i32 to index
        %get3A_745 = tpu.vector_load %arg7[%get3A_743, %get3A_744] {strides = array<i32>} : memref<128x256xf32, #tpu.memory_space<vmem>>, vector<1x16xf32>,
        %get3A_746 = vector.shape_cast %get3A_745 : vector<1x16xf32> to vector<16xf32>
        %mul3A_747 = arith.mulf %get3A_741, %get3A_746 : vector<16xf32>
        %add3A_748 = arith.addf %add3A_736, %mul3A_747 : vector<16xf32>
        %get3A_749 = arith.constant 98 : i32
        %get3A_750 = arith.index_cast %get3A_749 : i32 to index
        %get3A_751 = arith.index_cast %mul3A_99 : i32 to index
        %get3A_752 = tpu.vector_load %arg7[%get3A_750, %get3A_751] {strides = array<i32>} : memref<128x256xf32, #tpu.memory_space<vmem>>, vector<1x16xf32>,
        %get3A_753 = vector.shape_cast %get3A_752 : vector<1x16xf32> to vector<16xf32>
        %get3A_754 = arith.constant 99 : i32
        %get3A_755 = arith.index_cast %get3A_754 : i32 to index
        %get3A_756 = arith.index_cast %mul3A_99 : i32 to index
        %get3A_757 = tpu.vector_load %arg7[%get3A_755, %get3A_756] {strides = array<i32>} : memref<128x256xf32, #tpu.memory_space<vmem>>, vector<1x16xf32>,
        %get3A_758 = vector.shape_cast %get3A_757 : vector<1x16xf32> to vector<16xf32>
        %mul3A_759 = arith.mulf %get3A_753, %get3A_758 : vector<16xf32>
        %add3A_760 = arith.addf %add3A_748, %mul3A_759 : vector<16xf32>
        %get3A_761 = arith.constant 100 : i32
        %get3A_762 = arith.index_cast %get3A_761 : i32 to index
        %get3A_763 = arith.index_cast %mul3A_99 : i32 to index
        %get3A_764 = tpu.vector_load %arg7[%get3A_762, %get3A_763] {strides = array<i32>} : memref<128x256xf32, #tpu.memory_space<vmem>>, vector<1x16xf32>,
        %get3A_765 = vector.shape_cast %get3A_764 : vector<1x16xf32> to vector<16xf32>
        %get3A_766 = arith.constant 101 : i32
        %get3A_767 = arith.index_cast %get3A_766 : i32 to index
        %get3A_768 = arith.index_cast %mul3A_99 : i32 to index
        %get3A_769 = tpu.vector_load %arg7[%get3A_767, %get3A_768] {strides = array<i32>} : memref<128x256xf32, #tpu.memory_space<vmem>>, vector<1x16xf32>,
        %get3A_770 = vector.shape_cast %get3A_769 : vector<1x16xf32> to vector<16xf32>
        %mul3A_771 = arith.mulf %get3A_765, %get3A_770 : vector<16xf32>
        %add3A_772 = arith.addf %add3A_760, %mul3A_771 : vector<16xf32>
        %get3A_773 = arith.constant 102 : i32
        %get3A_774 = arith.index_cast %get3A_773 : i32 to index
        %get3A_775 = arith.index_cast %mul3A_99 : i32 to index
        %get3A_776 = tpu.vector_load %arg7[%get3A_774, %get3A_775] {strides = array<i32>} : memref<128x256xf32, #tpu.memory_space<vmem>>, vector<1x16xf32>,
        %get3A_777 = vector.shape_cast %get3A_776 : vector<1x16xf32> to vector<16xf32>
        %get3A_778 = arith.constant 103 : i32
        %get3A_779 = arith.index_cast %get3A_778 : i32 to index
        %get3A_780 = arith.index_cast %mul3A_99 : i32 to index
        %get3A_781 = tpu.vector_load %arg7[%get3A_779, %get3A_780] {strides = array<i32>} : memref<128x256xf32, #tpu.memory_space<vmem>>, vector<1x16xf32>,
        %get3A_782 = vector.shape_cast %get3A_781 : vector<1x16xf32> to vector<16xf32>
        %mul3A_783 = arith.mulf %get3A_777, %get3A_782 : vector<16xf32>
        %add3A_784 = arith.addf %add3A_772, %mul3A_783 : vector<16xf32>
        %get3A_785 = arith.constant 104 : i32
        %get3A_786 = arith.index_cast %get3A_785 : i32 to index
        %get3A_787 = arith.index_cast %mul3A_99 : i32 to index
        %get3A_788 = tpu.vector_load %arg7[%get3A_786, %get3A_787] {strides = array<i32>} : memref<128x256xf32, #tpu.memory_space<vmem>>, vector<1x16xf32>,
        %get3A_789 = vector.shape_cast %get3A_788 : vector<1x16xf32> to vector<16xf32>
        %get3A_790 = arith.constant 105 : i32
        %get3A_791 = arith.index_cast %get3A_790 : i32 to index
        %get3A_792 = arith.index_cast %mul3A_99 : i32 to index
        %get3A_793 = tpu.vector_load %arg7[%get3A_791, %get3A_792] {strides = array<i32>} : memref<128x256xf32, #tpu.memory_space<vmem>>, vector<1x16xf32>,
        %get3A_794 = vector.shape_cast %get3A_793 : vector<1x16xf32> to vector<16xf32>
        %mul3A_795 = arith.mulf %get3A_789, %get3A_794 : vector<16xf32>
        %add3A_796 = arith.addf %add3A_784, %mul3A_795 : vector<16xf32>
        %get3A_797 = arith.constant 106 : i32
        %get3A_798 = arith.index_cast %get3A_797 : i32 to index
        %get3A_799 = arith.index_cast %mul3A_99 : i32 to index
        %get3A_800 = tpu.vector_load %arg7[%get3A_798, %get3A_799] {strides = array<i32>} : memref<128x256xf32, #tpu.memory_space<vmem>>, vector<1x16xf32>,
        %get3A_801 = vector.shape_cast %get3A_800 : vector<1x16xf32> to vector<16xf32>
        %get3A_802 = arith.constant 107 : i32
        %get3A_803 = arith.index_cast %get3A_802 : i32 to index
        %get3A_804 = arith.index_cast %mul3A_99 : i32 to index
        %get3A_805 = tpu.vector_load %arg7[%get3A_803, %get3A_804] {strides = array<i32>} : memref<128x256xf32, #tpu.memory_space<vmem>>, vector<1x16xf32>,
        %get3A_806 = vector.shape_cast %get3A_805 : vector<1x16xf32> to vector<16xf32>
        %mul3A_807 = arith.mulf %get3A_801, %get3A_806 : vector<16xf32>
        %add3A_808 = arith.addf %add3A_796, %mul3A_807 : vector<16xf32>
        %get3A_809 = arith.constant 108 : i32
        %get3A_810 = arith.index_cast %get3A_809 : i32 to index
        %get3A_811 = arith.index_cast %mul3A_99 : i32 to index
        %get3A_812 = tpu.vector_load %arg7[%get3A_810, %get3A_811] {strides = array<i32>} : memref<128x256xf32, #tpu.memory_space<vmem>>, vector<1x16xf32>,
        %get3A_813 = vector.shape_cast %get3A_812 : vector<1x16xf32> to vector<16xf32>
        %get3A_814 = arith.constant 109 : i32
        %get3A_815 = arith.index_cast %get3A_814 : i32 to index
        %get3A_816 = arith.index_cast %mul3A_99 : i32 to index
        %get3A_817 = tpu.vector_load %arg7[%get3A_815, %get3A_816] {strides = array<i32>} : memref<128x256xf32, #tpu.memory_space<vmem>>, vector<1x16xf32>,
        %get3A_818 = vector.shape_cast %get3A_817 : vector<1x16xf32> to vector<16xf32>
        %mul3A_819 = arith.mulf %get3A_813, %get3A_818 : vector<16xf32>
        %add3A_820 = arith.addf %add3A_808, %mul3A_819 : vector<16xf32>
        %get3A_821 = arith.constant 110 : i32
        %get3A_822 = arith.index_cast %get3A_821 : i32 to index
        %get3A_823 = arith.index_cast %mul3A_99 : i32 to index
        %get3A_824 = tpu.vector_load %arg7[%get3A_822, %get3A_823] {strides = array<i32>} : memref<128x256xf32, #tpu.memory_space<vmem>>, vector<1x16xf32>,
        %get3A_825 = vector.shape_cast %get3A_824 : vector<1x16xf32> to vector<16xf32>
        %get3A_826 = arith.constant 111 : i32
        %get3A_827 = arith.index_cast %get3A_826 : i32 to index
        %get3A_828 = arith.index_cast %mul3A_99 : i32 to index
        %get3A_829 = tpu.vector_load %arg7[%get3A_827, %get3A_828] {strides = array<i32>} : memref<128x256xf32, #tpu.memory_space<vmem>>, vector<1x16xf32>,
        %get3A_830 = vector.shape_cast %get3A_829 : vector<1x16xf32> to vector<16xf32>
        %mul3A_831 = arith.mulf %get3A_825, %get3A_830 : vector<16xf32>
        %add3A_832 = arith.addf %add3A_820, %mul3A_831 : vector<16xf32>
        %get3A_833 = arith.constant 112 : i32
        %get3A_834 = arith.index_cast %get3A_833 : i32 to index
        %get3A_835 = arith.index_cast %mul3A_99 : i32 to index
        %get3A_836 = tpu.vector_load %arg7[%get3A_834, %get3A_835] {strides = array<i32>} : memref<128x256xf32, #tpu.memory_space<vmem>>, vector<1x16xf32>,
        %get3A_837 = vector.shape_cast %get3A_836 : vector<1x16xf32> to vector<16xf32>
        %get3A_838 = arith.constant 113 : i32
        %get3A_839 = arith.index_cast %get3A_838 : i32 to index
        %get3A_840 = arith.index_cast %mul3A_99 : i32 to index
        %get3A_841 = tpu.vector_load %arg7[%get3A_839, %get3A_840] {strides = array<i32>} : memref<128x256xf32, #tpu.memory_space<vmem>>, vector<1x16xf32>,
        %get3A_842 = vector.shape_cast %get3A_841 : vector<1x16xf32> to vector<16xf32>
        %mul3A_843 = arith.mulf %get3A_837, %get3A_842 : vector<16xf32>
        %add3A_844 = arith.addf %add3A_832, %mul3A_843 : vector<16xf32>
        %get3A_845 = arith.constant 114 : i32
        %get3A_846 = arith.index_cast %get3A_845 : i32 to index
        %get3A_847 = arith.index_cast %mul3A_99 : i32 to index
        %get3A_848 = tpu.vector_load %arg7[%get3A_846, %get3A_847] {strides = array<i32>} : memref<128x256xf32, #tpu.memory_space<vmem>>, vector<1x16xf32>,
        %get3A_849 = vector.shape_cast %get3A_848 : vector<1x16xf32> to vector<16xf32>
        %get3A_850 = arith.constant 115 : i32
        %get3A_851 = arith.index_cast %get3A_850 : i32 to index
        %get3A_852 = arith.index_cast %mul3A_99 : i32 to index
        %get3A_853 = tpu.vector_load %arg7[%get3A_851, %get3A_852] {strides = array<i32>} : memref<128x256xf32, #tpu.memory_space<vmem>>, vector<1x16xf32>,
        %get3A_854 = vector.shape_cast %get3A_853 : vector<1x16xf32> to vector<16xf32>
        %mul3A_855 = arith.mulf %get3A_849, %get3A_854 : vector<16xf32>
        %add3A_856 = arith.addf %add3A_844, %mul3A_855 : vector<16xf32>
        %mul3A_857 = arith.constant 0.020833334 : f32
        %mul3A_858 = vector.broadcast %mul3A_857 : f32 to vector<16xf32>
        %mul3A_859 = arith.mulf %add3A_713, %mul3A_858 : vector<16xf32>
        %mul3A_860 = arith.constant 6.250000e-02 : f32
        %mul3A_861 = vector.broadcast %mul3A_860 : f32 to vector<16xf32>
        %mul3A_862 = arith.mulf %add3A_856, %mul3A_861 : vector<16xf32>
        %add3A_863 = arith.addf %mul3A_859, %mul3A_862 : vector<16xf32>
        %swap3A_864 = arith.constant 3 : i32
        %swap3A_865 = arith.index_cast %swap3A_864 : i32 to index
        %swap3A_866 = arith.index_cast %mul3A_99 : i32 to index
        %swap3A_867 = tpu.vector_load %arg9[%swap3A_865, %swap3A_866] {strides = array<i32>} : memref<4x256xf32, #tpu.memory_space<vmem>>, vector<1x16xf32>,
        %swap3A_868 = vector.shape_cast %swap3A_867 : vector<1x16xf32> to vector<16xf32>
        %swap3A_869 = vector.shape_cast %add3A_863 : vector<16xf32> to vector<1x16xf32>
        tpu.vector_store %arg9[%swap3A_865, %swap3A_866], %swap3A_869 {strides = array<i32>} : memref<4x256xf32, #tpu.memory_space<vmem>>, vector<1x16xf32>,
      }
      %scan3A_82 = arith.constant 16 : i32
      %mul3A_83 = arith.constant 4 : i32
      %mul3A_84 = arith.muli %add3A_64, %mul3A_83 : i32
      %add3A_85 = arith.addi %mul3A_2, %mul3A_84 : i32
      %dma_start3A_86 = arith.constant 0 : i32
      %dma_start3A_87 = tpu.memref_slice %arg4[%add3A_85, %dma_start3A_86] : memref<8192x256xf32, #tpu.memory_space<hbm>> -> memref<4x256xf32, #tpu.memory_space<hbm>>
      %dma_start3A_88 = arith.constant 0 : i32
      %dma_start3A_89 = tpu.memref_slice %arg4[%add3A_85, %dma_start3A_88] : memref<8192x256xf32, #tpu.memory_space<hbm>> -> memref<4x256xf32, #tpu.memory_space<hbm>>
      tpu.enqueue_dma source(%arg9 : memref<4x256xf32, #tpu.memory_space<vmem>>) target(%dma_start3A_89 : memref<4x256xf32, #tpu.memory_space<hbm>>) target_semaphore(%arg13 : memref<!tpu.dma_semaphore, #tpu.memory_space<semaphore_mem>>)
      %add3A_90 = arith.constant 2 : i32
      %add3A_91 = arith.addi %add3A_64, %add3A_90 : i32
      %lt3A_92 = arith.constant 64 : i32
      %lt3A_93 = arith.cmpi slt, %add3A_91, %lt3A_92 : i32
      %convert_element_type3A_94 = arith.extui %lt3A_93 : i1 to i32
      %cond3A_95 = arith.constant 0 : i32
      %cond3A_96 = arith.cmpi ne, %convert_element_type3A_94, %cond3A_95 : i32
      scf.if %cond3A_96 {
        %dma_start3A_97 = arith.constant 0 : i32
        %dma_start3A_98 = tpu.memref_slice %arg5[%add3A_91, %dma_start3A_97] : memref<64x128xi32, #tpu.memory_space<vmem>> -> memref<1x128xi32, #tpu.memory_space<vmem>>
        %dma_start3A_99 = tpu.memref_squeeze %dma_start3A_98 : memref<1x128xi32, #tpu.memory_space<vmem>> -> memref<128xi32, #tpu.memory_space<vmem>>
        %dma_start3A_100 = arith.constant 0 : i32
        %dma_start3A_101 = arith.constant 0 : i32
        %dma_start3A_102 = tpu.memref_slice %arg2[%dma_start3A_100, %dma_start3A_101] : memref<50000x256xf32, #tpu.memory_space<hbm>> -> memref<50000x256xf32, #tpu.memory_space<hbm>>
        tpu.enqueue_indirect_dma source(%dma_start3A_102 : memref<50000x256xf32, #tpu.memory_space<hbm>>) target(%arg7 : memref<128x256xf32, #tpu.memory_space<vmem>>) offsets(%dma_start3A_99 : memref<128xi32, #tpu.memory_space<vmem>>) semaphore(%arg11 : memref<!tpu.dma_semaphore, #tpu.memory_space<semaphore_mem>>)
      } else {
      }
    }
    %scan3A_20 = arith.constant 32 : i32
    %dma_wait3A = arith.constant 0 : i32
    %dma_wait3A_21 = tpu.memref_slice %arg4[%mul3A_2, %dma_wait3A] : memref<8192x256xf32, #tpu.memory_space<hbm>> -> memref<4x256xf32, #tpu.memory_space<hbm>>
    %dma_wait3A_22 = arith.constant 0 : i32
    %dma_wait3A_23 = tpu.memref_slice %arg4[%mul3A_2, %dma_wait3A_22] : memref<8192x256xf32, #tpu.memory_space<hbm>> -> memref<4x256xf32, #tpu.memory_space<hbm>>
    tpu.wait_dma2 semaphore(%arg12 : memref<!tpu.dma_semaphore, #tpu.memory_space<semaphore_mem>>) src(%arg8 : memref<4x256xf32, #tpu.memory_space<vmem>>) dst(%dma_wait3A_23 : memref<4x256xf32, #tpu.memory_space<hbm>>)
    %dma_wait3A_24 = arith.constant 0 : i32
    %dma_wait3A_25 = tpu.memref_slice %arg4[%mul3A_2, %dma_wait3A_24] : memref<8192x256xf32, #tpu.memory_space<hbm>> -> memref<4x256xf32, #tpu.memory_space<hbm>>
    %dma_wait3A_26 = arith.constant 0 : i32
    %dma_wait3A_27 = tpu.memref_slice %arg4[%mul3A_2, %dma_wait3A_26] : memref<8192x256xf32, #tpu.memory_space<hbm>> -> memref<4x256xf32, #tpu.memory_space<hbm>>
    tpu.wait_dma2 semaphore(%arg13 : memref<!tpu.dma_semaphore, #tpu.memory_space<semaphore_mem>>) src(%arg9 : memref<4x256xf32, #tpu.memory_space<vmem>>) dst(%dma_wait3A_27 : memref<4x256xf32, #tpu.memory_space<hbm>>)
    return
  }
}

</mosaic_0001>

<sc_bundles>
// kernel: kernel.3.cloned.1.call-start
scs
__scs_entry_jumppad:
0x0: {  	(pc) =	sbr.rel $0x88, $3  }
0x1: {  	(tag) =	ssettag $0x0;
	lr =	simm.s32 $0x1  }
0x2: {  	[smem:$0x3F9D] =	sst lr;
	_ =	strace $0xD0000000  }
0x3: {  	_ = 	snop  }
0x4: {  	_ = 	snop  }
0x5: {  	_ = 	snop  }
0x6: {  	_ = 	snop  }
0x7: {  	_ = 	snop  }
__scs_overlays_trampoline_lowered:
0x8: {  	[smem:$0x3FAC] =	sst s0  }
0x9: {  	[smem:$0x3FAD] =	sst s1  }
0xa: {  	[smem:$0x3FAE] =	sst s2  }
0xb: {  	[smem:$0x3FAF] =	sst s3  }
0xc: {  	[smem:$0x3FB0] =	sst s4  }
0xd: {  	[smem:$0x3FB1] =	sst s5  }
0xe: {  	[smem:$0x3FB2] =	sst s6  }
0xf: {  	[smem:$0x3FB3] =	sst s7  }
0x10: {  	[smem:$0x3FB4] =	sst s8  }
0x11: {  	[smem:$0x3FB5] =	sst s9;
	s0 =	simm.s32 @!p0 $0x0  }
0x12: {  	s1 =	sld [smem:$0x3F9B];
	s0 =	simm.s32 @p0 $0x1  }
0x13: {  	[smem:$0x3FB6] =	sst s0;
	s0 =	simm.s32 @!p1 $0x0  }
0x14: {  	s2 =	sld [smem:$0x3F9A];
	s0 =	simm.s32 @p1 $0x1  }
0x15: {  	[smem:$0x3FB7] =	sst s0;
	s0 =	simm.s32 @!p2 $0x0  }
0x16: {  	s3 =	sld [smem:$0x3FDB];
	s0 =	simm.s32 @p2 $0x1  }
0x17: {  	s4 =	simm.s32 $0x1BF5;
	[smem:$0x3FB9] =	sst s0  }
0x18: {  	s0 =	sld [smem:$0x3F9C];
	_ =	swait.ge [sflag:s4], $0x0  }
0x19: {  	s7 =	sld [smem:$0x3F9D]  }
0x1a: {  	s8 =	sadd.s32 $0xFFFFE003, lr  }
0x1b: {  	s9 =	sadd.s32 $0xFFFFFEF7, lr;
	s5 =	simm.s32 $0xFFFFFFFF;
	p2 =	slt.u32 s8, $0xFFFFF086  }
0x1c: {  	p1 =	slt.u32 s9, $0xF7A;
	s5 =	simm.s32 @!p2 $0x0  }
0x1d: {  	s5 =	simm.s32 @p1 $0x1;
	p0 =	seq.s32 s7, s2  }
0x1e: {  	s7 =	smul.u32 @!p0 $0xF7A, s2;
	p2 =	seq.s32 @!p0 s5, $0x0  }
0x1f: {  	s9 =	smul.u32 $0xF7A, s1;
	s8 =	simm.s32 @!p0 $0x1BF5;
	p2 =	por !p2, p0  }
0x20: {  	[sflag:s8] =	ssyncset.s32 @!p0 $0xFFFFF086;
	s6 =	sadd.s32 @!p0 s3, s7;
	s7 =	simm.s32 @!p0 $0x108  }
0x21: {  	s3 =	sadd.s32 s3, s9;
	s6 =	sadd.s32 @!p0 $0x88, s6;
	s7 =	simm.s32 @p2 $0x1082  }
0x22: {  	[simem:s7], [sflag:s8] =	dma.local @!p0 [hbm:s6], $0xF7A  }
0x23: {  	s9 =	sor.u32 $0xD0000000, s2;
	s6 =	simm.s32 $0x108;
	_ =	swait.ge @!p0 [sflag:s8], $0x0  }
0x24: {  	s3 =	sadd.s32 $0x88, s3;
	s6 =	simm.s32 @!p1 $0x1082;
	[sflag:s4] =	ssyncset.s32 $0xFFFFF086  }
0x25: {  	[simem:s6], [sflag:s4] =	dma.local [hbm:s3], $0xF7A  }
0x26: {  	[smem:$0x3F9D] =	sst s1;
	(tag) =	ssettag s2;
	_ =	strace s9  }
0x27: {  	s1 =	sld [smem:$0x3FAD]  }
0x28: {  	s2 =	sld [smem:$0x3FAE]  }
0x29: {  	s4 =	sld [smem:$0x3FB0]  }
0x2a: {  	p0 =	seq.s32 s5, $0x0;
	s5 =	sld [smem:$0x3FB1]  }
0x2b: {  	s6 =	sld [smem:$0x3FB2]  }
0x2c: {  	s7 =	sld [smem:$0x3FB3]  }
0x2d: {  	s3 =	simm.s32 $0x108;
	s8 =	sld [smem:$0x3FB4]  }
0x2e: {  	s3 =	simm.s32 @!p0 $0x1082;
	s9 =	sld [smem:$0x3FB5]  }
0x2f: {  	lr =	sadd.s32 s0, s3;
	s0 =	sld [smem:$0x3FAC]  }
0x30: {  	s3 =	sld [smem:$0x3FAF]  }
0x31: {  	[smem:$0x3FB8] =	sst s10  }
0x32: {  	s10 =	sld [smem:$0x3FB6];
	_ =	sdelay $0x3  }
0x33: {  	p0 =	seq.s32 s10, $0x1;
	s10 =	sld [smem:$0x3FB8];
	_ =	sdelay $0x3  }
0x34: {  	[smem:$0x3FB8] =	sst s10  }
0x35: {  	s10 =	sld [smem:$0x3FB7];
	_ =	sdelay $0x3  }
0x36: {  	p1 =	seq.s32 s10, $0x1;
	s10 =	sld [smem:$0x3FB8];
	_ =	sdelay $0x3  }
0x37: {  	[smem:$0x3FB8] =	sst s10  }
0x38: {  	s10 =	sld [smem:$0x3FB9]  }
0x39: {  	_ = 	snop;
	(pc) =	sbr.ind lr, $3  }
0x3a: {  	_ = 	snop  }
0x3b: {  	_ = 	snop  }
0x3c: {  	p2 =	seq.s32 s10, $0x1;
	s10 =	sld [smem:$0x3FB8]  }
0x3d: {  	_ =	shalt  }
0x3e: {  	_ =	shalt  }
0x3f: {  	_ =	shalt  }
0x40: {  	_ =	shalt  }
0x41: {  	_ =	shalt  }
0x42: {  	_ =	shalt  }
0x43: {  	_ =	shalt  }
0x44: {  	_ =	shalt  }
0x45: {  	_ =	shalt  }
0x46: {  	_ =	shalt  }
0x47: {  	_ =	shalt  }
0x48: {  	_ =	shalt  }
0x49: {  	_ =	shalt  }
0x4a: {  	_ =	shalt  }
0x4b: {  	_ =	shalt  }
0x4c: {  	_ =	shalt  }
0x4d: {  	_ =	shalt  }
0x4e: {  	_ =	shalt  }
0x4f: {  	_ =	shalt  }
0x50: {  	_ =	shalt  }
0x51: {  	_ =	shalt  }
0x52: {  	_ =	shalt  }
0x53: {  	_ =	shalt  }
0x54: {  	_ =	shalt  }
0x55: {  	_ =	shalt  }
0x56: {  	_ =	shalt  }
0x57: {  	_ =	shalt  }
0x58: {  	_ =	shalt  }
0x59: {  	_ =	shalt  }
0x5a: {  	_ =	shalt  }
0x5b: {  	_ =	shalt  }
0x5c: {  	_ =	shalt  }
0x5d: {  	_ =	shalt  }
0x5e: {  	_ =	shalt  }
0x5f: {  	_ =	shalt  }
0x60: {  	_ =	shalt  }
0x61: {  	_ =	shalt  }
0x62: {  	_ =	shalt  }
0x63: {  	_ =	shalt  }
0x64: {  	_ =	shalt  }
0x65: {  	_ =	shalt  }
0x66: {  	_ =	shalt  }
0x67: {  	_ =	shalt  }
0x68: {  	_ =	shalt  }
0x69: {  	_ =	shalt  }
0x6a: {  	_ =	shalt  }
0x6b: {  	_ =	shalt  }
0x6c: {  	_ =	shalt  }
0x6d: {  	_ =	shalt  }
0x6e: {  	_ =	shalt  }
0x6f: {  	_ =	shalt  }
0x70: {  	_ =	shalt  }
0x71: {  	_ =	shalt  }
0x72: {  	_ =	shalt  }
0x73: {  	_ =	shalt  }
0x74: {  	_ =	shalt  }
0x75: {  	_ =	shalt  }
0x76: {  	_ =	shalt  }
0x77: {  	_ =	shalt  }
0x78: {  	_ =	shalt  }
0x79: {  	_ =	shalt  }
0x7a: {  	_ =	shalt  }
0x7b: {  	_ =	shalt  }
0x7c: {  	_ =	shalt  }
0x7d: {  	_ =	shalt  }
0x7e: {  	_ =	shalt  }
0x7f: {  	_ =	shalt  }
0x80: {  	_ =	shalt  }
0x81: {  	_ =	shalt  }
0x82: {  	_ =	shalt  }
0x83: {  	_ =	shalt  }
0x84: {  	_ =	shalt  }
0x85: {  	_ =	shalt  }
0x86: {  	_ =	shalt  }
0x87: {  	_ =	shalt  }
.Lfunc_end0:
.L_simem_size_0:
called_computation_lowered:
.L_overlay_start_0:
0x88: {  	s2 =	sld [smem:$0x3FD9]  }
0x89: {  	s3 =	sld [smem:$0x3FFE];
	_ =	sdelay $0x1  }
0x8a: {  	s1 =	srdreg.scid  }
0x8b: {  	s0 =	sand.u32 $0x1, s1  }
0x8c: {  	s17 =	sshll.u32 s0, $0xA;
	s2 =	sadd.s32 s3, s2  }
0x8d: {  	s2 =	sadd.s32 s2, s17  }
0x8e: {  	[smem:$0x3FC4] =	sst s2  }
0x8f: {  	_ = 	snop  }
0x90: {  	s2 =	sld [smem:$0x3FC8]  }
0x91: {  	s18 =	sld [smem:$0x3FD0];
	(tm) =	ssettm $0x1  }
0x92: {  	s4 =	sld [smem:$0x3FFB];
	_ =	sdelay $0x3  }
0x93: {  	_ =	strace s4  }
0x94: {  	s4 =	sld [smem:$0x3FFC];
	_ =	sdelay $0x3  }
0x95: {  	_ =	strace s4  }
0x96: {  	s4 =	sld [smem:$0x3FFD];
	_ =	sdelay $0x3  }
0x97: {  	_ =	strace s4  }
0x98: {  	_ =	strace $0x8FFFFFFF  }
0x99: {  	s19 =	sld [smem:$0x3FDB];
	_ =	sdelay $0x1  }
0x9a: {  	s5 =	simm.s32 $_scs_section_size  }
0x9b: {  	s6 =	simm.s32 $_size__tile_overlayer_lowered;
	s7 =	simm.s32 $_tile_overlayer_lowered  }
0x9c: {  	s22 =	simm.s32 $0x1BFF;
	s21 =	sshll.u32 s7, $0x1;
	s4 =	sadd.s32 s5, s19  }
0x9d: {  	s8 =	simm.s32 $0x0;
	s20 =	sshll.u32 s6, $0x1;
	s6 =	sadd.s32 s21, s4  }
0x9e: {  	[timem:s8], [sflag:s22] =	dma.local [hbm:s6], s20  }
0x9f: {  	_ =	swait.ge [sflag:s22], s20  }
0xa0: {  	s5 =	ssub.s32 $0x0, s20;
	[sflag:s22] =	ssyncset.done $0x0  }
0xa1: {  	[sflag:s22] =	ssyncadd.s32 s5;
	_ =	sdelay $0x1  }
0xa2: {  	s23 =	simm.s32 $0x1B8B  }
0xa3: {  	_ =	swait.ge [sflag:s23], $0x1  }
0xa4: {  	[sflag:s23] =	ssyncset.done $0x0  }
0xa5: {  	s25 =	simm.s32 $0x1B8E;
	s24 =	sld [smem:$0x3FFE];
	[sflag:s23] =	ssyncadd.s32 $0xFFFFFFFF  }
0xa6: {  	s26 =	simm.s32 $execute0_lowered;
	[smem:$0x3FD2] =	sst s25  }
0xa7: {  	s6 =	sshll.u32 s26, $0x1;
	_ =	strace $0x80000046;
	[dreg:$0x1] =	wrdreg $0xFFFFFFFF  }
0xa8: {  	s28 =	simm.s32 $_size_execute0_lowered;
	s4 =	sadd.s32 s4, s6;
	[dreg:$0x0] =	wrdreg $0x0  }
0xa9: {  	s6 =	sshll.u32 s28, $0x1;
	[dreg:$0x2] =	wrdreg s4  }
0xaa: {  	[dreg:$0x3] =	wrdreg s6  }
0xab: {  	[dreg:$0x4] =	wrdreg $0xC0  }
0xac: {  	_ =	task [dreg:s8], $0x5FFFF  }
0xad: {  	[dreg:$0x1] =	wrdreg $0xFFFFFFFF  }
0xae: {  	[dreg:$0x0] =	wrdreg $0x60  }
0xaf: {  	[dreg:$0x2] =	wrdreg s2  }
0xb0: {  	[dreg:$0x3] =	wrdreg s24  }
0xb1: {  	[dreg:$0x4] =	wrdreg s18  }
0xb2: {  	[dreg:$0x5] =	wrdreg $0x9  }
0xb3: {  	_ =	task.clear_ibuf [dreg:s8], $0x6FFFF;
	_ =	strace $0x90000046  }
0xb4: {  	s29 =	simm.s32 $0x9;
	_ =	strace $0x80000048  }
0xb5: {  	_ =	swait.ge [sflag:s29], $0x1  }
0xb6: {  	[sflag:s29] =	ssyncadd.s32 $0xFFFFFFFF  }
0xb7: {  	_ =	strace $0x90000048  }
0xb8: {  	_ =	sfence  }
0xb9: {  	s30 =	sld [smem:$0x0];
	_ =	sdelay $0x2  }
0xba: {  	s31 =	sshll.u32 s1, $0xD;
	s1 =	sshrl.u32 s1, $0x2  }
0xbb: {  	s3 =	sand.u32 $0x4000, s31;
	s1 =	sadd.s32 s1, s30  }
0xbc: {  	s0 =	sor.u32 s3, s0;
	s1 =	sshll.u32 s1, $0x11  }
0xbd: {  	s0 =	sor.u32 s1, s0  }
0xbe: {  	s0 =	sadd.s32 $0x8F2B, s0  }
0xbf: {  	[sflag:s0] =	ssyncadd.remote.s32 $0x1  }
0xc0: {  	_ =	sfence.sel $0xFFFF  }
0xc1: {  	[dreg:$0x0] =	wrdreg $0xFFFFFFFF;
	(pc) =	sbr.abs _section_cstart, $3  }
0xc2: {  	[dreg:$0x1] =	wrdreg $0xFFFFFFFF  }
0xc3: {  	_ =	task.clear_ibuf [dreg:s8], $0x2FFFF;
	_ =	strace $0x9FFFFFFF  }
0xc4: {  	(tm) =	ssettm $0x7FFFFFFF  }
0xc5: {  	_ =	shalt  }
tec
execute0_lowered:
.L_overlay_start_1:
0x0: {  	(tag) =	ssettag $0x1  }
0x1: {  	s1 =	rddreg [dreg:$0x0]  }
0x2: {  	s0 =	rddreg [dreg:$0x1]  }
0x3: {  	s7 =	rddreg [dreg:$0x2];
	s2 =	srdreg.scid  }
0x4: {  	s3 =	stileid.u32;
	s4 =	simm.s32 $0x0;
	s31 =	simm.s32 $0xC000  }
0x5: {  	s10 =	simm.s32 $0xD800;
	s11 =	simm.s32 $0xE000;
	s12 =	simm.s32 $0xE800  }
0x6: {  	s13 =	simm.s32 $0xF000;
	s14 =	simm.s32 $0xF800;
	s15 =	simm.s32 $0x10000  }
0x7: {  	s16 =	simm.s32 $0x10800;
	s17 =	simm.s32 $0x11000;
	s18 =	simm.s32 $0x11800  }
0x8: {  	s19 =	simm.s32 $0x1;
	s20 =	simm.s32 $0x200;
	s21 =	simm.s32 $0x400  }
0x9: {  	s22 =	simm.s32 $0x12000;
	s23 =	simm.s32 $0x2;
	s24 =	simm.s32 $0x12400  }
0xa: {  	s8 =	simm.s32 $0x0;
	s2 =	sand.u32 $0x1, s2;
	s3 =	sshll.u32 s3, $0x1  }
0xb: {  	[smem:$0x7FF] =	sst s4;
	s7 =	sadd.s32 $0x40, s7;
	s3 =	sor.u32 s2, s3  }
.Ltmp0:
0xc: {  	s2 =	ssub.s32 $0x2, s2;
	s5 =	sshll.u32 s3, $0xA;
	(pc) =	sbr.rel .LBB2_1-.Ltmp0, $4  }
0xd: {  	_ =	strace $0x80000047;
	s6 =	sshrl.u32 s2, $0x1;
	s0 =	sadd.s32 s5, s0  }
0xe: {  	v2 =	vlaneseq.u32;
	s2 =	ssub.s32 s2, s6;
	s5 =	sshll.u32 s3, $0xD;
	s0 =	sadd.s32 $0x400, s0  }
0xf: {  	vm0 =	vmmov $0xffff;
	v1 =	vshrl.u32 v2, $0x3;
	s6 =	simm.s32 $0x4;
	s30 =	smax.u32 s2, $0x1;
	[dreg:$0x4] =	wrdreg s0  }
0x10: {  	v0 =	vand.u32 $0x7, v2;
	v2 =	vor.u32 $0x8, v2;
	v1 =	vmul.u32 $0x8, v1;
	s2 =	simm.s32 $0xD000;
	[dreg:$0x5] =	wrdreg s30;
	s0 =	simm.s32 $0xC800  }
.LBB2_8:
0x11: {  	s3 =	simm.s32 $0x3  }
0x12: {  	_ =	swait.ge [sflag:s3], $0x400  }
0x13: {  	[sflag:s3] =	ssyncset.done $0x0  }
0x14: {  	[sflag:s3] =	ssyncadd.s32 $0xFFFFFC00  }
0x15: {  	_ =	swait.ge [sflag:s6], $0x400  }
0x16: {  	s8 =	rddreg [dreg:$0x6]  }
0x17: {  	s30 =	rddreg [dreg:$0x5];
	s8 =	sadd.s32 $0x1, s8  }
0x18: {  	p0 =	sne.s32 s8, s30  }
.Ltmp1:
0x19: {  	_ = 	snop;
	(pc) =	sbr.rel @!p0 .LBB2_9-.Ltmp1, $3  }
0x1a: {  	_ =	sdelay $0x1  }
0x1b: {  	[sflag:s6] =	ssyncset.done $0x0  }
0x1c: {  	[sflag:s6] =	ssyncadd.s32 $0xFFFFFC00  }
.LBB2_1:
0x1d: {  	[dreg:$0x6] =	wrdreg s8  }
0x1e: {  	s3 =	rddreg [dreg:$0x4];
	s8 =	simm.s32 $0x5  }
0x1f: {  	[tilespmem:s4], [sflag:$0x5] =	stream.linear.gather [hbm4b:s3+s4], $0x2000, $0x38;
	[tilespmem:$0x12800] =	vst v63  }
0x20: {  	_ =	swait.ge [sflag:s8], $0x2000  }
0x21: {  	[sflag:s8] =	ssyncset.done $0x0  }
0x22: {  	[sflag:s8] =	ssyncadd.s32 $0xFFFFE000  }
0x23: {  	v3 =	vld [tilespmem:$0x0];
	_ =	sdelay $0x4  }
0x24: {  	v4 =	vshll.u32 v3, $0x1  }
0x25: {  	v3 =	vand.u32 $0x7, v3;
	v4 =	vand.u32 $0xFFFFFFF0, v4  }
0x26: {  	v3 =	vor.u32 v3, v4  }
0x27: {  	v4 =	vperm.xlane v3, v0;
	_ =	sdelay $0x1  }
0x28: {  	v3 =	vperm.xlane v3, v2;
	v4 =	vadd.s32 v1, v4;
	_ =	sdelay $0x1  }
0x29: {  	v3 =	vadd.s32 v1, v3;
	_ =	sdelay $0x1  }
0x2a: {  	s9 =	simm.s32 $0x2000  }
0x2b: {  	[tilespmem:s9], [sflag:$0x1] =	stream.indirect_vreg.gather [hbm4b:s1+s4], $0x80, v4, vm0, $0xb8;
	[tilespmem:$0x12800] =	vst v63  }
0x2c: {  	s25 =	simm.s32 $0x2800  }
0x2d: {  	[tilespmem:s25], [sflag:$0x1] =	stream.indirect_vreg.gather [hbm4b:s1+s4], $0x80, v3, vm0, $0xb8;
	[tilespmem:$0x12800] =	vst v63  }
0x2e: {  	v3 =	vld [tilespmem:$0x10];
	_ =	sdelay $0x4  }
0x2f: {  	v49 =	vshll.u32 v3, $0x1  }
0x30: {  	v3 =	vand.u32 $0x7, v3;
	v4 =	vand.u32 $0xFFFFFFF0, v49  }
0x31: {  	v3 =	vor.u32 v3, v4  }
0x32: {  	v4 =	vperm.xlane v3, v0;
	_ =	sdelay $0x1  }
0x33: {  	v3 =	vperm.xlane v3, v2;
	v4 =	vadd.s32 v1, v4;
	_ =	sdelay $0x1  }
0x34: {  	v3 =	vadd.s32 v1, v3;
	_ =	sdelay $0x1  }
0x35: {  	s26 =	simm.s32 $0x3000  }
0x36: {  	[tilespmem:s26], [sflag:$0x1] =	stream.indirect_vreg.gather [hbm4b:s1+s4], $0x80, v4, vm0, $0xb8;
	[tilespmem:$0x12800] =	vst v63  }
0x37: {  	s28 =	simm.s32 $0x3800  }
0x38: {  	[tilespmem:s28], [sflag:$0x1] =	stream.indirect_vreg.gather [hbm4b:s1+s4], $0x80, v3, vm0, $0xb8;
	[tilespmem:$0x12800] =	vst v63  }
0x39: {  	v3 =	vld [tilespmem:$0x20];
	_ =	sdelay $0x4  }
0x3a: {  	v50 =	vshll.u32 v3, $0x1  }
0x3b: {  	v3 =	vand.u32 $0x7, v3;
	v4 =	vand.u32 $0xFFFFFFF0, v50  }
0x3c: {  	v3 =	vor.u32 v3, v4  }
0x3d: {  	v4 =	vperm.xlane v3, v0;
	_ =	sdelay $0x1  }
0x3e: {  	v3 =	vperm.xlane v3, v2;
	v4 =	vadd.s32 v1, v4;
	_ =	sdelay $0x1  }
0x3f: {  	v3 =	vadd.s32 v1, v3;
	_ =	sdelay $0x1  }
0x40: {  	s29 =	simm.s32 $0x4000  }
0x41: {  	[tilespmem:s29], [sflag:$0x1] =	stream.indirect_vreg.gather [hbm4b:s1+s4], $0x80, v4, vm0, $0xb8;
	[tilespmem:$0x12800] =	vst v63  }
0x42: {  	s30 =	simm.s32 $0x4800  }
0x43: {  	[tilespmem:s30], [sflag:$0x1] =	stream.indirect_vreg.gather [hbm4b:s1+s4], $0x80, v3, vm0, $0xb8;
	[tilespmem:$0x12800] =	vst v63  }
0x44: {  	v3 =	vld [tilespmem:$0x30];
	_ =	sdelay $0x4  }
0x45: {  	v51 =	vshll.u32 v3, $0x1  }
0x46: {  	v3 =	vand.u32 $0x7, v3;
	v4 =	vand.u32 $0xFFFFFFF0, v51  }
0x47: {  	v3 =	vor.u32 v3, v4  }
0x48: {  	v4 =	vperm.xlane v3, v0;
	_ =	sdelay $0x1  }
0x49: {  	v3 =	vperm.xlane v3, v2;
	v4 =	vadd.s32 v1, v4;
	_ =	sdelay $0x1  }
0x4a: {  	v3 =	vadd.s32 v1, v3;
	_ =	sdelay $0x1  }
0x4b: {  	s8 =	simm.s32 $0x5000  }
0x4c: {  	[tilespmem:s8], [sflag:$0x1] =	stream.indirect_vreg.gather [hbm4b:s1+s4], $0x80, v4, vm0, $0xb8;
	[tilespmem:$0x12800] =	vst v63  }
0x4d: {  	s9 =	simm.s32 $0x5800  }
0x4e: {  	[tilespmem:s9], [sflag:$0x1] =	stream.indirect_vreg.gather [hbm4b:s1+s4], $0x80, v3, vm0, $0xb8;
	[tilespmem:$0x12800] =	vst v63  }
0x4f: {  	v3 =	vld [tilespmem:$0x40];
	_ =	sdelay $0x4  }
0x50: {  	v52 =	vshll.u32 v3, $0x1  }
0x51: {  	v3 =	vand.u32 $0x7, v3;
	v4 =	vand.u32 $0xFFFFFFF0, v52  }
0x52: {  	v3 =	vor.u32 v3, v4  }
0x53: {  	v4 =	vperm.xlane v3, v0;
	_ =	sdelay $0x1  }
0x54: {  	v3 =	vperm.xlane v3, v2;
	v4 =	vadd.s32 v1, v4;
	_ =	sdelay $0x1  }
0x55: {  	v3 =	vadd.s32 v1, v3;
	_ =	sdelay $0x1  }
0x56: {  	s25 =	simm.s32 $0x6000  }
0x57: {  	[tilespmem:s25], [sflag:$0x1] =	stream.indirect_vreg.gather [hbm4b:s1+s4], $0x80, v4, vm0, $0xb8;
	[tilespmem:$0x12800] =	vst v63  }
0x58: {  	s26 =	simm.s32 $0x6800  }
0x59: {  	[tilespmem:s26], [sflag:$0x1] =	stream.indirect_vreg.gather [hbm4b:s1+s4], $0x80, v3, vm0, $0xb8;
	[tilespmem:$0x12800] =	vst v63  }
0x5a: {  	v3 =	vld [tilespmem:$0x50];
	_ =	sdelay $0x4  }
0x5b: {  	v53 =	vshll.u32 v3, $0x1  }
0x5c: {  	v3 =	vand.u32 $0x7, v3;
	v4 =	vand.u32 $0xFFFFFFF0, v53  }
0x5d: {  	v3 =	vor.u32 v3, v4  }
0x5e: {  	v4 =	vperm.xlane v3, v0;
	_ =	sdelay $0x1  }
0x5f: {  	v3 =	vperm.xlane v3, v2;
	v4 =	vadd.s32 v1, v4;
	_ =	sdelay $0x1  }
0x60: {  	v3 =	vadd.s32 v1, v3;
	_ =	sdelay $0x1  }
0x61: {  	s28 =	simm.s32 $0x7000  }
0x62: {  	[tilespmem:s28], [sflag:$0x1] =	stream.indirect_vreg.gather [hbm4b:s1+s4], $0x80, v4, vm0, $0xb8;
	[tilespmem:$0x12800] =	vst v63  }
0x63: {  	s29 =	simm.s32 $0x7800  }
0x64: {  	[tilespmem:s29], [sflag:$0x1] =	stream.indirect_vreg.gather [hbm4b:s1+s4], $0x80, v3, vm0, $0xb8;
	[tilespmem:$0x12800] =	vst v63  }
0x65: {  	v3 =	vld [tilespmem:$0x60];
	_ =	sdelay $0x4  }
0x66: {  	v54 =	vshll.u32 v3, $0x1  }
0x67: {  	v3 =	vand.u32 $0x7, v3;
	v4 =	vand.u32 $0xFFFFFFF0, v54  }
0x68: {  	v3 =	vor.u32 v3, v4  }
0x69: {  	v4 =	vperm.xlane v3, v0;
	_ =	sdelay $0x1  }
0x6a: {  	v3 =	vperm.xlane v3, v2;
	v4 =	vadd.s32 v1, v4;
	_ =	sdelay $0x1  }
0x6b: {  	v3 =	vadd.s32 v1, v3;
	_ =	sdelay $0x1  }
0x6c: {  	s30 =	simm.s32 $0x8000  }
0x6d: {  	[tilespmem:s30], [sflag:$0x1] =	stream.indirect_vreg.gather [hbm4b:s1+s4], $0x80, v4, vm0, $0xb8;
	[tilespmem:$0x12800] =	vst v63  }
0x6e: {  	s8 =	simm.s32 $0x8800  }
0x6f: {  	[tilespmem:s8], [sflag:$0x1] =	stream.indirect_vreg.gather [hbm4b:s1+s4], $0x80, v3, vm0, $0xb8;
	[tilespmem:$0x12800] =	vst v63  }
0x70: {  	v3 =	vld [tilespmem:$0x70];
	_ =	sdelay $0x4  }
0x71: {  	v55 =	vshll.u32 v3, $0x1  }
0x72: {  	v3 =	vand.u32 $0x7, v3;
	v4 =	vand.u32 $0xFFFFFFF0, v55  }
0x73: {  	v3 =	vor.u32 v3, v4  }
0x74: {  	v4 =	vperm.xlane v3, v0;
	_ =	sdelay $0x1  }
0x75: {  	v3 =	vperm.xlane v3, v2;
	v4 =	vadd.s32 v1, v4;
	_ =	sdelay $0x1  }
0x76: {  	v3 =	vadd.s32 v1, v3;
	_ =	sdelay $0x1  }
0x77: {  	s9 =	simm.s32 $0x9000  }
0x78: {  	[tilespmem:s9], [sflag:$0x1] =	stream.indirect_vreg.gather [hbm4b:s1+s4], $0x80, v4, vm0, $0xb8;
	[tilespmem:$0x12800] =	vst v63  }
0x79: {  	s25 =	simm.s32 $0x9800  }
0x7a: {  	[tilespmem:s25], [sflag:$0x1] =	stream.indirect_vreg.gather [hbm4b:s1+s4], $0x80, v3, vm0, $0xb8;
	[tilespmem:$0x12800] =	vst v63  }
0x7b: {  	v3 =	vld [tilespmem:$0x80];
	_ =	sdelay $0x4  }
0x7c: {  	v56 =	vshll.u32 v3, $0x1  }
0x7d: {  	v3 =	vand.u32 $0x7, v3;
	v4 =	vand.u32 $0xFFFFFFF0, v56  }
0x7e: {  	v3 =	vor.u32 v3, v4  }
0x7f: {  	v4 =	vperm.xlane v3, v0;
	_ =	sdelay $0x1  }
0x80: {  	v3 =	vperm.xlane v3, v2;
	v4 =	vadd.s32 v1, v4;
	_ =	sdelay $0x1  }
0x81: {  	v3 =	vadd.s32 v1, v3;
	_ =	sdelay $0x1  }
0x82: {  	s26 =	simm.s32 $0xA000  }
0x83: {  	[tilespmem:s26], [sflag:$0x2] =	stream.indirect_vreg.gather [hbm4b:s1+s4], $0x80, v4, vm0, $0xb8;
	[tilespmem:$0x12800] =	vst v63  }
0x84: {  	s28 =	simm.s32 $0xA800  }
0x85: {  	[tilespmem:s28], [sflag:$0x2] =	stream.indirect_vreg.gather [hbm4b:s1+s4], $0x80, v3, vm0, $0xb8;
	[tilespmem:$0x12800] =	vst v63  }
0x86: {  	v3 =	vld [tilespmem:$0x90];
	_ =	sdelay $0x4  }
0x87: {  	v57 =	vshll.u32 v3, $0x1  }
0x88: {  	v3 =	vand.u32 $0x7, v3;
	v4 =	vand.u32 $0xFFFFFFF0, v57  }
0x89: {  	v3 =	vor.u32 v3, v4  }
0x8a: {  	v4 =	vperm.xlane v3, v0;
	_ =	sdelay $0x1  }
0x8b: {  	v3 =	vperm.xlane v3, v2;
	v4 =	vadd.s32 v1, v4;
	_ =	sdelay $0x1  }
0x8c: {  	v3 =	vadd.s32 v1, v3;
	_ =	sdelay $0x1  }
0x8d: {  	s29 =	simm.s32 $0xB000  }
0x8e: {  	[tilespmem:s29], [sflag:$0x2] =	stream.indirect_vreg.gather [hbm4b:s1+s4], $0x80, v4, vm0, $0xb8;
	[tilespmem:$0x12800] =	vst v63  }
0x8f: {  	s30 =	simm.s32 $0xB800  }
0x90: {  	[tilespmem:s30], [sflag:$0x2] =	stream.indirect_vreg.gather [hbm4b:s1+s4], $0x80, v3, vm0, $0xb8;
	[tilespmem:$0x12800] =	vst v63  }
0x91: {  	v3 =	vld [tilespmem:$0xA0];
	_ =	sdelay $0x4  }
0x92: {  	v58 =	vshll.u32 v3, $0x1  }
0x93: {  	v3 =	vand.u32 $0x7, v3;
	v4 =	vand.u32 $0xFFFFFFF0, v58  }
0x94: {  	v3 =	vor.u32 v3, v4  }
0x95: {  	v4 =	vperm.xlane v3, v0;
	_ =	sdelay $0x1  }
0x96: {  	v3 =	vperm.xlane v3, v2;
	v4 =	vadd.s32 v1, v4;
	_ =	sdelay $0x1  }
0x97: {  	v3 =	vadd.s32 v1, v3;
	_ =	sdelay $0x2  }
0x98: {  	[tilespmem:s31], [sflag:$0x2] =	stream.indirect_vreg.gather [hbm4b:s1+s4], $0x80, v4, vm0, $0xb8;
	[tilespmem:$0x12800] =	vst v63  }
0x99: {  	_ = 	snop  }
0x9a: {  	[tilespmem:s0], [sflag:$0x2] =	stream.indirect_vreg.gather [hbm4b:s1+s4], $0x80, v3, vm0, $0xb8;
	[tilespmem:$0x12800] =	vst v63  }
0x9b: {  	v3 =	vld [tilespmem:$0xB0];
	_ =	sdelay $0x4  }
0x9c: {  	v59 =	vshll.u32 v3, $0x1  }
0x9d: {  	v3 =	vand.u32 $0x7, v3;
	v4 =	vand.u32 $0xFFFFFFF0, v59  }
0x9e: {  	v3 =	vor.u32 v3, v4  }
0x9f: {  	v4 =	vperm.xlane v3, v0;
	_ =	sdelay $0x1  }
0xa0: {  	v3 =	vperm.xlane v3, v2;
	v4 =	vadd.s32 v1, v4;
	_ =	sdelay $0x1  }
0xa1: {  	v3 =	vadd.s32 v1, v3;
	_ =	sdelay $0x2  }
0xa2: {  	[tilespmem:s2], [sflag:$0x2] =	stream.indirect_vreg.gather [hbm4b:s1+s4], $0x80, v4, vm0, $0xb8;
	[tilespmem:$0x12800] =	vst v63  }
0xa3: {  	_ = 	snop  }
0xa4: {  	[tilespmem:s10], [sflag:$0x2] =	stream.indirect_vreg.gather [hbm4b:s1+s4], $0x80, v3, vm0, $0xb8;
	[tilespmem:$0x12800] =	vst v63  }
0xa5: {  	v3 =	vld [tilespmem:$0xC0];
	_ =	sdelay $0x4  }
0xa6: {  	v60 =	vshll.u32 v3, $0x1  }
0xa7: {  	v3 =	vand.u32 $0x7, v3;
	v4 =	vand.u32 $0xFFFFFFF0, v60  }
0xa8: {  	v3 =	vor.u32 v3, v4  }
0xa9: {  	v4 =	vperm.xlane v3, v0;
	_ =	sdelay $0x1  }
0xaa: {  	v3 =	vperm.xlane v3, v2;
	v4 =	vadd.s32 v1, v4;
	_ =	sdelay $0x1  }
0xab: {  	v3 =	vadd.s32 v1, v3;
	_ =	sdelay $0x2  }
0xac: {  	[tilespmem:s11], [sflag:$0x2] =	stream.indirect_vreg.gather [hbm4b:s1+s4], $0x80, v4, vm0, $0xb8;
	[tilespmem:$0x12800] =	vst v63  }
0xad: {  	_ = 	snop  }
0xae: {  	[tilespmem:s12], [sflag:$0x2] =	stream.indirect_vreg.gather [hbm4b:s1+s4], $0x80, v3, vm0, $0xb8;
	[tilespmem:$0x12800] =	vst v63  }
0xaf: {  	v3 =	vld [tilespmem:$0xD0];
	_ =	sdelay $0x4  }
0xb0: {  	v61 =	vshll.u32 v3, $0x1  }
0xb1: {  	v3 =	vand.u32 $0x7, v3;
	v4 =	vand.u32 $0xFFFFFFF0, v61  }
0xb2: {  	v3 =	vor.u32 v3, v4  }
0xb3: {  	v4 =	vperm.xlane v3, v0;
	_ =	sdelay $0x1  }
0xb4: {  	v3 =	vperm.xlane v3, v2;
	v4 =	vadd.s32 v1, v4;
	_ =	sdelay $0x1  }
0xb5: {  	v3 =	vadd.s32 v1, v3;
	_ =	sdelay $0x2  }
0xb6: {  	[tilespmem:s13], [sflag:$0x2] =	stream.indirect_vreg.gather [hbm4b:s1+s4], $0x80, v4, vm0, $0xb8;
	[tilespmem:$0x12800] =	vst v63  }
0xb7: {  	_ = 	snop  }
0xb8: {  	[tilespmem:s14], [sflag:$0x2] =	stream.indirect_vreg.gather [hbm4b:s1+s4], $0x80, v3, vm0, $0xb8;
	[tilespmem:$0x12800] =	vst v63  }
0xb9: {  	v3 =	vld [tilespmem:$0xE0];
	_ =	sdelay $0x4  }
0xba: {  	v62 =	vshll.u32 v3, $0x1  }
0xbb: {  	v3 =	vand.u32 $0x7, v3;
	v4 =	vand.u32 $0xFFFFFFF0, v62  }
0xbc: {  	v3 =	vor.u32 v3, v4  }
0xbd: {  	v4 =	vperm.xlane v3, v0;
	_ =	sdelay $0x1  }
0xbe: {  	v3 =	vperm.xlane v3, v2;
	v4 =	vadd.s32 v1, v4;
	_ =	sdelay $0x1  }
0xbf: {  	v3 =	vadd.s32 v1, v3;
	_ =	sdelay $0x2  }
0xc0: {  	[tilespmem:s15], [sflag:$0x2] =	stream.indirect_vreg.gather [hbm4b:s1+s4], $0x80, v4, vm0, $0xb8;
	[tilespmem:$0x12800] =	vst v63  }
0xc1: {  	_ = 	snop  }
0xc2: {  	[tilespmem:s16], [sflag:$0x2] =	stream.indirect_vreg.gather [hbm4b:s1+s4], $0x80, v3, vm0, $0xb8;
	[tilespmem:$0x12800] =	vst v63  }
0xc3: {  	v3 =	vld [tilespmem:$0xF0];
	_ =	sdelay $0x4  }
0xc4: {  	v63 =	vshll.u32 v3, $0x1  }
0xc5: {  	v3 =	vand.u32 $0x7, v3;
	v4 =	vand.u32 $0xFFFFFFF0, v63  }
0xc6: {  	v3 =	vor.u32 v3, v4  }
0xc7: {  	v4 =	vperm.xlane v3, v0;
	_ =	sdelay $0x1  }
0xc8: {  	v3 =	vperm.xlane v3, v2;
	v4 =	vadd.s32 v1, v4;
	_ =	sdelay $0x1  }
0xc9: {  	v3 =	vadd.s32 v1, v3;
	_ =	sdelay $0x2  }
0xca: {  	[tilespmem:s17], [sflag:$0x2] =	stream.indirect_vreg.gather [hbm4b:s1+s4], $0x80, v4, vm0, $0xb8;
	[tilespmem:$0x12800] =	vst v63  }
0xcb: {  	s9 =	simm.s32 $0x0  }
0xcc: {  	[tilespmem:s18], [sflag:$0x2] =	stream.indirect_vreg.gather [hbm4b:s1+s4], $0x80, v3, vm0, $0xb8;
	[tilespmem:$0x12800] =	vst v63  }
.LBB2_2:
0xcd: {  	p0 =	seq.s32 s9, $0x0  }
0xce: {  	s3 =	simm.s32 @!p0 $0x3  }
0xcf: {  	_ =	swait.ge @!p0 [sflag:s3], $0x400  }
0xd0: {  	[sflag:s3] =	ssyncset.done @!p0 $0x0  }
0xd1: {  	[sflag:s3] =	ssyncadd.s32 @!p0 $0xFFFFFC00  }
0xd2: {  	_ =	swait.ge [sflag:s19], $0x8000  }
0xd3: {  	s25 =	sshll.u32 s9, $0xA;
	[sflag:s19] =	ssyncset.done $0x0  }
0xd4: {  	s8 =	simm.s32 $0x0;
	s3 =	simm.s32 $0x0;
	[sflag:s19] =	ssyncadd.s32 $0xFFFF8000  }
.LBB2_3:
0xd5: {  	s26 =	sshll.u32 s3, $0x7  }
0xd6: {  	s28 =	sand.u32 $0x70, s8;
	s26 =	sand.u32 $0x3FFFFC00, s26  }
0xd7: {  	s26 =	sor.u32 s28, s26  }
0xd8: {  	v3 =	vld [tilespmem:s26+$0x2000]  }
0xd9: {  	v4 =	vld [tilespmem:s26+$0x2080]  }
0xda: {  	v5 =	vld [tilespmem:s26+$0x2100]  }
0xdb: {  	v6 =	vld [tilespmem:s26+$0x2180]  }
0xdc: {  	v7 =	vld [tilespmem:s26+$0x2200]  }
0xdd: {  	v8 =	vld [tilespmem:s26+$0x2280]  }
0xde: {  	v9 =	vld [tilespmem:s26+$0x2300]  }
0xdf: {  	v10 =	vld [tilespmem:s26+$0x2380]  }
0xe0: {  	v11 =	vld [tilespmem:s26+$0x2800]  }
0xe1: {  	v12 =	vld [tilespmem:s26+$0x2880]  }
0xe2: {  	v13 =	vld [tilespmem:s26+$0x2900]  }
0xe3: {  	v14 =	vld [tilespmem:s26+$0x2980]  }
0xe4: {  	v15 =	vld [tilespmem:s26+$0x2A00]  }
0xe5: {  	v29 =	vld [tilespmem:s26+$0x2A80]  }
0xe6: {  	v30 =	vld [tilespmem:s26+$0x2B00];
	v8 =	vmul.f32 v9, v8;
	v28 =	vmul.f32 v11, v10  }
0xe7: {  	v32 =	vld [tilespmem:s26+$0x2B80]  }
0xe8: {  	v33 =	vld [tilespmem:s26+$0x3000];
	v31 =	vmul.f32 v13, v12;
	v8 =	vadd.f32 v28, v8  }
0xe9: {  	v35 =	vld [tilespmem:s26+$0x3080]  }
0xea: {  	v36 =	vld [tilespmem:s26+$0x3100];
	v34 =	vmul.f32 v15, v14;
	v8 =	vadd.f32 v31, v8  }
0xeb: {  	v38 =	vld [tilespmem:s26+$0x3180]  }
0xec: {  	v39 =	vld [tilespmem:s26+$0x3200];
	v37 =	vmul.f32 v30, v29;
	v8 =	vadd.f32 v34, v8  }
0xed: {  	v41 =	vld [tilespmem:s26+$0x3280]  }
0xee: {  	v42 =	vld [tilespmem:s26+$0x3300];
	v40 =	vmul.f32 v33, v32;
	v8 =	vadd.f32 v37, v8  }
0xef: {  	v44 =	vld [tilespmem:s26+$0x3380]  }
0xf0: {  	v45 =	vld [tilespmem:s26+$0x3800];
	v43 =	vmul.f32 v36, v35;
	v8 =	vadd.f32 v40, v8  }
0xf1: {  	v47 =	vld [tilespmem:s26+$0x3880];
	v3 =	vadd.f32 v3, v3  }
0xf2: {  	v17 =	vld [tilespmem:s26+$0x3900];
	v46 =	vmul.f32 v39, v38;
	v8 =	vadd.f32 v43, v8  }
0xf3: {  	v50 =	vld [tilespmem:s26+$0x3980];
	v48 =	vadd.f32 v4, v3  }
0xf4: {  	v52 =	vld [tilespmem:s26+$0x3A00];
	v49 =	vmul.f32 v42, v41;
	v16 =	vadd.f32 v5, v3;
	v8 =	vadd.f32 v46, v8  }
0xf5: {  	v53 =	vmul.f32 v45, v44;
	v51 =	vadd.f32 v6, v3  }
0xf6: {  	v4 =	vmul.f32 v48, v4;
	v5 =	vmul.f32 v16, v5;
	v8 =	vadd.f32 v49, v8  }
0xf7: {  	v56 =	vmul.f32 v17, v47;
	v3 =	vadd.f32 v7, v3  }
0xf8: {  	v54 =	vmul.f32 v51, v6;
	v4 =	vadd.f32 v5, v4;
	v55 =	vadd.f32 v53, v8  }
0xf9: {  	v58 =	vmul.f32 v52, v50  }
0xfa: {  	v3 =	vmul.f32 v3, v7;
	v4 =	vadd.f32 v54, v4;
	v57 =	vadd.f32 v56, v55;
	_ =	sdelay $0x1  }
0xfb: {  	v3 =	vadd.f32 v3, v4;
	v59 =	vadd.f32 v58, v57;
	_ =	sdelay $0x1  }
0xfc: {  	v3 =	vmul.f32 $2.083333400e-02, v3;
	v4 =	vmul.f32 $6.250000000e-02, v59  }
0xfd: {  	s29 =	sshll.u32 s3, $0x6  }
0xfe: {  	s29 =	sand.u32 $0x3FFFFE00, s29;
	v3 =	vadd.f32 v4, v3  }
0xff: {  	s28 =	sor.u32 s28, s29  }
0x100: {  	[tilespmem:s28+$0x12000] =	vst v3  }
0x101: {  	v3 =	vld [tilespmem:s26+$0x3A80]  }
0x102: {  	v60 =	vld [tilespmem:s26+$0x3B00]  }
0x103: {  	v61 =	vld [tilespmem:s26+$0x3B80]  }
0x104: {  	v62 =	vld [tilespmem:s26+$0x4000]  }
0x105: {  	v63 =	vld [tilespmem:s26+$0x4080]  }
0x106: {  	v18 =	vld [tilespmem:s26+$0x4100]  }
0x107: {  	v19 =	vld [tilespmem:s26+$0x4180]  }
0x108: {  	v20 =	vld [tilespmem:s26+$0x4200]  }
0x109: {  	v21 =	vld [tilespmem:s26+$0x4280]  }
0x10a: {  	v22 =	vld [tilespmem:s26+$0x4300]  }
0x10b: {  	v23 =	vld [tilespmem:s26+$0x4380]  }
0x10c: {  	v24 =	vld [tilespmem:s26+$0x4800]  }
0x10d: {  	v25 =	vld [tilespmem:s26+$0x4880]  }
0x10e: {  	v27 =	vld [tilespmem:s26+$0x4900]  }
0x10f: {  	v28 =	vld [tilespmem:s26+$0x4980];
	v8 =	vmul.f32 v19, v18;
	v26 =	vmul.f32 v21, v20  }
0x110: {  	v30 =	vld [tilespmem:s26+$0x4A00]  }
0x111: {  	v31 =	vld [tilespmem:s26+$0x4A80];
	v29 =	vmul.f32 v23, v22;
	v8 =	vadd.f32 v26, v8  }
0x112: {  	v33 =	vld [tilespmem:s26+$0x4B00]  }
0x113: {  	v34 =	vld [tilespmem:s26+$0x4B80];
	v32 =	vmul.f32 v25, v24;
	v8 =	vadd.f32 v29, v8  }
0x114: {  	v36 =	vld [tilespmem:s26+$0x5000]  }
0x115: {  	v37 =	vld [tilespmem:s26+$0x5080];
	v35 =	vmul.f32 v28, v27;
	v8 =	vadd.f32 v32, v8  }
0x116: {  	v39 =	vld [tilespmem:s26+$0x5100]  }
0x117: {  	v40 =	vld [tilespmem:s26+$0x5180];
	v38 =	vmul.f32 v31, v30;
	v8 =	vadd.f32 v35, v8  }
0x118: {  	v42 =	vld [tilespmem:s26+$0x5200]  }
0x119: {  	v43 =	vld [tilespmem:s26+$0x5280];
	v41 =	vmul.f32 v34, v33;
	v8 =	vadd.f32 v38, v8  }
0x11a: {  	v45 =	vld [tilespmem:s26+$0x5300];
	v3 =	vadd.f32 v3, v3  }
0x11b: {  	v48 =	vld [tilespmem:s26+$0x5380];
	v44 =	vmul.f32 v37, v36;
	v8 =	vadd.f32 v41, v8  }
0x11c: {  	v50 =	vld [tilespmem:s26+$0x5800];
	v46 =	vadd.f32 v60, v3  }
0x11d: {  	v52 =	vld [tilespmem:s26+$0x5880];
	v49 =	vmul.f32 v40, v39;
	v47 =	vadd.f32 v61, v3;
	v8 =	vadd.f32 v44, v8  }
0x11e: {  	v53 =	vmul.f32 v43, v42;
	v51 =	vadd.f32 v62, v3  }
0x11f: {  	v4 =	vmul.f32 v46, v60;
	v5 =	vmul.f32 v47, v61;
	v8 =	vadd.f32 v49, v8  }
0x120: {  	v56 =	vmul.f32 v48, v45;
	v3 =	vadd.f32 v63, v3  }
0x121: {  	v54 =	vmul.f32 v51, v62;
	v4 =	vadd.f32 v5, v4;
	v55 =	vadd.f32 v53, v8  }
0x122: {  	v58 =	vmul.f32 v52, v50  }
0x123: {  	v3 =	vmul.f32 v3, v63;
	v4 =	vadd.f32 v54, v4;
	v57 =	vadd.f32 v56, v55;
	_ =	sdelay $0x1  }
0x124: {  	v3 =	vadd.f32 v3, v4;
	v59 =	vadd.f32 v58, v57;
	_ =	sdelay $0x1  }
0x125: {  	v3 =	vmul.f32 $2.083333400e-02, v3;
	v4 =	vmul.f32 $6.250000000e-02, v59;
	_ =	sdelay $0x1  }
0x126: {  	v3 =	vadd.f32 v4, v3  }
0x127: {  	s28 =	sadd.s32 $0x12000, s28  }
0x128: {  	[tilespmem:s28+$0x80] =	vst v3  }
0x129: {  	v3 =	vld [tilespmem:s26+$0x5900]  }
0x12a: {  	v60 =	vld [tilespmem:s26+$0x5980]  }
0x12b: {  	v61 =	vld [tilespmem:s26+$0x5A00]  }
0x12c: {  	v62 =	vld [tilespmem:s26+$0x5A80]  }
0x12d: {  	v63 =	vld [tilespmem:s26+$0x5B00]  }
0x12e: {  	v20 =	vld [tilespmem:s26+$0x5B80]  }
0x12f: {  	v21 =	vld [tilespmem:s26+$0x6000]  }
0x130: {  	v22 =	vld [tilespmem:s26+$0x6080]  }
0x131: {  	v23 =	vld [tilespmem:s26+$0x6100]  }
0x132: {  	v24 =	vld [tilespmem:s26+$0x6180]  }
0x133: {  	v25 =	vld [tilespmem:s26+$0x6200]  }
0x134: {  	v26 =	vld [tilespmem:s26+$0x6280]  }
0x135: {  	v27 =	vld [tilespmem:s26+$0x6300]  }
0x136: {  	v29 =	vld [tilespmem:s26+$0x6380]  }
0x137: {  	v30 =	vld [tilespmem:s26+$0x6800];
	v8 =	vmul.f32 v21, v20;
	v28 =	vmul.f32 v23, v22  }
0x138: {  	v32 =	vld [tilespmem:s26+$0x6880]  }
0x139: {  	v33 =	vld [tilespmem:s26+$0x6900];
	v31 =	vmul.f32 v25, v24;
	v8 =	vadd.f32 v28, v8  }
0x13a: {  	v35 =	vld [tilespmem:s26+$0x6980]  }
0x13b: {  	v36 =	vld [tilespmem:s26+$0x6A00];
	v34 =	vmul.f32 v27, v26;
	v8 =	vadd.f32 v31, v8  }
0x13c: {  	v38 =	vld [tilespmem:s26+$0x6A80]  }
0x13d: {  	v39 =	vld [tilespmem:s26+$0x6B00];
	v37 =	vmul.f32 v30, v29;
	v8 =	vadd.f32 v34, v8  }
0x13e: {  	v41 =	vld [tilespmem:s26+$0x6B80]  }
0x13f: {  	v42 =	vld [tilespmem:s26+$0x7000];
	v40 =	vmul.f32 v33, v32;
	v8 =	vadd.f32 v37, v8  }
0x140: {  	v44 =	vld [tilespmem:s26+$0x7080]  }
0x141: {  	v45 =	vld [tilespmem:s26+$0x7100];
	v43 =	vmul.f32 v36, v35;
	v8 =	vadd.f32 v40, v8  }
0x142: {  	v47 =	vld [tilespmem:s26+$0x7180];
	v3 =	vadd.f32 v3, v3  }
0x143: {  	v50 =	vld [tilespmem:s26+$0x7200];
	v46 =	vmul.f32 v39, v38;
	v8 =	vadd.f32 v43, v8  }
0x144: {  	v48 =	vadd.f32 v60, v3  }
0x145: {  	v52 =	vld [tilespmem:s26+$0x7280];
	v51 =	vmul.f32 v42, v41;
	v49 =	vadd.f32 v61, v3;
	v8 =	vadd.f32 v46, v8  }
0x146: {  	v54 =	vld [tilespmem:s26+$0x7300];
	v55 =	vmul.f32 v45, v44;
	v53 =	vadd.f32 v62, v3  }
0x147: {  	v4 =	vmul.f32 v48, v60;
	v5 =	vmul.f32 v49, v61;
	v8 =	vadd.f32 v51, v8  }
0x148: {  	v58 =	vmul.f32 v50, v47;
	v3 =	vadd.f32 v63, v3  }
0x149: {  	v56 =	vmul.f32 v53, v62;
	v4 =	vadd.f32 v5, v4;
	v57 =	vadd.f32 v55, v8  }
0x14a: {  	v3 =	vmul.f32 v3, v63  }
0x14b: {  	v60 =	vmul.f32 v54, v52;
	v4 =	vadd.f32 v56, v4;
	v59 =	vadd.f32 v58, v57;
	_ =	sdelay $0x1  }
0x14c: {  	v3 =	vadd.f32 v3, v4;
	v61 =	vadd.f32 v60, v59;
	_ =	sdelay $0x1  }
0x14d: {  	v3 =	vmul.f32 $2.083333400e-02, v3;
	v4 =	vmul.f32 $6.250000000e-02, v61;
	_ =	sdelay $0x1  }
0x14e: {  	v3 =	vadd.f32 v4, v3;
	_ =	sdelay $0x1  }
0x14f: {  	[tilespmem:s28+$0x100] =	vst v3  }
0x150: {  	v3 =	vld [tilespmem:s26+$0x7380]  }
0x151: {  	v62 =	vld [tilespmem:s26+$0x7800]  }
0x152: {  	v63 =	vld [tilespmem:s26+$0x7880]  }
0x153: {  	v20 =	vld [tilespmem:s26+$0x7900]  }
0x154: {  	v21 =	vld [tilespmem:s26+$0x7980]  }
0x155: {  	v22 =	vld [tilespmem:s26+$0x7A00]  }
0x156: {  	v23 =	vld [tilespmem:s26+$0x7A80]  }
0x157: {  	v24 =	vld [tilespmem:s26+$0x7B00]  }
0x158: {  	v25 =	vld [tilespmem:s26+$0x7B80]  }
0x159: {  	v26 =	vld [tilespmem:s26+$0x8000]  }
0x15a: {  	v27 =	vld [tilespmem:s26+$0x8080]  }
0x15b: {  	v28 =	vld [tilespmem:s26+$0x8100]  }
0x15c: {  	v29 =	vld [tilespmem:s26+$0x8180]  }
0x15d: {  	v31 =	vld [tilespmem:s26+$0x8200]  }
0x15e: {  	v32 =	vld [tilespmem:s26+$0x8280];
	v8 =	vmul.f32 v23, v22;
	v30 =	vmul.f32 v25, v24  }
0x15f: {  	v34 =	vld [tilespmem:s26+$0x8300]  }
0x160: {  	v35 =	vld [tilespmem:s26+$0x8380];
	v33 =	vmul.f32 v27, v26;
	v8 =	vadd.f32 v30, v8  }
0x161: {  	v37 =	vld [tilespmem:s26+$0x8800]  }
0x162: {  	v38 =	vld [tilespmem:s26+$0x8880];
	v36 =	vmul.f32 v29, v28;
	v8 =	vadd.f32 v33, v8  }
0x163: {  	v40 =	vld [tilespmem:s26+$0x8900]  }
0x164: {  	v41 =	vld [tilespmem:s26+$0x8980];
	v39 =	vmul.f32 v32, v31;
	v8 =	vadd.f32 v36, v8  }
0x165: {  	v43 =	vld [tilespmem:s26+$0x8A00]  }
0x166: {  	v44 =	vld [tilespmem:s26+$0x8A80];
	v42 =	vmul.f32 v35, v34;
	v8 =	vadd.f32 v39, v8  }
0x167: {  	v46 =	vld [tilespmem:s26+$0x8B00]  }
0x168: {  	v47 =	vld [tilespmem:s26+$0x8B80];
	v45 =	vmul.f32 v38, v37;
	v8 =	vadd.f32 v42, v8  }
0x169: {  	v49 =	vld [tilespmem:s26+$0x9000];
	v3 =	vadd.f32 v3, v3  }
0x16a: {  	v52 =	vld [tilespmem:s26+$0x9080];
	v48 =	vmul.f32 v41, v40;
	v8 =	vadd.f32 v45, v8  }
0x16b: {  	v50 =	vadd.f32 v62, v3  }
0x16c: {  	v54 =	vld [tilespmem:s26+$0x9100];
	v53 =	vmul.f32 v44, v43;
	v51 =	vadd.f32 v63, v3;
	v8 =	vadd.f32 v48, v8  }
0x16d: {  	v56 =	vld [tilespmem:s26+$0x9180];
	v57 =	vmul.f32 v47, v46;
	v55 =	vadd.f32 v20, v3  }
0x16e: {  	v4 =	vmul.f32 v50, v62;
	v5 =	vmul.f32 v51, v63;
	v8 =	vadd.f32 v53, v8  }
0x16f: {  	v60 =	vmul.f32 v52, v49;
	v3 =	vadd.f32 v21, v3  }
0x170: {  	v58 =	vmul.f32 v55, v20;
	v4 =	vadd.f32 v5, v4;
	v59 =	vadd.f32 v57, v8  }
0x171: {  	v3 =	vmul.f32 v3, v21  }
0x172: {  	v62 =	vmul.f32 v56, v54;
	v4 =	vadd.f32 v58, v4;
	v61 =	vadd.f32 v60, v59;
	_ =	sdelay $0x1  }
0x173: {  	v3 =	vadd.f32 v3, v4;
	v63 =	vadd.f32 v62, v61  }
0x174: {  	p0 =	sne.s32 s3, $0xF  }
.Ltmp2:
0x175: {  	v3 =	vmul.f32 $2.083333400e-02, v3;
	v4 =	vmul.f32 $6.250000000e-02, v63;
	(pc) =	sbr.rel @p0 .LBB2_3-.Ltmp2, $3  }
0x176: {  	_ = 	snop  }
0x177: {  	v3 =	vadd.f32 v4, v3;
	_ =	sdelay $0x1  }
0x178: {  	s8 =	sadd.s32 $0x10, s8;
	s3 =	sadd.s32 $0x1, s3;
	[tilespmem:s28+$0x180] =	vst v3  }
0x179: {  	s3 =	sshll.u32 s9, $0x8  }
0x17a: {  	s30 =	rddreg [dreg:$0x2];
	s8 =	sadd.s32 s5, s3  }
0x17b: {  	p0 =	seq.s32 s9, $0x1F;
	s3 =	sadd.s32 s30, s8  }
0x17c: {  	[hbm4b:s3+s20] =	stream.strided.scatter [tilespmem:s22], [sflag:$0x3], $0x400, s21, s20, $0x38;
	[tilespmem:$0x12800] =	vst v63  }
0x17d: {  	s3 =	sshrl.u32 @!p0 s25, $0x2  }
0x17e: {  	v3 =	vld @!p0 [tilespmem:s3+$0x100];
	_ =	sdelay $0x4  }
0x17f: {  	v4 =	vshll.u32 @!p0 v3, $0x1  }
0x180: {  	v5 =	vlaneseq.u32 @!p0;
	v3 =	vand.u32 @!p0 $0x7, v3;
	v4 =	vand.u32 @!p0 $0xFFFFFFF0, v4  }
0x181: {  	v6 =	vshrl.u32 @!p0 v5, $0x3;
	v3 =	vor.u32 @!p0 v3, v4;
	v4 =	vand.u32 @!p0 $0x7, v5  }
0x182: {  	v6 =	vmul.u32 @!p0 $0x8, v6;
	v7 =	vperm.xlane @!p0 v3, v4  }
0x183: {  	v5 =	vor.u32 @!p0 $0x8, v5  }
0x184: {  	v3 =	vperm.xlane @!p0 v3, v5;
	v7 =	vadd.s32 @!p0 v6, v7;
	_ =	sdelay $0x1  }
0x185: {  	v3 =	vadd.s32 @!p0 v6, v3;
	_ =	sdelay $0x1  }
0x186: {  	vm1 =	vmmov @!p0 $0xffff;
	s26 =	simm.s32 @!p0 $0x0;
	s28 =	simm.s32 @!p0 $0x2000  }
0x187: {  	[tilespmem:s28], [sflag:$0x1] =	stream.indirect_vreg.gather @!p0 [hbm4b:s1+s26], $0x80, v7, vm1, $0xb8;
	[tilespmem:$0x12800] =	vst v63  }
0x188: {  	s28 =	simm.s32 @!p0 $0x2800  }
0x189: {  	[tilespmem:s28], [sflag:$0x1] =	stream.indirect_vreg.gather @!p0 [hbm4b:s1+s26], $0x80, v3, vm1, $0xb8;
	[tilespmem:$0x12800] =	vst v63  }
0x18a: {  	v3 =	vld @!p0 [tilespmem:s3+$0x110];
	_ =	sdelay $0x4  }
0x18b: {  	v7 =	vshll.u32 @!p0 v3, $0x1  }
0x18c: {  	v3 =	vand.u32 @!p0 $0x7, v3;
	v7 =	vand.u32 @!p0 $0xFFFFFFF0, v7  }
0x18d: {  	v3 =	vor.u32 @!p0 v3, v7  }
0x18e: {  	v7 =	vperm.xlane @!p0 v3, v4;
	_ =	sdelay $0x1  }
0x18f: {  	v3 =	vperm.xlane @!p0 v3, v5;
	v7 =	vadd.s32 @!p0 v6, v7;
	_ =	sdelay $0x1  }
0x190: {  	v3 =	vadd.s32 @!p0 v6, v3;
	_ =	sdelay $0x1  }
0x191: {  	s28 =	simm.s32 @!p0 $0x3000  }
0x192: {  	[tilespmem:s28], [sflag:$0x1] =	stream.indirect_vreg.gather @!p0 [hbm4b:s1+s26], $0x80, v7, vm1, $0xb8;
	[tilespmem:$0x12800] =	vst v63  }
0x193: {  	s28 =	simm.s32 @!p0 $0x3800  }
0x194: {  	[tilespmem:s28], [sflag:$0x1] =	stream.indirect_vreg.gather @!p0 [hbm4b:s1+s26], $0x80, v3, vm1, $0xb8;
	[tilespmem:$0x12800] =	vst v63  }
0x195: {  	v3 =	vld @!p0 [tilespmem:s3+$0x120];
	_ =	sdelay $0x4  }
0x196: {  	v7 =	vshll.u32 @!p0 v3, $0x1  }
0x197: {  	v3 =	vand.u32 @!p0 $0x7, v3;
	v7 =	vand.u32 @!p0 $0xFFFFFFF0, v7  }
0x198: {  	v3 =	vor.u32 @!p0 v3, v7  }
0x199: {  	v7 =	vperm.xlane @!p0 v3, v4;
	_ =	sdelay $0x1  }
0x19a: {  	v3 =	vperm.xlane @!p0 v3, v5;
	v7 =	vadd.s32 @!p0 v6, v7;
	_ =	sdelay $0x1  }
0x19b: {  	v3 =	vadd.s32 @!p0 v6, v3;
	_ =	sdelay $0x1  }
0x19c: {  	s28 =	simm.s32 @!p0 $0x4000  }
0x19d: {  	[tilespmem:s28], [sflag:$0x1] =	stream.indirect_vreg.gather @!p0 [hbm4b:s1+s26], $0x80, v7, vm1, $0xb8;
	[tilespmem:$0x12800] =	vst v63  }
0x19e: {  	s28 =	simm.s32 @!p0 $0x4800  }
0x19f: {  	[tilespmem:s28], [sflag:$0x1] =	stream.indirect_vreg.gather @!p0 [hbm4b:s1+s26], $0x80, v3, vm1, $0xb8;
	[tilespmem:$0x12800] =	vst v63  }
0x1a0: {  	v3 =	vld @!p0 [tilespmem:s3+$0x130];
	_ =	sdelay $0x4  }
0x1a1: {  	v7 =	vshll.u32 @!p0 v3, $0x1  }
0x1a2: {  	v3 =	vand.u32 @!p0 $0x7, v3;
	v7 =	vand.u32 @!p0 $0xFFFFFFF0, v7  }
0x1a3: {  	v3 =	vor.u32 @!p0 v3, v7  }
0x1a4: {  	v7 =	vperm.xlane @!p0 v3, v4;
	_ =	sdelay $0x1  }
0x1a5: {  	v3 =	vperm.xlane @!p0 v3, v5;
	v7 =	vadd.s32 @!p0 v6, v7;
	_ =	sdelay $0x1  }
0x1a6: {  	v3 =	vadd.s32 @!p0 v6, v3;
	_ =	sdelay $0x1  }
0x1a7: {  	s28 =	simm.s32 @!p0 $0x5000  }
0x1a8: {  	[tilespmem:s28], [sflag:$0x1] =	stream.indirect_vreg.gather @!p0 [hbm4b:s1+s26], $0x80, v7, vm1, $0xb8;
	[tilespmem:$0x12800] =	vst v63  }
0x1a9: {  	s28 =	simm.s32 @!p0 $0x5800  }
0x1aa: {  	[tilespmem:s28], [sflag:$0x1] =	stream.indirect_vreg.gather @!p0 [hbm4b:s1+s26], $0x80, v3, vm1, $0xb8;
	[tilespmem:$0x12800] =	vst v63  }
0x1ab: {  	v3 =	vld @!p0 [tilespmem:s3+$0x140];
	_ =	sdelay $0x4  }
0x1ac: {  	v7 =	vshll.u32 @!p0 v3, $0x1  }
0x1ad: {  	v3 =	vand.u32 @!p0 $0x7, v3;
	v7 =	vand.u32 @!p0 $0xFFFFFFF0, v7  }
0x1ae: {  	v3 =	vor.u32 @!p0 v3, v7  }
0x1af: {  	v7 =	vperm.xlane @!p0 v3, v4;
	_ =	sdelay $0x1  }
0x1b0: {  	v3 =	vperm.xlane @!p0 v3, v5;
	v7 =	vadd.s32 @!p0 v6, v7;
	_ =	sdelay $0x1  }
0x1b1: {  	v3 =	vadd.s32 @!p0 v6, v3;
	_ =	sdelay $0x1  }
0x1b2: {  	s28 =	simm.s32 @!p0 $0x6000  }
0x1b3: {  	[tilespmem:s28], [sflag:$0x1] =	stream.indirect_vreg.gather @!p0 [hbm4b:s1+s26], $0x80, v7, vm1, $0xb8;
	[tilespmem:$0x12800] =	vst v63  }
0x1b4: {  	s28 =	simm.s32 @!p0 $0x6800  }
0x1b5: {  	[tilespmem:s28], [sflag:$0x1] =	stream.indirect_vreg.gather @!p0 [hbm4b:s1+s26], $0x80, v3, vm1, $0xb8;
	[tilespmem:$0x12800] =	vst v63  }
0x1b6: {  	v3 =	vld @!p0 [tilespmem:s3+$0x150];
	_ =	sdelay $0x4  }
0x1b7: {  	v7 =	vshll.u32 @!p0 v3, $0x1  }
0x1b8: {  	v3 =	vand.u32 @!p0 $0x7, v3;
	v7 =	vand.u32 @!p0 $0xFFFFFFF0, v7  }
0x1b9: {  	v3 =	vor.u32 @!p0 v3, v7  }
0x1ba: {  	v7 =	vperm.xlane @!p0 v3, v4;
	_ =	sdelay $0x1  }
0x1bb: {  	v3 =	vperm.xlane @!p0 v3, v5;
	v7 =	vadd.s32 @!p0 v6, v7;
	_ =	sdelay $0x1  }
0x1bc: {  	v3 =	vadd.s32 @!p0 v6, v3;
	_ =	sdelay $0x1  }
0x1bd: {  	s28 =	simm.s32 @!p0 $0x7000  }
0x1be: {  	[tilespmem:s28], [sflag:$0x1] =	stream.indirect_vreg.gather @!p0 [hbm4b:s1+s26], $0x80, v7, vm1, $0xb8;
	[tilespmem:$0x12800] =	vst v63  }
0x1bf: {  	s28 =	simm.s32 @!p0 $0x7800  }
0x1c0: {  	[tilespmem:s28], [sflag:$0x1] =	stream.indirect_vreg.gather @!p0 [hbm4b:s1+s26], $0x80, v3, vm1, $0xb8;
	[tilespmem:$0x12800] =	vst v63  }
0x1c1: {  	v3 =	vld @!p0 [tilespmem:s3+$0x160];
	_ =	sdelay $0x4  }
0x1c2: {  	v7 =	vshll.u32 @!p0 v3, $0x1  }
0x1c3: {  	v3 =	vand.u32 @!p0 $0x7, v3;
	v7 =	vand.u32 @!p0 $0xFFFFFFF0, v7  }
0x1c4: {  	v3 =	vor.u32 @!p0 v3, v7  }
0x1c5: {  	v7 =	vperm.xlane @!p0 v3, v4;
	_ =	sdelay $0x1  }
0x1c6: {  	v3 =	vperm.xlane @!p0 v3, v5;
	v7 =	vadd.s32 @!p0 v6, v7;
	_ =	sdelay $0x1  }
0x1c7: {  	v3 =	vadd.s32 @!p0 v6, v3;
	_ =	sdelay $0x1  }
0x1c8: {  	s28 =	simm.s32 @!p0 $0x8000  }
0x1c9: {  	[tilespmem:s28], [sflag:$0x1] =	stream.indirect_vreg.gather @!p0 [hbm4b:s1+s26], $0x80, v7, vm1, $0xb8;
	[tilespmem:$0x12800] =	vst v63  }
0x1ca: {  	s28 =	simm.s32 @!p0 $0x8800  }
0x1cb: {  	[tilespmem:s28], [sflag:$0x1] =	stream.indirect_vreg.gather @!p0 [hbm4b:s1+s26], $0x80, v3, vm1, $0xb8;
	[tilespmem:$0x12800] =	vst v63  }
0x1cc: {  	v3 =	vld @!p0 [tilespmem:s3+$0x170];
	_ =	sdelay $0x4  }
0x1cd: {  	v7 =	vshll.u32 @!p0 v3, $0x1  }
0x1ce: {  	v3 =	vand.u32 @!p0 $0x7, v3;
	v7 =	vand.u32 @!p0 $0xFFFFFFF0, v7  }
0x1cf: {  	v3 =	vor.u32 @!p0 v3, v7  }
0x1d0: {  	v4 =	vperm.xlane @!p0 v3, v4;
	_ =	sdelay $0x1  }
0x1d1: {  	v3 =	vperm.xlane @!p0 v3, v5;
	v4 =	vadd.s32 @!p0 v6, v4;
	_ =	sdelay $0x1  }
0x1d2: {  	v3 =	vadd.s32 @!p0 v6, v3;
	_ =	sdelay $0x1  }
0x1d3: {  	p1 =	seq.s32 @!p0 s9, $0x0;
	s3 =	simm.s32 @!p0 $0x9000  }
0x1d4: {  	[tilespmem:s3], [sflag:$0x1] =	stream.indirect_vreg.gather @!p0 [hbm4b:s1+s26], $0x80, v4, vm1, $0xb8;
	[tilespmem:$0x12800] =	vst v63  }
0x1d5: {  	p1 =	por p0, !p1;
	s3 =	simm.s32 @!p0 $0x9800  }
0x1d6: {  	[tilespmem:s3], [sflag:$0x1] =	stream.indirect_vreg.gather @!p0 [hbm4b:s1+s26], $0x80, v3, vm1, $0xb8;
	[tilespmem:$0x12800] =	vst v63  }
0x1d7: {  	_ =	swait.ge @p1 [sflag:s6], $0x400  }
0x1d8: {  	[sflag:s6] =	ssyncset.done @p1 $0x0  }
0x1d9: {  	[sflag:s6] =	ssyncadd.s32 @p1 $0xFFFFFC00  }
0x1da: {  	_ =	swait.ge [sflag:s23], $0x8000  }
0x1db: {  	[sflag:s23] =	ssyncset.done $0x0  }
0x1dc: {  	s3 =	simm.s32 $0x0;
	s26 =	simm.s32 $0x0;
	[sflag:s23] =	ssyncadd.s32 $0xFFFF8000  }
.LBB2_5:
0x1dd: {  	s28 =	sshll.u32 s26, $0x7  }
0x1de: {  	s29 =	sand.u32 $0x70, s3;
	s28 =	sand.u32 $0x3FFFFC00, s28  }
0x1df: {  	s28 =	sor.u32 s29, s28  }
0x1e0: {  	v3 =	vld [tilespmem:s28+$0xA000]  }
0x1e1: {  	v4 =	vld [tilespmem:s28+$0xA080]  }
0x1e2: {  	v5 =	vld [tilespmem:s28+$0xA100]  }
0x1e3: {  	v6 =	vld [tilespmem:s28+$0xA180]  }
0x1e4: {  	v7 =	vld [tilespmem:s28+$0xA200]  }
0x1e5: {  	v8 =	vld [tilespmem:s28+$0xA280]  }
0x1e6: {  	v9 =	vld [tilespmem:s28+$0xA300]  }
0x1e7: {  	v10 =	vld [tilespmem:s28+$0xA380]  }
0x1e8: {  	v11 =	vld [tilespmem:s28+$0xA800]  }
0x1e9: {  	v12 =	vld [tilespmem:s28+$0xA880]  }
0x1ea: {  	v13 =	vld [tilespmem:s28+$0xA900]  }
0x1eb: {  	v14 =	vld [tilespmem:s28+$0xA980]  }
0x1ec: {  	v15 =	vld [tilespmem:s28+$0xAA00]  }
0x1ed: {  	v29 =	vld [tilespmem:s28+$0xAA80]  }
0x1ee: {  	v30 =	vld [tilespmem:s28+$0xAB00];
	v8 =	vmul.f32 v9, v8;
	v28 =	vmul.f32 v11, v10  }
0x1ef: {  	v32 =	vld [tilespmem:s28+$0xAB80]  }
0x1f0: {  	v33 =	vld [tilespmem:s28+$0xB000];
	v31 =	vmul.f32 v13, v12;
	v8 =	vadd.f32 v28, v8  }
0x1f1: {  	v35 =	vld [tilespmem:s28+$0xB080]  }
0x1f2: {  	v36 =	vld [tilespmem:s28+$0xB100];
	v34 =	vmul.f32 v15, v14;
	v8 =	vadd.f32 v31, v8  }
0x1f3: {  	v38 =	vld [tilespmem:s28+$0xB180]  }
0x1f4: {  	v39 =	vld [tilespmem:s28+$0xB200];
	v37 =	vmul.f32 v30, v29;
	v8 =	vadd.f32 v34, v8  }
0x1f5: {  	v41 =	vld [tilespmem:s28+$0xB280]  }
0x1f6: {  	v42 =	vld [tilespmem:s28+$0xB300];
	v40 =	vmul.f32 v33, v32;
	v8 =	vadd.f32 v37, v8  }
0x1f7: {  	v44 =	vld [tilespmem:s28+$0xB380]  }
0x1f8: {  	v45 =	vld [tilespmem:s28+$0xB800];
	v43 =	vmul.f32 v36, v35;
	v8 =	vadd.f32 v40, v8  }
0x1f9: {  	v47 =	vld [tilespmem:s28+$0xB880];
	v3 =	vadd.f32 v3, v3  }
0x1fa: {  	v17 =	vld [tilespmem:s28+$0xB900];
	v46 =	vmul.f32 v39, v38;
	v8 =	vadd.f32 v43, v8  }
0x1fb: {  	v50 =	vld [tilespmem:s28+$0xB980];
	v48 =	vadd.f32 v4, v3  }
0x1fc: {  	v52 =	vld [tilespmem:s28+$0xBA00];
	v49 =	vmul.f32 v42, v41;
	v16 =	vadd.f32 v5, v3;
	v8 =	vadd.f32 v46, v8  }
0x1fd: {  	v53 =	vmul.f32 v45, v44;
	v51 =	vadd.f32 v6, v3  }
0x1fe: {  	v4 =	vmul.f32 v48, v4;
	v5 =	vmul.f32 v16, v5;
	v8 =	vadd.f32 v49, v8  }
0x1ff: {  	v56 =	vmul.f32 v17, v47;
	v3 =	vadd.f32 v7, v3  }
0x200: {  	v54 =	vmul.f32 v51, v6;
	v4 =	vadd.f32 v5, v4;
	v55 =	vadd.f32 v53, v8  }
0x201: {  	v58 =	vmul.f32 v52, v50  }
0x202: {  	v3 =	vmul.f32 v3, v7;
	v4 =	vadd.f32 v54, v4;
	v57 =	vadd.f32 v56, v55;
	_ =	sdelay $0x1  }
0x203: {  	v3 =	vadd.f32 v3, v4;
	v59 =	vadd.f32 v58, v57;
	_ =	sdelay $0x1  }
0x204: {  	v3 =	vmul.f32 $2.083333400e-02, v3;
	v4 =	vmul.f32 $6.250000000e-02, v59  }
0x205: {  	s30 =	sshll.u32 s26, $0x6  }
0x206: {  	s30 =	sand.u32 $0x3FFFFE00, s30;
	v3 =	vadd.f32 v4, v3  }
0x207: {  	s29 =	sor.u32 s29, s30  }
0x208: {  	[tilespmem:s29+$0x12400] =	vst v3  }
0x209: {  	v3 =	vld [tilespmem:s28+$0xBA80]  }
0x20a: {  	v60 =	vld [tilespmem:s28+$0xBB00]  }
0x20b: {  	v61 =	vld [tilespmem:s28+$0xBB80]  }
0x20c: {  	v62 =	vld [tilespmem:s28+$0xC000]  }
0x20d: {  	v63 =	vld [tilespmem:s28+$0xC080]  }
0x20e: {  	v18 =	vld [tilespmem:s28+$0xC100]  }
0x20f: {  	v19 =	vld [tilespmem:s28+$0xC180]  }
0x210: {  	v20 =	vld [tilespmem:s28+$0xC200]  }
0x211: {  	v21 =	vld [tilespmem:s28+$0xC280]  }
0x212: {  	v22 =	vld [tilespmem:s28+$0xC300]  }
0x213: {  	v23 =	vld [tilespmem:s28+$0xC380]  }
0x214: {  	v24 =	vld [tilespmem:s28+$0xC800]  }
0x215: {  	v25 =	vld [tilespmem:s28+$0xC880]  }
0x216: {  	v27 =	vld [tilespmem:s28+$0xC900]  }
0x217: {  	v28 =	vld [tilespmem:s28+$0xC980];
	v8 =	vmul.f32 v19, v18;
	v26 =	vmul.f32 v21, v20  }
0x218: {  	v30 =	vld [tilespmem:s28+$0xCA00]  }
0x219: {  	v31 =	vld [tilespmem:s28+$0xCA80];
	v29 =	vmul.f32 v23, v22;
	v8 =	vadd.f32 v26, v8  }
0x21a: {  	v33 =	vld [tilespmem:s28+$0xCB00]  }
0x21b: {  	v34 =	vld [tilespmem:s28+$0xCB80];
	v32 =	vmul.f32 v25, v24;
	v8 =	vadd.f32 v29, v8  }
0x21c: {  	v36 =	vld [tilespmem:s28+$0xD000]  }
0x21d: {  	v37 =	vld [tilespmem:s28+$0xD080];
	v35 =	vmul.f32 v28, v27;
	v8 =	vadd.f32 v32, v8  }
0x21e: {  	v39 =	vld [tilespmem:s28+$0xD100]  }
0x21f: {  	v40 =	vld [tilespmem:s28+$0xD180];
	v38 =	vmul.f32 v31, v30;
	v8 =	vadd.f32 v35, v8  }
0x220: {  	v42 =	vld [tilespmem:s28+$0xD200]  }
0x221: {  	v43 =	vld [tilespmem:s28+$0xD280];
	v41 =	vmul.f32 v34, v33;
	v8 =	vadd.f32 v38, v8  }
0x222: {  	v45 =	vld [tilespmem:s28+$0xD300];
	v3 =	vadd.f32 v3, v3  }
0x223: {  	v48 =	vld [tilespmem:s28+$0xD380];
	v44 =	vmul.f32 v37, v36;
	v8 =	vadd.f32 v41, v8  }
0x224: {  	v50 =	vld [tilespmem:s28+$0xD800];
	v46 =	vadd.f32 v60, v3  }
0x225: {  	v52 =	vld [tilespmem:s28+$0xD880];
	v49 =	vmul.f32 v40, v39;
	v47 =	vadd.f32 v61, v3;
	v8 =	vadd.f32 v44, v8  }
0x226: {  	v53 =	vmul.f32 v43, v42;
	v51 =	vadd.f32 v62, v3  }
0x227: {  	v4 =	vmul.f32 v46, v60;
	v5 =	vmul.f32 v47, v61;
	v8 =	vadd.f32 v49, v8  }
0x228: {  	v56 =	vmul.f32 v48, v45;
	v3 =	vadd.f32 v63, v3  }
0x229: {  	v54 =	vmul.f32 v51, v62;
	v4 =	vadd.f32 v5, v4;
	v55 =	vadd.f32 v53, v8  }
0x22a: {  	v58 =	vmul.f32 v52, v50  }
0x22b: {  	v3 =	vmul.f32 v3, v63;
	v4 =	vadd.f32 v54, v4;
	v57 =	vadd.f32 v56, v55;
	_ =	sdelay $0x1  }
0x22c: {  	v3 =	vadd.f32 v3, v4;
	v59 =	vadd.f32 v58, v57;
	_ =	sdelay $0x1  }
0x22d: {  	v3 =	vmul.f32 $2.083333400e-02, v3;
	v4 =	vmul.f32 $6.250000000e-02, v59;
	_ =	sdelay $0x1  }
0x22e: {  	v3 =	vadd.f32 v4, v3  }
0x22f: {  	s29 =	sadd.s32 $0x12400, s29  }
0x230: {  	[tilespmem:s29+$0x80] =	vst v3  }
0x231: {  	v3 =	vld [tilespmem:s28+$0xD900]  }
0x232: {  	v60 =	vld [tilespmem:s28+$0xD980]  }
0x233: {  	v61 =	vld [tilespmem:s28+$0xDA00]  }
0x234: {  	v62 =	vld [tilespmem:s28+$0xDA80]  }
0x235: {  	v63 =	vld [tilespmem:s28+$0xDB00]  }
0x236: {  	v20 =	vld [tilespmem:s28+$0xDB80]  }
0x237: {  	v21 =	vld [tilespmem:s28+$0xE000]  }
0x238: {  	v22 =	vld [tilespmem:s28+$0xE080]  }
0x239: {  	v23 =	vld [tilespmem:s28+$0xE100]  }
0x23a: {  	v24 =	vld [tilespmem:s28+$0xE180]  }
0x23b: {  	v25 =	vld [tilespmem:s28+$0xE200]  }
0x23c: {  	v26 =	vld [tilespmem:s28+$0xE280]  }
0x23d: {  	v27 =	vld [tilespmem:s28+$0xE300]  }
0x23e: {  	v29 =	vld [tilespmem:s28+$0xE380]  }
0x23f: {  	v30 =	vld [tilespmem:s28+$0xE800];
	v8 =	vmul.f32 v21, v20;
	v28 =	vmul.f32 v23, v22  }
0x240: {  	v32 =	vld [tilespmem:s28+$0xE880]  }
0x241: {  	v33 =	vld [tilespmem:s28+$0xE900];
	v31 =	vmul.f32 v25, v24;
	v8 =	vadd.f32 v28, v8  }
0x242: {  	v35 =	vld [tilespmem:s28+$0xE980]  }
0x243: {  	v36 =	vld [tilespmem:s28+$0xEA00];
	v34 =	vmul.f32 v27, v26;
	v8 =	vadd.f32 v31, v8  }
0x244: {  	v38 =	vld [tilespmem:s28+$0xEA80]  }
0x245: {  	v39 =	vld [tilespmem:s28+$0xEB00];
	v37 =	vmul.f32 v30, v29;
	v8 =	vadd.f32 v34, v8  }
0x246: {  	v41 =	vld [tilespmem:s28+$0xEB80]  }
0x247: {  	v42 =	vld [tilespmem:s28+$0xF000];
	v40 =	vmul.f32 v33, v32;
	v8 =	vadd.f32 v37, v8  }
0x248: {  	v44 =	vld [tilespmem:s28+$0xF080]  }
0x249: {  	v45 =	vld [tilespmem:s28+$0xF100];
	v43 =	vmul.f32 v36, v35;
	v8 =	vadd.f32 v40, v8  }
0x24a: {  	v47 =	vld [tilespmem:s28+$0xF180];
	v3 =	vadd.f32 v3, v3  }
0x24b: {  	v50 =	vld [tilespmem:s28+$0xF200];
	v46 =	vmul.f32 v39, v38;
	v8 =	vadd.f32 v43, v8  }
0x24c: {  	v48 =	vadd.f32 v60, v3  }
0x24d: {  	v52 =	vld [tilespmem:s28+$0xF280];
	v51 =	vmul.f32 v42, v41;
	v49 =	vadd.f32 v61, v3;
	v8 =	vadd.f32 v46, v8  }
0x24e: {  	v54 =	vld [tilespmem:s28+$0xF300];
	v55 =	vmul.f32 v45, v44;
	v53 =	vadd.f32 v62, v3  }
0x24f: {  	v4 =	vmul.f32 v48, v60;
	v5 =	vmul.f32 v49, v61;
	v8 =	vadd.f32 v51, v8  }
0x250: {  	v58 =	vmul.f32 v50, v47;
	v3 =	vadd.f32 v63, v3  }
0x251: {  	v56 =	vmul.f32 v53, v62;
	v4 =	vadd.f32 v5, v4;
	v57 =	vadd.f32 v55, v8  }
0x252: {  	v3 =	vmul.f32 v3, v63  }
0x253: {  	v60 =	vmul.f32 v54, v52;
	v4 =	vadd.f32 v56, v4;
	v59 =	vadd.f32 v58, v57;
	_ =	sdelay $0x1  }
0x254: {  	v3 =	vadd.f32 v3, v4;
	v61 =	vadd.f32 v60, v59;
	_ =	sdelay $0x1  }
0x255: {  	v3 =	vmul.f32 $2.083333400e-02, v3;
	v4 =	vmul.f32 $6.250000000e-02, v61;
	_ =	sdelay $0x1  }
0x256: {  	v3 =	vadd.f32 v4, v3;
	_ =	sdelay $0x1  }
0x257: {  	[tilespmem:s29+$0x100] =	vst v3  }
0x258: {  	v3 =	vld [tilespmem:s28+$0xF380]  }
0x259: {  	v62 =	vld [tilespmem:s28+$0xF800]  }
0x25a: {  	v63 =	vld [tilespmem:s28+$0xF880]  }
0x25b: {  	v20 =	vld [tilespmem:s28+$0xF900]  }
0x25c: {  	v21 =	vld [tilespmem:s28+$0xF980]  }
0x25d: {  	v22 =	vld [tilespmem:s28+$0xFA00]  }
0x25e: {  	v23 =	vld [tilespmem:s28+$0xFA80]  }
0x25f: {  	v24 =	vld [tilespmem:s28+$0xFB00]  }
0x260: {  	v25 =	vld [tilespmem:s28+$0xFB80]  }
0x261: {  	v26 =	vld [tilespmem:s28+$0x10000]  }
0x262: {  	v27 =	vld [tilespmem:s28+$0x10080]  }
0x263: {  	v28 =	vld [tilespmem:s28+$0x10100]  }
0x264: {  	v29 =	vld [tilespmem:s28+$0x10180]  }
0x265: {  	v31 =	vld [tilespmem:s28+$0x10200]  }
0x266: {  	v32 =	vld [tilespmem:s28+$0x10280];
	v8 =	vmul.f32 v23, v22;
	v30 =	vmul.f32 v25, v24  }
0x267: {  	v34 =	vld [tilespmem:s28+$0x10300]  }
0x268: {  	v35 =	vld [tilespmem:s28+$0x10380];
	v33 =	vmul.f32 v27, v26;
	v8 =	vadd.f32 v30, v8  }
0x269: {  	v37 =	vld [tilespmem:s28+$0x10800]  }
0x26a: {  	v38 =	vld [tilespmem:s28+$0x10880];
	v36 =	vmul.f32 v29, v28;
	v8 =	vadd.f32 v33, v8  }
0x26b: {  	v40 =	vld [tilespmem:s28+$0x10900]  }
0x26c: {  	v41 =	vld [tilespmem:s28+$0x10980];
	v39 =	vmul.f32 v32, v31;
	v8 =	vadd.f32 v36, v8  }
0x26d: {  	v43 =	vld [tilespmem:s28+$0x10A00]  }
0x26e: {  	v44 =	vld [tilespmem:s28+$0x10A80];
	v42 =	vmul.f32 v35, v34;
	v8 =	vadd.f32 v39, v8  }
0x26f: {  	v46 =	vld [tilespmem:s28+$0x10B00]  }
0x270: {  	v47 =	vld [tilespmem:s28+$0x10B80];
	v45 =	vmul.f32 v38, v37;
	v8 =	vadd.f32 v42, v8  }
0x271: {  	v49 =	vld [tilespmem:s28+$0x11000];
	v3 =	vadd.f32 v3, v3  }
0x272: {  	v52 =	vld [tilespmem:s28+$0x11080];
	v48 =	vmul.f32 v41, v40;
	v8 =	vadd.f32 v45, v8  }
0x273: {  	v50 =	vadd.f32 v62, v3  }
0x274: {  	v54 =	vld [tilespmem:s28+$0x11100];
	v53 =	vmul.f32 v44, v43;
	v51 =	vadd.f32 v63, v3;
	v8 =	vadd.f32 v48, v8  }
0x275: {  	v56 =	vld [tilespmem:s28+$0x11180];
	v57 =	vmul.f32 v47, v46;
	v55 =	vadd.f32 v20, v3  }
0x276: {  	v4 =	vmul.f32 v50, v62;
	v5 =	vmul.f32 v51, v63;
	v8 =	vadd.f32 v53, v8  }
0x277: {  	v60 =	vmul.f32 v52, v49;
	v3 =	vadd.f32 v21, v3  }
0x278: {  	v58 =	vmul.f32 v55, v20;
	v4 =	vadd.f32 v5, v4;
	v59 =	vadd.f32 v57, v8  }
0x279: {  	v3 =	vmul.f32 v3, v21  }
0x27a: {  	v62 =	vmul.f32 v56, v54;
	v4 =	vadd.f32 v58, v4;
	v61 =	vadd.f32 v60, v59;
	_ =	sdelay $0x1  }
0x27b: {  	v3 =	vadd.f32 v3, v4;
	v63 =	vadd.f32 v62, v61  }
0x27c: {  	p1 =	sne.s32 s26, $0xF  }
.Ltmp3:
0x27d: {  	v3 =	vmul.f32 $2.083333400e-02, v3;
	v4 =	vmul.f32 $6.250000000e-02, v63;
	(pc) =	sbr.rel @p1 .LBB2_5-.Ltmp3, $3  }
0x27e: {  	_ = 	snop  }
0x27f: {  	v3 =	vadd.f32 v4, v3;
	_ =	sdelay $0x1  }
0x280: {  	s3 =	sadd.s32 $0x10, s3;
	s26 =	sadd.s32 $0x1, s26;
	[tilespmem:s29+$0x180] =	vst v3  }
.Ltmp4:
0x281: {  	(pc) =	sbr.rel @p0 .LBB2_8-.Ltmp4, $3  }
0x282: {  	_ =	sdelay $0x1  }
0x283: {  	s3 =	sadd.s32 s8, s7  }
0x284: {  	[hbm4b:s3+s20] =	stream.strided.scatter [tilespmem:s24], [sflag:$0x4], $0x400, s21, s20, $0x38;
	[tilespmem:$0x12800] =	vst v63  }
0x285: {  	s3 =	sshrl.u32 s25, $0x2  }
0x286: {  	v3 =	vld [tilespmem:s3+$0x180];
	_ =	sdelay $0x4  }
0x287: {  	v4 =	vshll.u32 v3, $0x1  }
0x288: {  	v3 =	vand.u32 $0x7, v3;
	v4 =	vand.u32 $0xFFFFFFF0, v4  }
0x289: {  	v3 =	vor.u32 v3, v4  }
0x28a: {  	v4 =	vperm.xlane v3, v0;
	_ =	sdelay $0x1  }
0x28b: {  	v3 =	vperm.xlane v3, v2;
	v4 =	vadd.s32 v1, v4;
	_ =	sdelay $0x1  }
0x28c: {  	v3 =	vadd.s32 v1, v3;
	_ =	sdelay $0x1  }
0x28d: {  	s8 =	simm.s32 $0xA000  }
0x28e: {  	[tilespmem:s8], [sflag:$0x2] =	stream.indirect_vreg.gather [hbm4b:s1+s4], $0x80, v4, vm0, $0xb8;
	[tilespmem:$0x12800] =	vst v63  }
0x28f: {  	s28 =	simm.s32 $0xA800  }
0x290: {  	[tilespmem:s28], [sflag:$0x2] =	stream.indirect_vreg.gather [hbm4b:s1+s4], $0x80, v3, vm0, $0xb8;
	[tilespmem:$0x12800] =	vst v63  }
0x291: {  	v3 =	vld [tilespmem:s3+$0x190];
	_ =	sdelay $0x4  }
0x292: {  	v57 =	vshll.u32 v3, $0x1  }
0x293: {  	v3 =	vand.u32 $0x7, v3;
	v4 =	vand.u32 $0xFFFFFFF0, v57  }
0x294: {  	v3 =	vor.u32 v3, v4  }
0x295: {  	v4 =	vperm.xlane v3, v0;
	_ =	sdelay $0x1  }
0x296: {  	v3 =	vperm.xlane v3, v2;
	v4 =	vadd.s32 v1, v4;
	_ =	sdelay $0x1  }
0x297: {  	v3 =	vadd.s32 v1, v3;
	_ =	sdelay $0x1  }
0x298: {  	s29 =	simm.s32 $0xB000  }
0x299: {  	[tilespmem:s29], [sflag:$0x2] =	stream.indirect_vreg.gather [hbm4b:s1+s4], $0x80, v4, vm0, $0xb8;
	[tilespmem:$0x12800] =	vst v63  }
0x29a: {  	s30 =	simm.s32 $0xB800  }
0x29b: {  	[tilespmem:s30], [sflag:$0x2] =	stream.indirect_vreg.gather [hbm4b:s1+s4], $0x80, v3, vm0, $0xb8;
	[tilespmem:$0x12800] =	vst v63  }
0x29c: {  	v3 =	vld [tilespmem:s3+$0x1A0];
	_ =	sdelay $0x4  }
0x29d: {  	v58 =	vshll.u32 v3, $0x1  }
0x29e: {  	v3 =	vand.u32 $0x7, v3;
	v4 =	vand.u32 $0xFFFFFFF0, v58  }
0x29f: {  	v3 =	vor.u32 v3, v4  }
0x2a0: {  	v4 =	vperm.xlane v3, v0;
	_ =	sdelay $0x1  }
0x2a1: {  	v3 =	vperm.xlane v3, v2;
	v4 =	vadd.s32 v1, v4;
	_ =	sdelay $0x1  }
0x2a2: {  	v3 =	vadd.s32 v1, v3;
	_ =	sdelay $0x2  }
0x2a3: {  	[tilespmem:s31], [sflag:$0x2] =	stream.indirect_vreg.gather [hbm4b:s1+s4], $0x80, v4, vm0, $0xb8;
	[tilespmem:$0x12800] =	vst v63  }
0x2a4: {  	_ = 	snop  }
0x2a5: {  	[tilespmem:s0], [sflag:$0x2] =	stream.indirect_vreg.gather [hbm4b:s1+s4], $0x80, v3, vm0, $0xb8;
	[tilespmem:$0x12800] =	vst v63  }
0x2a6: {  	v3 =	vld [tilespmem:s3+$0x1B0];
	_ =	sdelay $0x4  }
0x2a7: {  	v59 =	vshll.u32 v3, $0x1  }
0x2a8: {  	v3 =	vand.u32 $0x7, v3;
	v4 =	vand.u32 $0xFFFFFFF0, v59  }
0x2a9: {  	v3 =	vor.u32 v3, v4  }
0x2aa: {  	v4 =	vperm.xlane v3, v0;
	_ =	sdelay $0x1  }
0x2ab: {  	v3 =	vperm.xlane v3, v2;
	v4 =	vadd.s32 v1, v4;
	_ =	sdelay $0x1  }
0x2ac: {  	v3 =	vadd.s32 v1, v3;
	_ =	sdelay $0x2  }
0x2ad: {  	[tilespmem:s2], [sflag:$0x2] =	stream.indirect_vreg.gather [hbm4b:s1+s4], $0x80, v4, vm0, $0xb8;
	[tilespmem:$0x12800] =	vst v63  }
0x2ae: {  	_ = 	snop  }
0x2af: {  	[tilespmem:s10], [sflag:$0x2] =	stream.indirect_vreg.gather [hbm4b:s1+s4], $0x80, v3, vm0, $0xb8;
	[tilespmem:$0x12800] =	vst v63  }
0x2b0: {  	v3 =	vld [tilespmem:s3+$0x1C0];
	_ =	sdelay $0x4  }
0x2b1: {  	v60 =	vshll.u32 v3, $0x1  }
0x2b2: {  	v3 =	vand.u32 $0x7, v3;
	v4 =	vand.u32 $0xFFFFFFF0, v60  }
0x2b3: {  	v3 =	vor.u32 v3, v4  }
0x2b4: {  	v4 =	vperm.xlane v3, v0;
	_ =	sdelay $0x1  }
0x2b5: {  	v3 =	vperm.xlane v3, v2;
	v4 =	vadd.s32 v1, v4;
	_ =	sdelay $0x1  }
0x2b6: {  	v3 =	vadd.s32 v1, v3;
	_ =	sdelay $0x2  }
0x2b7: {  	[tilespmem:s11], [sflag:$0x2] =	stream.indirect_vreg.gather [hbm4b:s1+s4], $0x80, v4, vm0, $0xb8;
	[tilespmem:$0x12800] =	vst v63  }
0x2b8: {  	_ = 	snop  }
0x2b9: {  	[tilespmem:s12], [sflag:$0x2] =	stream.indirect_vreg.gather [hbm4b:s1+s4], $0x80, v3, vm0, $0xb8;
	[tilespmem:$0x12800] =	vst v63  }
0x2ba: {  	v3 =	vld [tilespmem:s3+$0x1D0];
	_ =	sdelay $0x4  }
0x2bb: {  	v61 =	vshll.u32 v3, $0x1  }
0x2bc: {  	v3 =	vand.u32 $0x7, v3;
	v4 =	vand.u32 $0xFFFFFFF0, v61  }
0x2bd: {  	v3 =	vor.u32 v3, v4  }
0x2be: {  	v4 =	vperm.xlane v3, v0;
	_ =	sdelay $0x1  }
0x2bf: {  	v3 =	vperm.xlane v3, v2;
	v4 =	vadd.s32 v1, v4;
	_ =	sdelay $0x1  }
0x2c0: {  	v3 =	vadd.s32 v1, v3;
	_ =	sdelay $0x2  }
0x2c1: {  	[tilespmem:s13], [sflag:$0x2] =	stream.indirect_vreg.gather [hbm4b:s1+s4], $0x80, v4, vm0, $0xb8;
	[tilespmem:$0x12800] =	vst v63  }
0x2c2: {  	_ = 	snop  }
0x2c3: {  	[tilespmem:s14], [sflag:$0x2] =	stream.indirect_vreg.gather [hbm4b:s1+s4], $0x80, v3, vm0, $0xb8;
	[tilespmem:$0x12800] =	vst v63  }
0x2c4: {  	v3 =	vld [tilespmem:s3+$0x1E0];
	_ =	sdelay $0x4  }
0x2c5: {  	v62 =	vshll.u32 v3, $0x1  }
0x2c6: {  	v3 =	vand.u32 $0x7, v3;
	v4 =	vand.u32 $0xFFFFFFF0, v62  }
0x2c7: {  	v3 =	vor.u32 v3, v4  }
0x2c8: {  	v4 =	vperm.xlane v3, v0;
	_ =	sdelay $0x1  }
0x2c9: {  	v3 =	vperm.xlane v3, v2;
	v4 =	vadd.s32 v1, v4;
	_ =	sdelay $0x1  }
0x2ca: {  	v3 =	vadd.s32 v1, v3;
	_ =	sdelay $0x2  }
0x2cb: {  	[tilespmem:s15], [sflag:$0x2] =	stream.indirect_vreg.gather [hbm4b:s1+s4], $0x80, v4, vm0, $0xb8;
	[tilespmem:$0x12800] =	vst v63  }
0x2cc: {  	_ = 	snop  }
0x2cd: {  	[tilespmem:s16], [sflag:$0x2] =	stream.indirect_vreg.gather [hbm4b:s1+s4], $0x80, v3, vm0, $0xb8;
	[tilespmem:$0x12800] =	vst v63  }
0x2ce: {  	v3 =	vld [tilespmem:s3+$0x1F0];
	_ =	sdelay $0x4  }
0x2cf: {  	v63 =	vshll.u32 v3, $0x1  }
0x2d0: {  	v3 =	vand.u32 $0x7, v3;
	v4 =	vand.u32 $0xFFFFFFF0, v63  }
0x2d1: {  	v3 =	vor.u32 v3, v4  }
0x2d2: {  	v4 =	vperm.xlane v3, v0;
	_ =	sdelay $0x1  }
0x2d3: {  	v3 =	vperm.xlane v3, v2;
	v4 =	vadd.s32 v1, v4;
	_ =	sdelay $0x1  }
0x2d4: {  	v3 =	vadd.s32 v1, v3  }
.Ltmp5:
0x2d5: {  	_ = 	snop;
	(pc) =	sbr.rel .LBB2_2-.Ltmp5, $4  }
0x2d6: {  	_ = 	snop  }
0x2d7: {  	[tilespmem:s17], [sflag:$0x2] =	stream.indirect_vreg.gather [hbm4b:s1+s4], $0x80, v4, vm0, $0xb8;
	[tilespmem:$0x12800] =	vst v63  }
0x2d8: {  	s9 =	sadd.s32 $0x1, s9  }
0x2d9: {  	[tilespmem:s18], [sflag:$0x2] =	stream.indirect_vreg.gather [hbm4b:s1+s4], $0x80, v3, vm0, $0xb8;
	[tilespmem:$0x12800] =	vst v63  }
.LBB2_9:
0x2da: {  	_ =	sfence.sel $0x180000  }
0x2db: {  	[bflag:$0x0] =	sbarrier.arrive $0xFFFF  }
0x2dc: {  	_ =	strace $0x90000047  }
0x2dd: {  	s0 =	stileid.u32;
	[bflag:$0x2] =	sbarrier.arrive $0xFFFF  }
0x2de: {  	p0 =	sne.s32 s0, $0x0;
	s0 =	rddreg [dreg:$0x3]  }
0x2df: {  	s0 =	sadd.s32 @!p0 $0x100000, s0  }
0x2e0: {  	[sflag:s0] =	ssyncadd.tile.s32 @!p0 $0x1;
	_ =	shalt  }
.Lfunc_end2:
_tile_overlayer_lowered:
.L_overlay_start_2:
0x2e1: {  	(tag) =	ssettag $0x2  }
0x2e2: {  	s0 =	rddreg [dreg:$0x0];
	s2 =	stileid.u32  }
0x2e3: {  	s1 =	rddreg [dreg:$0x1];
	p0 =	sne.s32 s2, $0x0  }
0x2e4: {  	s3 =	rddreg [dreg:$0x2];
	[bflag:$0x3] =	sbarrier.arrive $0xFFFF;
	s2 =	simm.s32 @!p0 $0x1C05  }
0x2e5: {  	[timem:s3], [sflag:s2] =	dma.local @!p0 [hbm:s0], s1  }
0x2e6: {  	s0 =	simm.s32 @!p0 $0x5  }
0x2e7: {  	_ =	swait.ge @!p0 [sflag:s0], s1  }
0x2e8: {  	s1 =	ssub.s32 @!p0 $0x0, s1;
	[sflag:s0] =	ssyncset.done @!p0 $0x0  }
0x2e9: {  	[sflag:s0] =	ssyncadd.s32 @!p0 s1  }
0x2ea: {  	[bflag:$0x3] =	sbarrier.arrive $0xFFFF  }
0x2eb: {  	_ =	shalt  }

</sc_bundles>
